<compile_context>
chip_gen: v7x
topology: tpu7x:2x2x1
jax: 0.10.2.dev20260603
libtpu: 0.0.44.dev20260713+nightly
codegen_flags: <defaults>
</compile_context>

<pallas_src>
import functools

import jax
import jax.numpy as jnp
from jax import lax
from jax.experimental import pallas as pl
from jax.experimental.pallas import tpu as pltpu
from jax.experimental.pallas import tpu_sc as plsc

N = 10000
E = 160000
D = 256
DC = 64
NCH = 2
NQ = 4
NC = 2
NS = 16
EPT = E // NS
B = 125
G = EPT // B
DEGW = 16
NP = 10000
RPT = NP // NS
ZR = 125


@functools.cache
def _mesh():
    return plsc.VectorSubcoreMesh(core_axis_name="c", subcore_axis_name="s",
                                  num_cores=NC, num_subcores=NS)


NBUF = 5


def _sc_agg_body(with_deg, xs_hbm, src_hbm, dst_hbm, za_hbm, zd_hbm, on_hbm,
                 agg_hbm, deg_hbm, src_v, dst_v, *rest):
    rows = rest[:NBUF]
    ones_v, agg_s, deg_s = rest[NBUF:NBUF + 3]
    sg = rest[NBUF + 3:2 * NBUF + 3]
    ss = rest[2 * NBUF + 3:3 * NBUF + 3]
    sd = rest[3 * NBUF + 3]
    c = lax.axis_index("c")
    s = lax.axis_index("s")

    pltpu.sync_copy(dst_hbm.at[s], dst_v)
    if with_deg:
        @pl.when(c == 0)
        def _():
            pltpu.sync_copy(zd_hbm, deg_s.at[pl.ds(s * RPT, RPT)])
            pltpu.sync_copy(on_hbm, ones_v)

    def gather(g, rows, sem):
        return pltpu.make_async_copy(xs_hbm.at[src_v.at[g]], rows, sem)

    def scatter(g, rows, sem):
        return pltpu.make_async_copy(rows, agg_s.at[dst_v.at[g]], sem)

    for ch in range(NCH):
        q = NCH * c + ch
        pltpu.sync_copy(src_hbm.at[q * NS + s], src_v)

        deg_pass = with_deg and ch == 0

        def deg_add(g):
            return pltpu.make_async_copy(ones_v, deg_s.at[dst_v.at[g]], sd)

        for k in range(NBUF):
            gather(k, rows[k], sg[k]).start()

        if ch > 0:
            pltpu.sync_copy(agg_s.at[pl.ds(s * RPT, RPT)],
                            agg_hbm.at[c, pl.ds(s * RPT, RPT),
                                       pl.ds((ch - 1) * DC, DC)])
        for j in range(RPT // ZR):
            pltpu.sync_copy(za_hbm, agg_s.at[pl.ds(s * RPT + j * ZR, ZR)])
        plsc.subcore_barrier()

        def stage(i, _, deg_pass=deg_pass):
            base = NBUF * i
            for k in range(NBUF):
                g = base + k
                gather(g, rows[k], sg[k]).wait()
                scatter(g, rows[k], ss[k]).start(add=True)
            if deg_pass:
                @pl.when(c == 0)
                def _():
                    @pl.when(i > 0)
                    def _():
                        for k in range(NBUF):
                            deg_add(base + k).wait()
                    for k in range(NBUF):
                        deg_add(base + k).start(add=True)

            @pl.when(i + 1 < G // NBUF)
            def _():
                for k in range(NBUF):
                    scatter(base + k, rows[k], ss[k]).wait()
                    gather(base + NBUF + k, rows[k], sg[k]).start()
            return _

        lax.fori_loop(0, G // NBUF, stage, None)
        for k in range(NBUF):
            scatter(G - NBUF + k, rows[k], ss[k]).wait()
        if deg_pass:
            @pl.when(c == 0)
            def _():
                for k in range(NBUF):
                    deg_add(0).wait()
        plsc.subcore_barrier()

    pltpu.sync_copy(agg_s.at[pl.ds(s * RPT, RPT)],
                    agg_hbm.at[c, pl.ds(s * RPT, RPT),
                               pl.ds((NCH - 1) * DC, DC)])
    if with_deg:
        @pl.when(jnp.logical_and(c == 0, s == 0))
        def _():
            pltpu.sync_copy(deg_s.at[pl.ds(0, N)], deg_hbm)


@functools.cache
def _make_sc_agg(with_deg):
    out_type = [jax.ShapeDtypeStruct((NC, NP, NCH * DC), jnp.float32)]
    if with_deg:
        out_type.append(jax.ShapeDtypeStruct((N, DEGW), jnp.float32))
    scratch = (
        [pltpu.VMEM((G, B), jnp.int32)] * 2
        + [pltpu.VMEM((B, DC), jnp.float32)] * NBUF
        + [pltpu.VMEM((B, DEGW), jnp.float32)]
        + [pltpu.VMEM_SHARED((NP, DC), jnp.float32)]
        + [pltpu.VMEM_SHARED((NP, DEGW), jnp.float32)]
        + [pltpu.SemaphoreType.DMA] * (2 * NBUF + 1)
    )

    def body(*refs):
        if with_deg:
            (xs, src, dst, za, zd, on, agg, deg, *rest) = refs
        else:
            (xs, src, dst, za, zd, on, agg, *rest) = refs
            deg = None
        _sc_agg_body(with_deg, xs, src, dst, za, zd, on, agg, deg, *rest)

    return pl.kernel(body, out_type=out_type, mesh=_mesh(),
                     scratch_types=scratch,
                     compiler_params=pltpu.CompilerParams(
                         use_tc_tiling_on_sc=False),
                     name="sc_agg_deg" if with_deg else "sc_agg")


RB = 2000


def _neigh_term(agg_ref, wn_ref):
    r = None
    for cc in range(NC):
        blk = agg_ref[cc]
        for ch in range(NCH):
            q = NCH * cc + ch
            t = jnp.dot(blk[:, ch * DC:(ch + 1) * DC],
                        wn_ref[q * DC:(q + 1) * DC, :],
                        preferred_element_type=jnp.float32)
            r = t if r is None else r + t
    return r


def _tc_self_body(x_ref, ws_ref, b_ref, t_ref):
    t_ref[...] = (jnp.dot(x_ref[...], ws_ref[...],
                          preferred_element_type=jnp.float32)
                  + b_ref[...][None, :])


def _tc_combine1_body(t_ref, agg_ref, deg_ref, wn_ref, h_ref):
    r = _neigh_term(agg_ref, wn_ref)
    deg = jnp.maximum(deg_ref[:, 0:1], 1.0)
    h_ref[...] = jnp.maximum(t_ref[...] + r / deg, 0.0)


def _tc_combine2_body(t_ref, agg_ref, deg_ref, wn_ref, out_ref):
    r = _neigh_term(agg_ref, wn_ref)
    deg = jnp.maximum(deg_ref[:, 0:1], 1.0)
    z = t_ref[...] + r / deg
    m = jnp.max(z, axis=1, keepdims=True)
    zm = z - m
    out_ref[...] = zm - jnp.log(jnp.sum(jnp.exp(zm), axis=1, keepdims=True))


def _tc_self(x, Ws, b, name):
    return pl.pallas_call(
        _tc_self_body,
        grid=(N // RB,),
        in_specs=[
            pl.BlockSpec((RB, D), lambda i: (i, 0)),
            pl.BlockSpec((D, D), lambda i: (0, 0)),
            pl.BlockSpec((D,), lambda i: (0,)),
        ],
        out_specs=pl.BlockSpec((RB, D), lambda i: (i, 0)),
        out_shape=jax.ShapeDtypeStruct((N, D), jnp.float32),
        name=name,
    )(x, Ws, b)


def _tc_combine(body, t, agg4, deg16, Wn, name):
    return pl.pallas_call(
        body,
        grid=(N // RB,),
        in_specs=[
            pl.BlockSpec((RB, D), lambda i: (i, 0)),
            pl.BlockSpec((NC, RB, NCH * DC), lambda i: (0, i, 0)),
            pl.BlockSpec((RB, DEGW), lambda i: (i, 0)),
            pl.BlockSpec((D, D), lambda i: (0, 0)),
        ],
        out_specs=pl.BlockSpec((RB, D), lambda i: (i, 0)),
        out_shape=jax.ShapeDtypeStruct((N, D), jnp.float32),
        name=name,
    )(t, agg4, deg16, Wn)


def kernel(x, W_self1, W_neigh1, b1, W_self2, W_neigh2, b2, edge_index):
    src = edge_index[0].astype(jnp.int32)
    dst = edge_index[1].astype(jnp.int32)
    srcr = src.reshape(NS, G, B)
    src4 = jnp.concatenate([srcr * NQ + q for q in range(NQ)], axis=0)
    dstr = dst.reshape(NS, G, B)
    xsplit = x.reshape(NQ * N, DC)

    zeros_a = jnp.zeros((ZR, DC), jnp.float32)
    zeros_d = jnp.zeros((RPT, DEGW), jnp.float32)
    ones_d = jnp.ones((B, DEGW), jnp.float32)

    agg1, deg16 = _make_sc_agg(True)(xsplit, src4, dstr, zeros_a, zeros_d,
                                     ones_d)
    t1 = _tc_self(x, W_self1, b1, "tc_self1")
    h = _tc_combine(_tc_combine1_body, t1, agg1, deg16,
                    W_neigh1, "tc_combine1")
    (agg2,) = _make_sc_agg(False)(h.reshape(NQ * N, DC), src4, dstr,
                                  zeros_a, zeros_d, ones_d)
    t2 = _tc_self(h, W_self2, b2, "tc_self2")
    return _tc_combine(_tc_combine2_body, t2, agg2,
                       deg16, W_neigh2, "tc_combine2")

# --- scband reference (transcript-rebuilt; emitter-appended) ---
"""Pipeline reference for scband-graph-sagemodel-18562848653526 (READ-ONLY COPY).

The authoritative reference and input builder live on the scoring server;
editing this copy changes nothing except your own understanding.
"""

import jax, jax.numpy as jnp
import numpy as np

N_NODES = 10000
N_EDGES = 160000
D_IN = 256
D_HID = 256
D_OUT = 256


def setup_inputs(seed: int = 0) -> dict:
    key = jax.random.key(seed)
    ks = jax.random.split(key, 8)
    x = jax.random.normal(ks[0], (N_NODES, D_IN), dtype=jnp.float32)
    edge_index = jax.random.randint(ks[1], (2, N_EDGES), 0, N_NODES, dtype=jnp.int64)
    s1 = 1.0 / np.sqrt(D_IN)
    s2 = 1.0 / np.sqrt(D_HID)
    W_self1 = jax.random.uniform(ks[2], (D_IN, D_HID), dtype=jnp.float32, minval=-s1, maxval=s1)
    W_neigh1 = jax.random.uniform(ks[3], (D_IN, D_HID), dtype=jnp.float32, minval=-s1, maxval=s1)
    b1 = jnp.zeros((D_HID,), dtype=jnp.float32)
    W_self2 = jax.random.uniform(ks[4], (D_HID, D_OUT), dtype=jnp.float32, minval=-s2, maxval=s2)
    W_neigh2 = jax.random.uniform(ks[5], (D_HID, D_OUT), dtype=jnp.float32, minval=-s2, maxval=s2)
    b2 = jnp.zeros((D_OUT,), dtype=jnp.float32)
    return {
        "x": x,
        "W_self1": W_self1,
        "W_neigh1": W_neigh1,
        "b1": b1,
        "W_self2": W_self2,
        "W_neigh2": W_neigh2,
        "b2": b2,
        "edge_index": edge_index,
    }


def _sage_conv_mean(x, edge_index, W_self, W_neigh, b):
    # DGL SAGEConv with 'mean' aggregator:
    #   h_neigh[v] = mean_{u in N(v)} x[u]
    #   out[v]     = x[v] @ W_self + h_neigh[v] @ W_neigh + b
    src = edge_index[0]
    dst = edge_index[1]
    msgs = jnp.take(x, src, axis=0)
    agg = jax.ops.segment_sum(msgs, dst, num_segments=N_NODES)
    deg = jax.ops.segment_sum(jnp.ones((src.shape[0],), dtype=x.dtype), dst, num_segments=N_NODES)
    deg = jnp.clip(deg, 1.0, None)
    h_neigh = agg / deg[:, None]
    return x @ W_self + h_neigh @ W_neigh + b


def reference(x, W_self1, W_neigh1, b1, W_self2, W_neigh2, b2, edge_index):
    h = _sage_conv_mean(x, edge_index, W_self1, W_neigh1, b1)
    h = jax.nn.relu(h)
    out = _sage_conv_mean(h, edge_index, W_self2, W_neigh2, b2)
    return jax.nn.log_softmax(out, axis=1)

if __name__ == "__main__":
    import jax
    _d = setup_inputs()
    print(jax.jit(kernel)(*tuple(_d.values())))

</pallas_src>

<mosaic_0001>
#map = affine_map<(d0, d1) -> (0, 0)>
#map1 = affine_map<(d0, d1) -> (0, 0, 0)>
module attributes {stable_mosaic.version = 14 : i64} {
  func.func @sc_agg(%arg0: i32, %arg1: i32, %arg2: memref<40000x64xf32, #tpu.memory_space<hbm>>, %arg3: memref<64x80x125xi32, #tpu.memory_space<hbm>>, %arg4: memref<16x80x125xi32, #tpu.memory_space<hbm>>, %arg5: memref<125x64xf32, #tpu.memory_space<hbm>>, %arg6: memref<625x16xf32, #tpu.memory_space<hbm>>, %arg7: memref<125x16xf32, #tpu.memory_space<hbm>>, %arg8: memref<2x10000x128xf32, #tpu.memory_space<hbm>>, %arg9: memref<80x125xi32, #tpu.memory_space<vmem>>, %arg10: memref<80x125xi32, #tpu.memory_space<vmem>>, %arg11: memref<125x64xf32, #tpu.memory_space<vmem>>, %arg12: memref<125x64xf32, #tpu.memory_space<vmem>>, %arg13: memref<125x64xf32, #tpu.memory_space<vmem>>, %arg14: memref<125x64xf32, #tpu.memory_space<vmem>>, %arg15: memref<125x64xf32, #tpu.memory_space<vmem>>, %arg16: memref<125x16xf32, #tpu.memory_space<vmem>>, %arg17: memref<10000x64xf32, #tpu.memory_space<vmem_shared>>, %arg18: memref<10000x16xf32, #tpu.memory_space<vmem_shared>>, %arg19: memref<!tpu.dma_semaphore, #tpu.memory_space<semaphore_mem>>, %arg20: memref<!tpu.dma_semaphore, #tpu.memory_space<semaphore_mem>>, %arg21: memref<!tpu.dma_semaphore, #tpu.memory_space<semaphore_mem>>, %arg22: memref<!tpu.dma_semaphore, #tpu.memory_space<semaphore_mem>>, %arg23: memref<!tpu.dma_semaphore, #tpu.memory_space<semaphore_mem>>, %arg24: memref<!tpu.dma_semaphore, #tpu.memory_space<semaphore_mem>>, %arg25: memref<!tpu.dma_semaphore, #tpu.memory_space<semaphore_mem>>, %arg26: memref<!tpu.dma_semaphore, #tpu.memory_space<semaphore_mem>>, %arg27: memref<!tpu.dma_semaphore, #tpu.memory_space<semaphore_mem>>, %arg28: memref<!tpu.dma_semaphore, #tpu.memory_space<semaphore_mem>>, %arg29: memref<!tpu.dma_semaphore, #tpu.memory_space<semaphore_mem>>) attributes {dimension_semantics = [#tpu.dimension_semantics<core_parallel>, #tpu.dimension_semantics<subcore_parallel>], iteration_bounds = array<i64: 2, 16>, scalar_prefetch = 0 : i64, scratch_operands = 21 : i64, tpu.core_type = #tpu.core_type<sc_vector_subcore>, window_params = [{transform_indices = #map}, {transform_indices = #map1}, {transform_indices = #map1}, {transform_indices = #map}, {transform_indices = #map}, {transform_indices = #map}, {transform_indices = #map1}]} {
    "tpu.region"() ({
      %run_scoped3A = tpu.sem_alloc : memref<!tpu.dma_semaphore, #tpu.memory_space<semaphore_mem>>
      %dma_start3A_210 = arith.constant 0 : i32
      %dma_start3A_211 = arith.constant 0 : i32
      %dma_start3A_212 = tpu.memref_slice %arg4[%arg1, %dma_start3A_210, %dma_start3A_211] : memref<16x80x125xi32, #tpu.memory_space<hbm>> -> memref<1x80x125xi32, #tpu.memory_space<hbm>>
      %dma_start3A_213 = tpu.memref_squeeze %dma_start3A_212 : memref<1x80x125xi32, #tpu.memory_space<hbm>> -> memref<80x125xi32, #tpu.memory_space<hbm>>
      %dma_start3A_214 = arith.constant 0 : i32
      %dma_start3A_215 = arith.constant 0 : i32
      %dma_start3A_216 = tpu.memref_slice %arg4[%arg1, %dma_start3A_214, %dma_start3A_215] : memref<16x80x125xi32, #tpu.memory_space<hbm>> -> memref<1x80x125xi32, #tpu.memory_space<hbm>>
      %dma_start3A_217 = tpu.memref_squeeze %dma_start3A_216 : memref<1x80x125xi32, #tpu.memory_space<hbm>> -> memref<80x125xi32, #tpu.memory_space<hbm>>
      tpu.enqueue_dma source(%dma_start3A_217 : memref<80x125xi32, #tpu.memory_space<hbm>>) target(%arg10 : memref<80x125xi32, #tpu.memory_space<vmem>>) target_semaphore(%run_scoped3A : memref<!tpu.dma_semaphore, #tpu.memory_space<semaphore_mem>>)
      %dma_wait3A_218 = arith.constant 0 : i32
      %dma_wait3A_219 = arith.constant 0 : i32
      %dma_wait3A_220 = tpu.memref_slice %arg4[%arg1, %dma_wait3A_218, %dma_wait3A_219] : memref<16x80x125xi32, #tpu.memory_space<hbm>> -> memref<1x80x125xi32, #tpu.memory_space<hbm>>
      %dma_wait3A_221 = tpu.memref_squeeze %dma_wait3A_220 : memref<1x80x125xi32, #tpu.memory_space<hbm>> -> memref<80x125xi32, #tpu.memory_space<hbm>>
      %dma_wait3A_222 = arith.constant 0 : i32
      %dma_wait3A_223 = arith.constant 0 : i32
      %dma_wait3A_224 = tpu.memref_slice %arg4[%arg1, %dma_wait3A_222, %dma_wait3A_223] : memref<16x80x125xi32, #tpu.memory_space<hbm>> -> memref<1x80x125xi32, #tpu.memory_space<hbm>>
      %dma_wait3A_225 = tpu.memref_squeeze %dma_wait3A_224 : memref<1x80x125xi32, #tpu.memory_space<hbm>> -> memref<80x125xi32, #tpu.memory_space<hbm>>
      tpu.wait_dma2 semaphore(%run_scoped3A : memref<!tpu.dma_semaphore, #tpu.memory_space<semaphore_mem>>) src(%dma_wait3A_225 : memref<80x125xi32, #tpu.memory_space<hbm>>) dst(%arg10 : memref<80x125xi32, #tpu.memory_space<vmem>>)
      tpu.yield
    }) : () -> ()
    %mul3A = arith.constant 2 : i32
    %mul3A_0 = arith.muli %mul3A, %arg0 : i32
    %add3A = arith.constant 0 : i32
    %add3A_1 = arith.addi %mul3A_0, %add3A : i32
    %mul3A_2 = arith.constant 16 : i32
    %mul3A_3 = arith.muli %add3A_1, %mul3A_2 : i32
    %add3A_4 = arith.addi %mul3A_3, %arg1 : i32
    "tpu.region"() ({
      %run_scoped3A = tpu.sem_alloc : memref<!tpu.dma_semaphore, #tpu.memory_space<semaphore_mem>>
      %dma_start3A_210 = arith.constant 0 : i32
      %dma_start3A_211 = arith.constant 0 : i32
      %dma_start3A_212 = tpu.memref_slice %arg3[%add3A_4, %dma_start3A_210, %dma_start3A_211] : memref<64x80x125xi32, #tpu.memory_space<hbm>> -> memref<1x80x125xi32, #tpu.memory_space<hbm>>
      %dma_start3A_213 = tpu.memref_squeeze %dma_start3A_212 : memref<1x80x125xi32, #tpu.memory_space<hbm>> -> memref<80x125xi32, #tpu.memory_space<hbm>>
      %dma_start3A_214 = arith.constant 0 : i32
      %dma_start3A_215 = arith.constant 0 : i32
      %dma_start3A_216 = tpu.memref_slice %arg3[%add3A_4, %dma_start3A_214, %dma_start3A_215] : memref<64x80x125xi32, #tpu.memory_space<hbm>> -> memref<1x80x125xi32, #tpu.memory_space<hbm>>
      %dma_start3A_217 = tpu.memref_squeeze %dma_start3A_216 : memref<1x80x125xi32, #tpu.memory_space<hbm>> -> memref<80x125xi32, #tpu.memory_space<hbm>>
      tpu.enqueue_dma source(%dma_start3A_217 : memref<80x125xi32, #tpu.memory_space<hbm>>) target(%arg9 : memref<80x125xi32, #tpu.memory_space<vmem>>) target_semaphore(%run_scoped3A : memref<!tpu.dma_semaphore, #tpu.memory_space<semaphore_mem>>)
      %dma_wait3A_218 = arith.constant 0 : i32
      %dma_wait3A_219 = arith.constant 0 : i32
      %dma_wait3A_220 = tpu.memref_slice %arg3[%add3A_4, %dma_wait3A_218, %dma_wait3A_219] : memref<64x80x125xi32, #tpu.memory_space<hbm>> -> memref<1x80x125xi32, #tpu.memory_space<hbm>>
      %dma_wait3A_221 = tpu.memref_squeeze %dma_wait3A_220 : memref<1x80x125xi32, #tpu.memory_space<hbm>> -> memref<80x125xi32, #tpu.memory_space<hbm>>
      %dma_wait3A_222 = arith.constant 0 : i32
      %dma_wait3A_223 = arith.constant 0 : i32
      %dma_wait3A_224 = tpu.memref_slice %arg3[%add3A_4, %dma_wait3A_222, %dma_wait3A_223] : memref<64x80x125xi32, #tpu.memory_space<hbm>> -> memref<1x80x125xi32, #tpu.memory_space<hbm>>
      %dma_wait3A_225 = tpu.memref_squeeze %dma_wait3A_224 : memref<1x80x125xi32, #tpu.memory_space<hbm>> -> memref<80x125xi32, #tpu.memory_space<hbm>>
      tpu.wait_dma2 semaphore(%run_scoped3A : memref<!tpu.dma_semaphore, #tpu.memory_space<semaphore_mem>>) src(%dma_wait3A_225 : memref<80x125xi32, #tpu.memory_space<hbm>>) dst(%arg9 : memref<80x125xi32, #tpu.memory_space<vmem>>)
      tpu.yield
    }) : () -> ()
    %dma_start3A = arith.constant 0 : i32
    %dma_start3A_5 = arith.constant 0 : i32
    %dma_start3A_6 = tpu.memref_slice %arg9[%dma_start3A, %dma_start3A_5] : memref<80x125xi32, #tpu.memory_space<vmem>> -> memref<1x125xi32, #tpu.memory_space<vmem>>
    %dma_start3A_7 = tpu.memref_squeeze %dma_start3A_6 : memref<1x125xi32, #tpu.memory_space<vmem>> -> memref<125xi32, #tpu.memory_space<vmem>>
    %dma_start3A_8 = arith.constant 0 : i32
    %dma_start3A_9 = arith.constant 0 : i32
    %dma_start3A_10 = tpu.memref_slice %arg2[%dma_start3A_8, %dma_start3A_9] : memref<40000x64xf32, #tpu.memory_space<hbm>> -> memref<40000x64xf32, #tpu.memory_space<hbm>>
    tpu.enqueue_indirect_dma source(%dma_start3A_10 : memref<40000x64xf32, #tpu.memory_space<hbm>>) target(%arg11 : memref<125x64xf32, #tpu.memory_space<vmem>>) offsets(%dma_start3A_7 : memref<125xi32, #tpu.memory_space<vmem>>) semaphore(%arg19 : memref<!tpu.dma_semaphore, #tpu.memory_space<semaphore_mem>>)
    %dma_start3A_11 = arith.constant 1 : i32
    %dma_start3A_12 = arith.constant 0 : i32
    %dma_start3A_13 = tpu.memref_slice %arg9[%dma_start3A_11, %dma_start3A_12] : memref<80x125xi32, #tpu.memory_space<vmem>> -> memref<1x125xi32, #tpu.memory_space<vmem>>
    %dma_start3A_14 = tpu.memref_squeeze %dma_start3A_13 : memref<1x125xi32, #tpu.memory_space<vmem>> -> memref<125xi32, #tpu.memory_space<vmem>>
    %dma_start3A_15 = arith.constant 0 : i32
    %dma_start3A_16 = arith.constant 0 : i32
    %dma_start3A_17 = tpu.memref_slice %arg2[%dma_start3A_15, %dma_start3A_16] : memref<40000x64xf32, #tpu.memory_space<hbm>> -> memref<40000x64xf32, #tpu.memory_space<hbm>>
    tpu.enqueue_indirect_dma source(%dma_start3A_17 : memref<40000x64xf32, #tpu.memory_space<hbm>>) target(%arg12 : memref<125x64xf32, #tpu.memory_space<vmem>>) offsets(%dma_start3A_14 : memref<125xi32, #tpu.memory_space<vmem>>) semaphore(%arg20 : memref<!tpu.dma_semaphore, #tpu.memory_space<semaphore_mem>>)
    %dma_start3A_18 = arith.constant 2 : i32
    %dma_start3A_19 = arith.constant 0 : i32
    %dma_start3A_20 = tpu.memref_slice %arg9[%dma_start3A_18, %dma_start3A_19] : memref<80x125xi32, #tpu.memory_space<vmem>> -> memref<1x125xi32, #tpu.memory_space<vmem>>
    %dma_start3A_21 = tpu.memref_squeeze %dma_start3A_20 : memref<1x125xi32, #tpu.memory_space<vmem>> -> memref<125xi32, #tpu.memory_space<vmem>>
    %dma_start3A_22 = arith.constant 0 : i32
    %dma_start3A_23 = arith.constant 0 : i32
    %dma_start3A_24 = tpu.memref_slice %arg2[%dma_start3A_22, %dma_start3A_23] : memref<40000x64xf32, #tpu.memory_space<hbm>> -> memref<40000x64xf32, #tpu.memory_space<hbm>>
    tpu.enqueue_indirect_dma source(%dma_start3A_24 : memref<40000x64xf32, #tpu.memory_space<hbm>>) target(%arg13 : memref<125x64xf32, #tpu.memory_space<vmem>>) offsets(%dma_start3A_21 : memref<125xi32, #tpu.memory_space<vmem>>) semaphore(%arg21 : memref<!tpu.dma_semaphore, #tpu.memory_space<semaphore_mem>>)
    %dma_start3A_25 = arith.constant 3 : i32
    %dma_start3A_26 = arith.constant 0 : i32
    %dma_start3A_27 = tpu.memref_slice %arg9[%dma_start3A_25, %dma_start3A_26] : memref<80x125xi32, #tpu.memory_space<vmem>> -> memref<1x125xi32, #tpu.memory_space<vmem>>
    %dma_start3A_28 = tpu.memref_squeeze %dma_start3A_27 : memref<1x125xi32, #tpu.memory_space<vmem>> -> memref<125xi32, #tpu.memory_space<vmem>>
    %dma_start3A_29 = arith.constant 0 : i32
    %dma_start3A_30 = arith.constant 0 : i32
    %dma_start3A_31 = tpu.memref_slice %arg2[%dma_start3A_29, %dma_start3A_30] : memref<40000x64xf32, #tpu.memory_space<hbm>> -> memref<40000x64xf32, #tpu.memory_space<hbm>>
    tpu.enqueue_indirect_dma source(%dma_start3A_31 : memref<40000x64xf32, #tpu.memory_space<hbm>>) target(%arg14 : memref<125x64xf32, #tpu.memory_space<vmem>>) offsets(%dma_start3A_28 : memref<125xi32, #tpu.memory_space<vmem>>) semaphore(%arg22 : memref<!tpu.dma_semaphore, #tpu.memory_space<semaphore_mem>>)
    %dma_start3A_32 = arith.constant 4 : i32
    %dma_start3A_33 = arith.constant 0 : i32
    %dma_start3A_34 = tpu.memref_slice %arg9[%dma_start3A_32, %dma_start3A_33] : memref<80x125xi32, #tpu.memory_space<vmem>> -> memref<1x125xi32, #tpu.memory_space<vmem>>
    %dma_start3A_35 = tpu.memref_squeeze %dma_start3A_34 : memref<1x125xi32, #tpu.memory_space<vmem>> -> memref<125xi32, #tpu.memory_space<vmem>>
    %dma_start3A_36 = arith.constant 0 : i32
    %dma_start3A_37 = arith.constant 0 : i32
    %dma_start3A_38 = tpu.memref_slice %arg2[%dma_start3A_36, %dma_start3A_37] : memref<40000x64xf32, #tpu.memory_space<hbm>> -> memref<40000x64xf32, #tpu.memory_space<hbm>>
    tpu.enqueue_indirect_dma source(%dma_start3A_38 : memref<40000x64xf32, #tpu.memory_space<hbm>>) target(%arg15 : memref<125x64xf32, #tpu.memory_space<vmem>>) offsets(%dma_start3A_35 : memref<125xi32, #tpu.memory_space<vmem>>) semaphore(%arg23 : memref<!tpu.dma_semaphore, #tpu.memory_space<semaphore_mem>>)
    %mul3A_39 = arith.constant 625 : i32
    %mul3A_40 = arith.muli %arg1, %mul3A_39 : i32
    %add3A_41 = arith.constant 0 : i32
    %add3A_42 = arith.addi %mul3A_40, %add3A_41 : i32
    "tpu.region"() ({
      %run_scoped3A = tpu.sem_alloc : memref<!tpu.dma_semaphore, #tpu.memory_space<semaphore_mem>>
      %dma_start3A_210 = arith.constant 0 : i32
      %dma_start3A_211 = tpu.memref_slice %arg17[%add3A_42, %dma_start3A_210] : memref<10000x64xf32, #tpu.memory_space<vmem_shared>> -> memref<125x64xf32, #tpu.memory_space<vmem_shared>>
      tpu.enqueue_dma source(%arg5 : memref<125x64xf32, #tpu.memory_space<hbm>>) target(%dma_start3A_211 : memref<125x64xf32, #tpu.memory_space<vmem_shared>>) target_semaphore(%run_scoped3A : memref<!tpu.dma_semaphore, #tpu.memory_space<semaphore_mem>>)
      %dma_wait3A_212 = arith.constant 0 : i32
      %dma_wait3A_213 = tpu.memref_slice %arg17[%add3A_42, %dma_wait3A_212] : memref<10000x64xf32, #tpu.memory_space<vmem_shared>> -> memref<125x64xf32, #tpu.memory_space<vmem_shared>>
      tpu.wait_dma2 semaphore(%run_scoped3A : memref<!tpu.dma_semaphore, #tpu.memory_space<semaphore_mem>>) src(%arg5 : memref<125x64xf32, #tpu.memory_space<hbm>>) dst(%dma_wait3A_213 : memref<125x64xf32, #tpu.memory_space<vmem_shared>>)
      tpu.yield
    }) : () -> ()
    %mul3A_43 = arith.constant 625 : i32
    %mul3A_44 = arith.muli %arg1, %mul3A_43 : i32
    %add3A_45 = arith.constant 125 : i32
    %add3A_46 = arith.addi %mul3A_44, %add3A_45 : i32
    "tpu.region"() ({
      %run_scoped3A = tpu.sem_alloc : memref<!tpu.dma_semaphore, #tpu.memory_space<semaphore_mem>>
      %dma_start3A_210 = arith.constant 0 : i32
      %dma_start3A_211 = tpu.memref_slice %arg17[%add3A_46, %dma_start3A_210] : memref<10000x64xf32, #tpu.memory_space<vmem_shared>> -> memref<125x64xf32, #tpu.memory_space<vmem_shared>>
      tpu.enqueue_dma source(%arg5 : memref<125x64xf32, #tpu.memory_space<hbm>>) target(%dma_start3A_211 : memref<125x64xf32, #tpu.memory_space<vmem_shared>>) target_semaphore(%run_scoped3A : memref<!tpu.dma_semaphore, #tpu.memory_space<semaphore_mem>>)
      %dma_wait3A_212 = arith.constant 0 : i32
      %dma_wait3A_213 = tpu.memref_slice %arg17[%add3A_46, %dma_wait3A_212] : memref<10000x64xf32, #tpu.memory_space<vmem_shared>> -> memref<125x64xf32, #tpu.memory_space<vmem_shared>>
      tpu.wait_dma2 semaphore(%run_scoped3A : memref<!tpu.dma_semaphore, #tpu.memory_space<semaphore_mem>>) src(%arg5 : memref<125x64xf32, #tpu.memory_space<hbm>>) dst(%dma_wait3A_213 : memref<125x64xf32, #tpu.memory_space<vmem_shared>>)
      tpu.yield
    }) : () -> ()
    %mul3A_47 = arith.constant 625 : i32
    %mul3A_48 = arith.muli %arg1, %mul3A_47 : i32
    %add3A_49 = arith.constant 250 : i32
    %add3A_50 = arith.addi %mul3A_48, %add3A_49 : i32
    "tpu.region"() ({
      %run_scoped3A = tpu.sem_alloc : memref<!tpu.dma_semaphore, #tpu.memory_space<semaphore_mem>>
      %dma_start3A_210 = arith.constant 0 : i32
      %dma_start3A_211 = tpu.memref_slice %arg17[%add3A_50, %dma_start3A_210] : memref<10000x64xf32, #tpu.memory_space<vmem_shared>> -> memref<125x64xf32, #tpu.memory_space<vmem_shared>>
      tpu.enqueue_dma source(%arg5 : memref<125x64xf32, #tpu.memory_space<hbm>>) target(%dma_start3A_211 : memref<125x64xf32, #tpu.memory_space<vmem_shared>>) target_semaphore(%run_scoped3A : memref<!tpu.dma_semaphore, #tpu.memory_space<semaphore_mem>>)
      %dma_wait3A_212 = arith.constant 0 : i32
      %dma_wait3A_213 = tpu.memref_slice %arg17[%add3A_50, %dma_wait3A_212] : memref<10000x64xf32, #tpu.memory_space<vmem_shared>> -> memref<125x64xf32, #tpu.memory_space<vmem_shared>>
      tpu.wait_dma2 semaphore(%run_scoped3A : memref<!tpu.dma_semaphore, #tpu.memory_space<semaphore_mem>>) src(%arg5 : memref<125x64xf32, #tpu.memory_space<hbm>>) dst(%dma_wait3A_213 : memref<125x64xf32, #tpu.memory_space<vmem_shared>>)
      tpu.yield
    }) : () -> ()
    %mul3A_51 = arith.constant 625 : i32
    %mul3A_52 = arith.muli %arg1, %mul3A_51 : i32
    %add3A_53 = arith.constant 375 : i32
    %add3A_54 = arith.addi %mul3A_52, %add3A_53 : i32
    "tpu.region"() ({
      %run_scoped3A = tpu.sem_alloc : memref<!tpu.dma_semaphore, #tpu.memory_space<semaphore_mem>>
      %dma_start3A_210 = arith.constant 0 : i32
      %dma_start3A_211 = tpu.memref_slice %arg17[%add3A_54, %dma_start3A_210] : memref<10000x64xf32, #tpu.memory_space<vmem_shared>> -> memref<125x64xf32, #tpu.memory_space<vmem_shared>>
      tpu.enqueue_dma source(%arg5 : memref<125x64xf32, #tpu.memory_space<hbm>>) target(%dma_start3A_211 : memref<125x64xf32, #tpu.memory_space<vmem_shared>>) target_semaphore(%run_scoped3A : memref<!tpu.dma_semaphore, #tpu.memory_space<semaphore_mem>>)
      %dma_wait3A_212 = arith.constant 0 : i32
      %dma_wait3A_213 = tpu.memref_slice %arg17[%add3A_54, %dma_wait3A_212] : memref<10000x64xf32, #tpu.memory_space<vmem_shared>> -> memref<125x64xf32, #tpu.memory_space<vmem_shared>>
      tpu.wait_dma2 semaphore(%run_scoped3A : memref<!tpu.dma_semaphore, #tpu.memory_space<semaphore_mem>>) src(%arg5 : memref<125x64xf32, #tpu.memory_space<hbm>>) dst(%dma_wait3A_213 : memref<125x64xf32, #tpu.memory_space<vmem_shared>>)
      tpu.yield
    }) : () -> ()
    %mul3A_55 = arith.constant 625 : i32
    %mul3A_56 = arith.muli %arg1, %mul3A_55 : i32
    %add3A_57 = arith.constant 500 : i32
    %add3A_58 = arith.addi %mul3A_56, %add3A_57 : i32
    "tpu.region"() ({
      %run_scoped3A = tpu.sem_alloc : memref<!tpu.dma_semaphore, #tpu.memory_space<semaphore_mem>>
      %dma_start3A_210 = arith.constant 0 : i32
      %dma_start3A_211 = tpu.memref_slice %arg17[%add3A_58, %dma_start3A_210] : memref<10000x64xf32, #tpu.memory_space<vmem_shared>> -> memref<125x64xf32, #tpu.memory_space<vmem_shared>>
      tpu.enqueue_dma source(%arg5 : memref<125x64xf32, #tpu.memory_space<hbm>>) target(%dma_start3A_211 : memref<125x64xf32, #tpu.memory_space<vmem_shared>>) target_semaphore(%run_scoped3A : memref<!tpu.dma_semaphore, #tpu.memory_space<semaphore_mem>>)
      %dma_wait3A_212 = arith.constant 0 : i32
      %dma_wait3A_213 = tpu.memref_slice %arg17[%add3A_58, %dma_wait3A_212] : memref<10000x64xf32, #tpu.memory_space<vmem_shared>> -> memref<125x64xf32, #tpu.memory_space<vmem_shared>>
      tpu.wait_dma2 semaphore(%run_scoped3A : memref<!tpu.dma_semaphore, #tpu.memory_space<semaphore_mem>>) src(%arg5 : memref<125x64xf32, #tpu.memory_space<hbm>>) dst(%dma_wait3A_213 : memref<125x64xf32, #tpu.memory_space<vmem_shared>>)
      tpu.yield
    }) : () -> ()
    %barrier3A = arith.constant 0 : index
    tpu.barrier barrier_id(%barrier3A)
    %scan3A = arith.constant 0 : i32
    %scan3A_59 = arith.constant 16 : i32
    %scan3A_60 = arith.addi %scan3A, %scan3A_59 : i32
    %scan3A_61 = arith.constant 1 : i32
    scf.for %scan3A_210 = %scan3A to %scan3A_60 step %scan3A_61  : i32 {
      %mul3A_211 = arith.constant 5 : i32
      %mul3A_212 = arith.muli %mul3A_211, %scan3A_210 : i32
      %add3A_213 = arith.constant 0 : i32
      %add3A_214 = arith.addi %mul3A_212, %add3A_213 : i32
      %dma_wait3A_215 = arith.constant 0 : i32
      %dma_wait3A_216 = tpu.memref_slice %arg9[%add3A_214, %dma_wait3A_215] : memref<80x125xi32, #tpu.memory_space<vmem>> -> memref<1x125xi32, #tpu.memory_space<vmem>>
      %dma_wait3A_217 = tpu.memref_squeeze %dma_wait3A_216 : memref<1x125xi32, #tpu.memory_space<vmem>> -> memref<125xi32, #tpu.memory_space<vmem>>
      %dma_wait3A_218 = arith.constant 0 : i32
      %dma_wait3A_219 = arith.constant 0 : i32
      %dma_wait3A_220 = tpu.memref_slice %arg2[%dma_wait3A_218, %dma_wait3A_219] : memref<40000x64xf32, #tpu.memory_space<hbm>> -> memref<40000x64xf32, #tpu.memory_space<hbm>>
      tpu.wait_indirect_dma semaphore(%arg19 : memref<!tpu.dma_semaphore, #tpu.memory_space<semaphore_mem>>) src(%dma_wait3A_220 : memref<40000x64xf32, #tpu.memory_space<hbm>>) dst(%arg11 : memref<125x64xf32, #tpu.memory_space<vmem>>)
      %dma_start3A_221 = arith.constant 0 : i32
      %dma_start3A_222 = tpu.memref_slice %arg10[%add3A_214, %dma_start3A_221] : memref<80x125xi32, #tpu.memory_space<vmem>> -> memref<1x125xi32, #tpu.memory_space<vmem>>
      %dma_start3A_223 = tpu.memref_squeeze %dma_start3A_222 : memref<1x125xi32, #tpu.memory_space<vmem>> -> memref<125xi32, #tpu.memory_space<vmem>>
      %dma_start3A_224 = arith.constant 0 : i32
      %dma_start3A_225 = arith.constant 0 : i32
      %dma_start3A_226 = tpu.memref_slice %arg17[%dma_start3A_224, %dma_start3A_225] : memref<10000x64xf32, #tpu.memory_space<vmem_shared>> -> memref<10000x64xf32, #tpu.memory_space<vmem_shared>>
      tpu.enqueue_indirect_dma source(%arg11 : memref<125x64xf32, #tpu.memory_space<vmem>>) target(%dma_start3A_226 : memref<10000x64xf32, #tpu.memory_space<vmem_shared>>) offsets(%dma_start3A_223 : memref<125xi32, #tpu.memory_space<vmem>>) semaphore(%arg24 : memref<!tpu.dma_semaphore, #tpu.memory_space<semaphore_mem>>) {add = true}
      %add3A_227 = arith.constant 1 : i32
      %add3A_228 = arith.addi %mul3A_212, %add3A_227 : i32
      %dma_wait3A_229 = arith.constant 0 : i32
      %dma_wait3A_230 = tpu.memref_slice %arg9[%add3A_228, %dma_wait3A_229] : memref<80x125xi32, #tpu.memory_space<vmem>> -> memref<1x125xi32, #tpu.memory_space<vmem>>
      %dma_wait3A_231 = tpu.memref_squeeze %dma_wait3A_230 : memref<1x125xi32, #tpu.memory_space<vmem>> -> memref<125xi32, #tpu.memory_space<vmem>>
      %dma_wait3A_232 = arith.constant 0 : i32
      %dma_wait3A_233 = arith.constant 0 : i32
      %dma_wait3A_234 = tpu.memref_slice %arg2[%dma_wait3A_232, %dma_wait3A_233] : memref<40000x64xf32, #tpu.memory_space<hbm>> -> memref<40000x64xf32, #tpu.memory_space<hbm>>
      tpu.wait_indirect_dma semaphore(%arg20 : memref<!tpu.dma_semaphore, #tpu.memory_space<semaphore_mem>>) src(%dma_wait3A_234 : memref<40000x64xf32, #tpu.memory_space<hbm>>) dst(%arg12 : memref<125x64xf32, #tpu.memory_space<vmem>>)
      %dma_start3A_235 = arith.constant 0 : i32
      %dma_start3A_236 = tpu.memref_slice %arg10[%add3A_228, %dma_start3A_235] : memref<80x125xi32, #tpu.memory_space<vmem>> -> memref<1x125xi32, #tpu.memory_space<vmem>>
      %dma_start3A_237 = tpu.memref_squeeze %dma_start3A_236 : memref<1x125xi32, #tpu.memory_space<vmem>> -> memref<125xi32, #tpu.memory_space<vmem>>
      %dma_start3A_238 = arith.constant 0 : i32
      %dma_start3A_239 = arith.constant 0 : i32
      %dma_start3A_240 = tpu.memref_slice %arg17[%dma_start3A_238, %dma_start3A_239] : memref<10000x64xf32, #tpu.memory_space<vmem_shared>> -> memref<10000x64xf32, #tpu.memory_space<vmem_shared>>
      tpu.enqueue_indirect_dma source(%arg12 : memref<125x64xf32, #tpu.memory_space<vmem>>) target(%dma_start3A_240 : memref<10000x64xf32, #tpu.memory_space<vmem_shared>>) offsets(%dma_start3A_237 : memref<125xi32, #tpu.memory_space<vmem>>) semaphore(%arg25 : memref<!tpu.dma_semaphore, #tpu.memory_space<semaphore_mem>>) {add = true}
      %add3A_241 = arith.constant 2 : i32
      %add3A_242 = arith.addi %mul3A_212, %add3A_241 : i32
      %dma_wait3A_243 = arith.constant 0 : i32
      %dma_wait3A_244 = tpu.memref_slice %arg9[%add3A_242, %dma_wait3A_243] : memref<80x125xi32, #tpu.memory_space<vmem>> -> memref<1x125xi32, #tpu.memory_space<vmem>>
      %dma_wait3A_245 = tpu.memref_squeeze %dma_wait3A_244 : memref<1x125xi32, #tpu.memory_space<vmem>> -> memref<125xi32, #tpu.memory_space<vmem>>
      %dma_wait3A_246 = arith.constant 0 : i32
      %dma_wait3A_247 = arith.constant 0 : i32
      %dma_wait3A_248 = tpu.memref_slice %arg2[%dma_wait3A_246, %dma_wait3A_247] : memref<40000x64xf32, #tpu.memory_space<hbm>> -> memref<40000x64xf32, #tpu.memory_space<hbm>>
      tpu.wait_indirect_dma semaphore(%arg21 : memref<!tpu.dma_semaphore, #tpu.memory_space<semaphore_mem>>) src(%dma_wait3A_248 : memref<40000x64xf32, #tpu.memory_space<hbm>>) dst(%arg13 : memref<125x64xf32, #tpu.memory_space<vmem>>)
      %dma_start3A_249 = arith.constant 0 : i32
      %dma_start3A_250 = tpu.memref_slice %arg10[%add3A_242, %dma_start3A_249] : memref<80x125xi32, #tpu.memory_space<vmem>> -> memref<1x125xi32, #tpu.memory_space<vmem>>
      %dma_start3A_251 = tpu.memref_squeeze %dma_start3A_250 : memref<1x125xi32, #tpu.memory_space<vmem>> -> memref<125xi32, #tpu.memory_space<vmem>>
      %dma_start3A_252 = arith.constant 0 : i32
      %dma_start3A_253 = arith.constant 0 : i32
      %dma_start3A_254 = tpu.memref_slice %arg17[%dma_start3A_252, %dma_start3A_253] : memref<10000x64xf32, #tpu.memory_space<vmem_shared>> -> memref<10000x64xf32, #tpu.memory_space<vmem_shared>>
      tpu.enqueue_indirect_dma source(%arg13 : memref<125x64xf32, #tpu.memory_space<vmem>>) target(%dma_start3A_254 : memref<10000x64xf32, #tpu.memory_space<vmem_shared>>) offsets(%dma_start3A_251 : memref<125xi32, #tpu.memory_space<vmem>>) semaphore(%arg26 : memref<!tpu.dma_semaphore, #tpu.memory_space<semaphore_mem>>) {add = true}
      %add3A_255 = arith.constant 3 : i32
      %add3A_256 = arith.addi %mul3A_212, %add3A_255 : i32
      %dma_wait3A_257 = arith.constant 0 : i32
      %dma_wait3A_258 = tpu.memref_slice %arg9[%add3A_256, %dma_wait3A_257] : memref<80x125xi32, #tpu.memory_space<vmem>> -> memref<1x125xi32, #tpu.memory_space<vmem>>
      %dma_wait3A_259 = tpu.memref_squeeze %dma_wait3A_258 : memref<1x125xi32, #tpu.memory_space<vmem>> -> memref<125xi32, #tpu.memory_space<vmem>>
      %dma_wait3A_260 = arith.constant 0 : i32
      %dma_wait3A_261 = arith.constant 0 : i32
      %dma_wait3A_262 = tpu.memref_slice %arg2[%dma_wait3A_260, %dma_wait3A_261] : memref<40000x64xf32, #tpu.memory_space<hbm>> -> memref<40000x64xf32, #tpu.memory_space<hbm>>
      tpu.wait_indirect_dma semaphore(%arg22 : memref<!tpu.dma_semaphore, #tpu.memory_space<semaphore_mem>>) src(%dma_wait3A_262 : memref<40000x64xf32, #tpu.memory_space<hbm>>) dst(%arg14 : memref<125x64xf32, #tpu.memory_space<vmem>>)
      %dma_start3A_263 = arith.constant 0 : i32
      %dma_start3A_264 = tpu.memref_slice %arg10[%add3A_256, %dma_start3A_263] : memref<80x125xi32, #tpu.memory_space<vmem>> -> memref<1x125xi32, #tpu.memory_space<vmem>>
      %dma_start3A_265 = tpu.memref_squeeze %dma_start3A_264 : memref<1x125xi32, #tpu.memory_space<vmem>> -> memref<125xi32, #tpu.memory_space<vmem>>
      %dma_start3A_266 = arith.constant 0 : i32
      %dma_start3A_267 = arith.constant 0 : i32
      %dma_start3A_268 = tpu.memref_slice %arg17[%dma_start3A_266, %dma_start3A_267] : memref<10000x64xf32, #tpu.memory_space<vmem_shared>> -> memref<10000x64xf32, #tpu.memory_space<vmem_shared>>
      tpu.enqueue_indirect_dma source(%arg14 : memref<125x64xf32, #tpu.memory_space<vmem>>) target(%dma_start3A_268 : memref<10000x64xf32, #tpu.memory_space<vmem_shared>>) offsets(%dma_start3A_265 : memref<125xi32, #tpu.memory_space<vmem>>) semaphore(%arg27 : memref<!tpu.dma_semaphore, #tpu.memory_space<semaphore_mem>>) {add = true}
      %add3A_269 = arith.constant 4 : i32
      %add3A_270 = arith.addi %mul3A_212, %add3A_269 : i32
      %dma_wait3A_271 = arith.constant 0 : i32
      %dma_wait3A_272 = tpu.memref_slice %arg9[%add3A_270, %dma_wait3A_271] : memref<80x125xi32, #tpu.memory_space<vmem>> -> memref<1x125xi32, #tpu.memory_space<vmem>>
      %dma_wait3A_273 = tpu.memref_squeeze %dma_wait3A_272 : memref<1x125xi32, #tpu.memory_space<vmem>> -> memref<125xi32, #tpu.memory_space<vmem>>
      %dma_wait3A_274 = arith.constant 0 : i32
      %dma_wait3A_275 = arith.constant 0 : i32
      %dma_wait3A_276 = tpu.memref_slice %arg2[%dma_wait3A_274, %dma_wait3A_275] : memref<40000x64xf32, #tpu.memory_space<hbm>> -> memref<40000x64xf32, #tpu.memory_space<hbm>>
      tpu.wait_indirect_dma semaphore(%arg23 : memref<!tpu.dma_semaphore, #tpu.memory_space<semaphore_mem>>) src(%dma_wait3A_276 : memref<40000x64xf32, #tpu.memory_space<hbm>>) dst(%arg15 : memref<125x64xf32, #tpu.memory_space<vmem>>)
      %dma_start3A_277 = arith.constant 0 : i32
      %dma_start3A_278 = tpu.memref_slice %arg10[%add3A_270, %dma_start3A_277] : memref<80x125xi32, #tpu.memory_space<vmem>> -> memref<1x125xi32, #tpu.memory_space<vmem>>
      %dma_start3A_279 = tpu.memref_squeeze %dma_start3A_278 : memref<1x125xi32, #tpu.memory_space<vmem>> -> memref<125xi32, #tpu.memory_space<vmem>>
      %dma_start3A_280 = arith.constant 0 : i32
      %dma_start3A_281 = arith.constant 0 : i32
      %dma_start3A_282 = tpu.memref_slice %arg17[%dma_start3A_280, %dma_start3A_281] : memref<10000x64xf32, #tpu.memory_space<vmem_shared>> -> memref<10000x64xf32, #tpu.memory_space<vmem_shared>>
      tpu.enqueue_indirect_dma source(%arg15 : memref<125x64xf32, #tpu.memory_space<vmem>>) target(%dma_start3A_282 : memref<10000x64xf32, #tpu.memory_space<vmem_shared>>) offsets(%dma_start3A_279 : memref<125xi32, #tpu.memory_space<vmem>>) semaphore(%arg28 : memref<!tpu.dma_semaphore, #tpu.memory_space<semaphore_mem>>) {add = true}
      %add3A_283 = arith.constant 1 : i32
      %add3A_284 = arith.addi %scan3A_210, %add3A_283 : i32
      %lt3A = arith.constant 16 : i32
      %lt3A_285 = arith.cmpi slt, %add3A_284, %lt3A : i32
      %convert_element_type3A = arith.extui %lt3A_285 : i1 to i32
      %cond3A = arith.constant 0 : i32
      %cond3A_286 = arith.cmpi ne, %convert_element_type3A, %cond3A : i32
      scf.if %cond3A_286 {
        %add3A_287 = arith.constant 0 : i32
        %add3A_288 = arith.addi %mul3A_212, %add3A_287 : i32
        %dma_wait3A_289 = arith.constant 0 : i32
        %dma_wait3A_290 = tpu.memref_slice %arg10[%add3A_288, %dma_wait3A_289] : memref<80x125xi32, #tpu.memory_space<vmem>> -> memref<1x125xi32, #tpu.memory_space<vmem>>
        %dma_wait3A_291 = tpu.memref_squeeze %dma_wait3A_290 : memref<1x125xi32, #tpu.memory_space<vmem>> -> memref<125xi32, #tpu.memory_space<vmem>>
        %dma_wait3A_292 = arith.constant 0 : i32
        %dma_wait3A_293 = arith.constant 0 : i32
        %dma_wait3A_294 = tpu.memref_slice %arg17[%dma_wait3A_292, %dma_wait3A_293] : memref<10000x64xf32, #tpu.memory_space<vmem_shared>> -> memref<10000x64xf32, #tpu.memory_space<vmem_shared>>
        tpu.wait_indirect_dma semaphore(%arg24 : memref<!tpu.dma_semaphore, #tpu.memory_space<semaphore_mem>>) src(%arg11 : memref<125x64xf32, #tpu.memory_space<vmem>>) dst(%dma_wait3A_294 : memref<10000x64xf32, #tpu.memory_space<vmem_shared>>)
        %add3A_295 = arith.constant 5 : i32
        %add3A_296 = arith.addi %mul3A_212, %add3A_295 : i32
        %add3A_297 = arith.constant 0 : i32
        %add3A_298 = arith.addi %add3A_296, %add3A_297 : i32
        %dma_start3A_299 = arith.constant 0 : i32
        %dma_start3A_300 = tpu.memref_slice %arg9[%add3A_298, %dma_start3A_299] : memref<80x125xi32, #tpu.memory_space<vmem>> -> memref<1x125xi32, #tpu.memory_space<vmem>>
        %dma_start3A_301 = tpu.memref_squeeze %dma_start3A_300 : memref<1x125xi32, #tpu.memory_space<vmem>> -> memref<125xi32, #tpu.memory_space<vmem>>
        %dma_start3A_302 = arith.constant 0 : i32
        %dma_start3A_303 = arith.constant 0 : i32
        %dma_start3A_304 = tpu.memref_slice %arg2[%dma_start3A_302, %dma_start3A_303] : memref<40000x64xf32, #tpu.memory_space<hbm>> -> memref<40000x64xf32, #tpu.memory_space<hbm>>
        tpu.enqueue_indirect_dma source(%dma_start3A_304 : memref<40000x64xf32, #tpu.memory_space<hbm>>) target(%arg11 : memref<125x64xf32, #tpu.memory_space<vmem>>) offsets(%dma_start3A_301 : memref<125xi32, #tpu.memory_space<vmem>>) semaphore(%arg19 : memref<!tpu.dma_semaphore, #tpu.memory_space<semaphore_mem>>)
        %add3A_305 = arith.constant 1 : i32
        %add3A_306 = arith.addi %mul3A_212, %add3A_305 : i32
        %dma_wait3A_307 = arith.constant 0 : i32
        %dma_wait3A_308 = tpu.memref_slice %arg10[%add3A_306, %dma_wait3A_307] : memref<80x125xi32, #tpu.memory_space<vmem>> -> memref<1x125xi32, #tpu.memory_space<vmem>>
        %dma_wait3A_309 = tpu.memref_squeeze %dma_wait3A_308 : memref<1x125xi32, #tpu.memory_space<vmem>> -> memref<125xi32, #tpu.memory_space<vmem>>
        %dma_wait3A_310 = arith.constant 0 : i32
        %dma_wait3A_311 = arith.constant 0 : i32
        %dma_wait3A_312 = tpu.memref_slice %arg17[%dma_wait3A_310, %dma_wait3A_311] : memref<10000x64xf32, #tpu.memory_space<vmem_shared>> -> memref<10000x64xf32, #tpu.memory_space<vmem_shared>>
        tpu.wait_indirect_dma semaphore(%arg25 : memref<!tpu.dma_semaphore, #tpu.memory_space<semaphore_mem>>) src(%arg12 : memref<125x64xf32, #tpu.memory_space<vmem>>) dst(%dma_wait3A_312 : memref<10000x64xf32, #tpu.memory_space<vmem_shared>>)
        %add3A_313 = arith.constant 5 : i32
        %add3A_314 = arith.addi %mul3A_212, %add3A_313 : i32
        %add3A_315 = arith.constant 1 : i32
        %add3A_316 = arith.addi %add3A_314, %add3A_315 : i32
        %dma_start3A_317 = arith.constant 0 : i32
        %dma_start3A_318 = tpu.memref_slice %arg9[%add3A_316, %dma_start3A_317] : memref<80x125xi32, #tpu.memory_space<vmem>> -> memref<1x125xi32, #tpu.memory_space<vmem>>
        %dma_start3A_319 = tpu.memref_squeeze %dma_start3A_318 : memref<1x125xi32, #tpu.memory_space<vmem>> -> memref<125xi32, #tpu.memory_space<vmem>>
        %dma_start3A_320 = arith.constant 0 : i32
        %dma_start3A_321 = arith.constant 0 : i32
        %dma_start3A_322 = tpu.memref_slice %arg2[%dma_start3A_320, %dma_start3A_321] : memref<40000x64xf32, #tpu.memory_space<hbm>> -> memref<40000x64xf32, #tpu.memory_space<hbm>>
        tpu.enqueue_indirect_dma source(%dma_start3A_322 : memref<40000x64xf32, #tpu.memory_space<hbm>>) target(%arg12 : memref<125x64xf32, #tpu.memory_space<vmem>>) offsets(%dma_start3A_319 : memref<125xi32, #tpu.memory_space<vmem>>) semaphore(%arg20 : memref<!tpu.dma_semaphore, #tpu.memory_space<semaphore_mem>>)
        %add3A_323 = arith.constant 2 : i32
        %add3A_324 = arith.addi %mul3A_212, %add3A_323 : i32
        %dma_wait3A_325 = arith.constant 0 : i32
        %dma_wait3A_326 = tpu.memref_slice %arg10[%add3A_324, %dma_wait3A_325] : memref<80x125xi32, #tpu.memory_space<vmem>> -> memref<1x125xi32, #tpu.memory_space<vmem>>
        %dma_wait3A_327 = tpu.memref_squeeze %dma_wait3A_326 : memref<1x125xi32, #tpu.memory_space<vmem>> -> memref<125xi32, #tpu.memory_space<vmem>>
        %dma_wait3A_328 = arith.constant 0 : i32
        %dma_wait3A_329 = arith.constant 0 : i32
        %dma_wait3A_330 = tpu.memref_slice %arg17[%dma_wait3A_328, %dma_wait3A_329] : memref<10000x64xf32, #tpu.memory_space<vmem_shared>> -> memref<10000x64xf32, #tpu.memory_space<vmem_shared>>
        tpu.wait_indirect_dma semaphore(%arg26 : memref<!tpu.dma_semaphore, #tpu.memory_space<semaphore_mem>>) src(%arg13 : memref<125x64xf32, #tpu.memory_space<vmem>>) dst(%dma_wait3A_330 : memref<10000x64xf32, #tpu.memory_space<vmem_shared>>)
        %add3A_331 = arith.constant 5 : i32
        %add3A_332 = arith.addi %mul3A_212, %add3A_331 : i32
        %add3A_333 = arith.constant 2 : i32
        %add3A_334 = arith.addi %add3A_332, %add3A_333 : i32
        %dma_start3A_335 = arith.constant 0 : i32
        %dma_start3A_336 = tpu.memref_slice %arg9[%add3A_334, %dma_start3A_335] : memref<80x125xi32, #tpu.memory_space<vmem>> -> memref<1x125xi32, #tpu.memory_space<vmem>>
        %dma_start3A_337 = tpu.memref_squeeze %dma_start3A_336 : memref<1x125xi32, #tpu.memory_space<vmem>> -> memref<125xi32, #tpu.memory_space<vmem>>
        %dma_start3A_338 = arith.constant 0 : i32
        %dma_start3A_339 = arith.constant 0 : i32
        %dma_start3A_340 = tpu.memref_slice %arg2[%dma_start3A_338, %dma_start3A_339] : memref<40000x64xf32, #tpu.memory_space<hbm>> -> memref<40000x64xf32, #tpu.memory_space<hbm>>
        tpu.enqueue_indirect_dma source(%dma_start3A_340 : memref<40000x64xf32, #tpu.memory_space<hbm>>) target(%arg13 : memref<125x64xf32, #tpu.memory_space<vmem>>) offsets(%dma_start3A_337 : memref<125xi32, #tpu.memory_space<vmem>>) semaphore(%arg21 : memref<!tpu.dma_semaphore, #tpu.memory_space<semaphore_mem>>)
        %add3A_341 = arith.constant 3 : i32
        %add3A_342 = arith.addi %mul3A_212, %add3A_341 : i32
        %dma_wait3A_343 = arith.constant 0 : i32
        %dma_wait3A_344 = tpu.memref_slice %arg10[%add3A_342, %dma_wait3A_343] : memref<80x125xi32, #tpu.memory_space<vmem>> -> memref<1x125xi32, #tpu.memory_space<vmem>>
        %dma_wait3A_345 = tpu.memref_squeeze %dma_wait3A_344 : memref<1x125xi32, #tpu.memory_space<vmem>> -> memref<125xi32, #tpu.memory_space<vmem>>
        %dma_wait3A_346 = arith.constant 0 : i32
        %dma_wait3A_347 = arith.constant 0 : i32
        %dma_wait3A_348 = tpu.memref_slice %arg17[%dma_wait3A_346, %dma_wait3A_347] : memref<10000x64xf32, #tpu.memory_space<vmem_shared>> -> memref<10000x64xf32, #tpu.memory_space<vmem_shared>>
        tpu.wait_indirect_dma semaphore(%arg27 : memref<!tpu.dma_semaphore, #tpu.memory_space<semaphore_mem>>) src(%arg14 : memref<125x64xf32, #tpu.memory_space<vmem>>) dst(%dma_wait3A_348 : memref<10000x64xf32, #tpu.memory_space<vmem_shared>>)
        %add3A_349 = arith.constant 5 : i32
        %add3A_350 = arith.addi %mul3A_212, %add3A_349 : i32
        %add3A_351 = arith.constant 3 : i32
        %add3A_352 = arith.addi %add3A_350, %add3A_351 : i32
        %dma_start3A_353 = arith.constant 0 : i32
        %dma_start3A_354 = tpu.memref_slice %arg9[%add3A_352, %dma_start3A_353] : memref<80x125xi32, #tpu.memory_space<vmem>> -> memref<1x125xi32, #tpu.memory_space<vmem>>
        %dma_start3A_355 = tpu.memref_squeeze %dma_start3A_354 : memref<1x125xi32, #tpu.memory_space<vmem>> -> memref<125xi32, #tpu.memory_space<vmem>>
        %dma_start3A_356 = arith.constant 0 : i32
        %dma_start3A_357 = arith.constant 0 : i32
        %dma_start3A_358 = tpu.memref_slice %arg2[%dma_start3A_356, %dma_start3A_357] : memref<40000x64xf32, #tpu.memory_space<hbm>> -> memref<40000x64xf32, #tpu.memory_space<hbm>>
        tpu.enqueue_indirect_dma source(%dma_start3A_358 : memref<40000x64xf32, #tpu.memory_space<hbm>>) target(%arg14 : memref<125x64xf32, #tpu.memory_space<vmem>>) offsets(%dma_start3A_355 : memref<125xi32, #tpu.memory_space<vmem>>) semaphore(%arg22 : memref<!tpu.dma_semaphore, #tpu.memory_space<semaphore_mem>>)
        %add3A_359 = arith.constant 4 : i32
        %add3A_360 = arith.addi %mul3A_212, %add3A_359 : i32
        %dma_wait3A_361 = arith.constant 0 : i32
        %dma_wait3A_362 = tpu.memref_slice %arg10[%add3A_360, %dma_wait3A_361] : memref<80x125xi32, #tpu.memory_space<vmem>> -> memref<1x125xi32, #tpu.memory_space<vmem>>
        %dma_wait3A_363 = tpu.memref_squeeze %dma_wait3A_362 : memref<1x125xi32, #tpu.memory_space<vmem>> -> memref<125xi32, #tpu.memory_space<vmem>>
        %dma_wait3A_364 = arith.constant 0 : i32
        %dma_wait3A_365 = arith.constant 0 : i32
        %dma_wait3A_366 = tpu.memref_slice %arg17[%dma_wait3A_364, %dma_wait3A_365] : memref<10000x64xf32, #tpu.memory_space<vmem_shared>> -> memref<10000x64xf32, #tpu.memory_space<vmem_shared>>
        tpu.wait_indirect_dma semaphore(%arg28 : memref<!tpu.dma_semaphore, #tpu.memory_space<semaphore_mem>>) src(%arg15 : memref<125x64xf32, #tpu.memory_space<vmem>>) dst(%dma_wait3A_366 : memref<10000x64xf32, #tpu.memory_space<vmem_shared>>)
        %add3A_367 = arith.constant 5 : i32
        %add3A_368 = arith.addi %mul3A_212, %add3A_367 : i32
        %add3A_369 = arith.constant 4 : i32
        %add3A_370 = arith.addi %add3A_368, %add3A_369 : i32
        %dma_start3A_371 = arith.constant 0 : i32
        %dma_start3A_372 = tpu.memref_slice %arg9[%add3A_370, %dma_start3A_371] : memref<80x125xi32, #tpu.memory_space<vmem>> -> memref<1x125xi32, #tpu.memory_space<vmem>>
        %dma_start3A_373 = tpu.memref_squeeze %dma_start3A_372 : memref<1x125xi32, #tpu.memory_space<vmem>> -> memref<125xi32, #tpu.memory_space<vmem>>
        %dma_start3A_374 = arith.constant 0 : i32
        %dma_start3A_375 = arith.constant 0 : i32
        %dma_start3A_376 = tpu.memref_slice %arg2[%dma_start3A_374, %dma_start3A_375] : memref<40000x64xf32, #tpu.memory_space<hbm>> -> memref<40000x64xf32, #tpu.memory_space<hbm>>
        tpu.enqueue_indirect_dma source(%dma_start3A_376 : memref<40000x64xf32, #tpu.memory_space<hbm>>) target(%arg15 : memref<125x64xf32, #tpu.memory_space<vmem>>) offsets(%dma_start3A_373 : memref<125xi32, #tpu.memory_space<vmem>>) semaphore(%arg23 : memref<!tpu.dma_semaphore, #tpu.memory_space<semaphore_mem>>)
      } else {
      }
    }
    %scan3A_62 = arith.constant 16 : i32
    %dma_wait3A = arith.constant 75 : i32
    %dma_wait3A_63 = arith.constant 0 : i32
    %dma_wait3A_64 = tpu.memref_slice %arg10[%dma_wait3A, %dma_wait3A_63] : memref<80x125xi32, #tpu.memory_space<vmem>> -> memref<1x125xi32, #tpu.memory_space<vmem>>
    %dma_wait3A_65 = tpu.memref_squeeze %dma_wait3A_64 : memref<1x125xi32, #tpu.memory_space<vmem>> -> memref<125xi32, #tpu.memory_space<vmem>>
    %dma_wait3A_66 = arith.constant 0 : i32
    %dma_wait3A_67 = arith.constant 0 : i32
    %dma_wait3A_68 = tpu.memref_slice %arg17[%dma_wait3A_66, %dma_wait3A_67] : memref<10000x64xf32, #tpu.memory_space<vmem_shared>> -> memref<10000x64xf32, #tpu.memory_space<vmem_shared>>
    tpu.wait_indirect_dma semaphore(%arg24 : memref<!tpu.dma_semaphore, #tpu.memory_space<semaphore_mem>>) src(%arg11 : memref<125x64xf32, #tpu.memory_space<vmem>>) dst(%dma_wait3A_68 : memref<10000x64xf32, #tpu.memory_space<vmem_shared>>)
    %dma_wait3A_69 = arith.constant 76 : i32
    %dma_wait3A_70 = arith.constant 0 : i32
    %dma_wait3A_71 = tpu.memref_slice %arg10[%dma_wait3A_69, %dma_wait3A_70] : memref<80x125xi32, #tpu.memory_space<vmem>> -> memref<1x125xi32, #tpu.memory_space<vmem>>
    %dma_wait3A_72 = tpu.memref_squeeze %dma_wait3A_71 : memref<1x125xi32, #tpu.memory_space<vmem>> -> memref<125xi32, #tpu.memory_space<vmem>>
    %dma_wait3A_73 = arith.constant 0 : i32
    %dma_wait3A_74 = arith.constant 0 : i32
    %dma_wait3A_75 = tpu.memref_slice %arg17[%dma_wait3A_73, %dma_wait3A_74] : memref<10000x64xf32, #tpu.memory_space<vmem_shared>> -> memref<10000x64xf32, #tpu.memory_space<vmem_shared>>
    tpu.wait_indirect_dma semaphore(%arg25 : memref<!tpu.dma_semaphore, #tpu.memory_space<semaphore_mem>>) src(%arg12 : memref<125x64xf32, #tpu.memory_space<vmem>>) dst(%dma_wait3A_75 : memref<10000x64xf32, #tpu.memory_space<vmem_shared>>)
    %dma_wait3A_76 = arith.constant 77 : i32
    %dma_wait3A_77 = arith.constant 0 : i32
    %dma_wait3A_78 = tpu.memref_slice %arg10[%dma_wait3A_76, %dma_wait3A_77] : memref<80x125xi32, #tpu.memory_space<vmem>> -> memref<1x125xi32, #tpu.memory_space<vmem>>
    %dma_wait3A_79 = tpu.memref_squeeze %dma_wait3A_78 : memref<1x125xi32, #tpu.memory_space<vmem>> -> memref<125xi32, #tpu.memory_space<vmem>>
    %dma_wait3A_80 = arith.constant 0 : i32
    %dma_wait3A_81 = arith.constant 0 : i32
    %dma_wait3A_82 = tpu.memref_slice %arg17[%dma_wait3A_80, %dma_wait3A_81] : memref<10000x64xf32, #tpu.memory_space<vmem_shared>> -> memref<10000x64xf32, #tpu.memory_space<vmem_shared>>
    tpu.wait_indirect_dma semaphore(%arg26 : memref<!tpu.dma_semaphore, #tpu.memory_space<semaphore_mem>>) src(%arg13 : memref<125x64xf32, #tpu.memory_space<vmem>>) dst(%dma_wait3A_82 : memref<10000x64xf32, #tpu.memory_space<vmem_shared>>)
    %dma_wait3A_83 = arith.constant 78 : i32
    %dma_wait3A_84 = arith.constant 0 : i32
    %dma_wait3A_85 = tpu.memref_slice %arg10[%dma_wait3A_83, %dma_wait3A_84] : memref<80x125xi32, #tpu.memory_space<vmem>> -> memref<1x125xi32, #tpu.memory_space<vmem>>
    %dma_wait3A_86 = tpu.memref_squeeze %dma_wait3A_85 : memref<1x125xi32, #tpu.memory_space<vmem>> -> memref<125xi32, #tpu.memory_space<vmem>>
    %dma_wait3A_87 = arith.constant 0 : i32
    %dma_wait3A_88 = arith.constant 0 : i32
    %dma_wait3A_89 = tpu.memref_slice %arg17[%dma_wait3A_87, %dma_wait3A_88] : memref<10000x64xf32, #tpu.memory_space<vmem_shared>> -> memref<10000x64xf32, #tpu.memory_space<vmem_shared>>
    tpu.wait_indirect_dma semaphore(%arg27 : memref<!tpu.dma_semaphore, #tpu.memory_space<semaphore_mem>>) src(%arg14 : memref<125x64xf32, #tpu.memory_space<vmem>>) dst(%dma_wait3A_89 : memref<10000x64xf32, #tpu.memory_space<vmem_shared>>)
    %dma_wait3A_90 = arith.constant 79 : i32
    %dma_wait3A_91 = arith.constant 0 : i32
    %dma_wait3A_92 = tpu.memref_slice %arg10[%dma_wait3A_90, %dma_wait3A_91] : memref<80x125xi32, #tpu.memory_space<vmem>> -> memref<1x125xi32, #tpu.memory_space<vmem>>
    %dma_wait3A_93 = tpu.memref_squeeze %dma_wait3A_92 : memref<1x125xi32, #tpu.memory_space<vmem>> -> memref<125xi32, #tpu.memory_space<vmem>>
    %dma_wait3A_94 = arith.constant 0 : i32
    %dma_wait3A_95 = arith.constant 0 : i32
    %dma_wait3A_96 = tpu.memref_slice %arg17[%dma_wait3A_94, %dma_wait3A_95] : memref<10000x64xf32, #tpu.memory_space<vmem_shared>> -> memref<10000x64xf32, #tpu.memory_space<vmem_shared>>
    tpu.wait_indirect_dma semaphore(%arg28 : memref<!tpu.dma_semaphore, #tpu.memory_space<semaphore_mem>>) src(%arg15 : memref<125x64xf32, #tpu.memory_space<vmem>>) dst(%dma_wait3A_96 : memref<10000x64xf32, #tpu.memory_space<vmem_shared>>)
    %barrier3A_97 = arith.constant 0 : index
    tpu.barrier barrier_id(%barrier3A_97)
    %mul3A_98 = arith.constant 2 : i32
    %mul3A_99 = arith.muli %mul3A_98, %arg0 : i32
    %add3A_100 = arith.constant 1 : i32
    %add3A_101 = arith.addi %mul3A_99, %add3A_100 : i32
    %mul3A_102 = arith.constant 16 : i32
    %mul3A_103 = arith.muli %add3A_101, %mul3A_102 : i32
    %add3A_104 = arith.addi %mul3A_103, %arg1 : i32
    "tpu.region"() ({
      %run_scoped3A = tpu.sem_alloc : memref<!tpu.dma_semaphore, #tpu.memory_space<semaphore_mem>>
      %dma_start3A_210 = arith.constant 0 : i32
      %dma_start3A_211 = arith.constant 0 : i32
      %dma_start3A_212 = tpu.memref_slice %arg3[%add3A_104, %dma_start3A_210, %dma_start3A_211] : memref<64x80x125xi32, #tpu.memory_space<hbm>> -> memref<1x80x125xi32, #tpu.memory_space<hbm>>
      %dma_start3A_213 = tpu.memref_squeeze %dma_start3A_212 : memref<1x80x125xi32, #tpu.memory_space<hbm>> -> memref<80x125xi32, #tpu.memory_space<hbm>>
      %dma_start3A_214 = arith.constant 0 : i32
      %dma_start3A_215 = arith.constant 0 : i32
      %dma_start3A_216 = tpu.memref_slice %arg3[%add3A_104, %dma_start3A_214, %dma_start3A_215] : memref<64x80x125xi32, #tpu.memory_space<hbm>> -> memref<1x80x125xi32, #tpu.memory_space<hbm>>
      %dma_start3A_217 = tpu.memref_squeeze %dma_start3A_216 : memref<1x80x125xi32, #tpu.memory_space<hbm>> -> memref<80x125xi32, #tpu.memory_space<hbm>>
      tpu.enqueue_dma source(%dma_start3A_217 : memref<80x125xi32, #tpu.memory_space<hbm>>) target(%arg9 : memref<80x125xi32, #tpu.memory_space<vmem>>) target_semaphore(%run_scoped3A : memref<!tpu.dma_semaphore, #tpu.memory_space<semaphore_mem>>)
      %dma_wait3A_218 = arith.constant 0 : i32
      %dma_wait3A_219 = arith.constant 0 : i32
      %dma_wait3A_220 = tpu.memref_slice %arg3[%add3A_104, %dma_wait3A_218, %dma_wait3A_219] : memref<64x80x125xi32, #tpu.memory_space<hbm>> -> memref<1x80x125xi32, #tpu.memory_space<hbm>>
      %dma_wait3A_221 = tpu.memref_squeeze %dma_wait3A_220 : memref<1x80x125xi32, #tpu.memory_space<hbm>> -> memref<80x125xi32, #tpu.memory_space<hbm>>
      %dma_wait3A_222 = arith.constant 0 : i32
      %dma_wait3A_223 = arith.constant 0 : i32
      %dma_wait3A_224 = tpu.memref_slice %arg3[%add3A_104, %dma_wait3A_222, %dma_wait3A_223] : memref<64x80x125xi32, #tpu.memory_space<hbm>> -> memref<1x80x125xi32, #tpu.memory_space<hbm>>
      %dma_wait3A_225 = tpu.memref_squeeze %dma_wait3A_224 : memref<1x80x125xi32, #tpu.memory_space<hbm>> -> memref<80x125xi32, #tpu.memory_space<hbm>>
      tpu.wait_dma2 semaphore(%run_scoped3A : memref<!tpu.dma_semaphore, #tpu.memory_space<semaphore_mem>>) src(%dma_wait3A_225 : memref<80x125xi32, #tpu.memory_space<hbm>>) dst(%arg9 : memref<80x125xi32, #tpu.memory_space<vmem>>)
      tpu.yield
    }) : () -> ()
    %dma_start3A_105 = arith.constant 0 : i32
    %dma_start3A_106 = arith.constant 0 : i32
    %dma_start3A_107 = tpu.memref_slice %arg9[%dma_start3A_105, %dma_start3A_106] : memref<80x125xi32, #tpu.memory_space<vmem>> -> memref<1x125xi32, #tpu.memory_space<vmem>>
    %dma_start3A_108 = tpu.memref_squeeze %dma_start3A_107 : memref<1x125xi32, #tpu.memory_space<vmem>> -> memref<125xi32, #tpu.memory_space<vmem>>
    %dma_start3A_109 = arith.constant 0 : i32
    %dma_start3A_110 = arith.constant 0 : i32
    %dma_start3A_111 = tpu.memref_slice %arg2[%dma_start3A_109, %dma_start3A_110] : memref<40000x64xf32, #tpu.memory_space<hbm>> -> memref<40000x64xf32, #tpu.memory_space<hbm>>
    tpu.enqueue_indirect_dma source(%dma_start3A_111 : memref<40000x64xf32, #tpu.memory_space<hbm>>) target(%arg11 : memref<125x64xf32, #tpu.memory_space<vmem>>) offsets(%dma_start3A_108 : memref<125xi32, #tpu.memory_space<vmem>>) semaphore(%arg19 : memref<!tpu.dma_semaphore, #tpu.memory_space<semaphore_mem>>)
    %dma_start3A_112 = arith.constant 1 : i32
    %dma_start3A_113 = arith.constant 0 : i32
    %dma_start3A_114 = tpu.memref_slice %arg9[%dma_start3A_112, %dma_start3A_113] : memref<80x125xi32, #tpu.memory_space<vmem>> -> memref<1x125xi32, #tpu.memory_space<vmem>>
    %dma_start3A_115 = tpu.memref_squeeze %dma_start3A_114 : memref<1x125xi32, #tpu.memory_space<vmem>> -> memref<125xi32, #tpu.memory_space<vmem>>
    %dma_start3A_116 = arith.constant 0 : i32
    %dma_start3A_117 = arith.constant 0 : i32
    %dma_start3A_118 = tpu.memref_slice %arg2[%dma_start3A_116, %dma_start3A_117] : memref<40000x64xf32, #tpu.memory_space<hbm>> -> memref<40000x64xf32, #tpu.memory_space<hbm>>
    tpu.enqueue_indirect_dma source(%dma_start3A_118 : memref<40000x64xf32, #tpu.memory_space<hbm>>) target(%arg12 : memref<125x64xf32, #tpu.memory_space<vmem>>) offsets(%dma_start3A_115 : memref<125xi32, #tpu.memory_space<vmem>>) semaphore(%arg20 : memref<!tpu.dma_semaphore, #tpu.memory_space<semaphore_mem>>)
    %dma_start3A_119 = arith.constant 2 : i32
    %dma_start3A_120 = arith.constant 0 : i32
    %dma_start3A_121 = tpu.memref_slice %arg9[%dma_start3A_119, %dma_start3A_120] : memref<80x125xi32, #tpu.memory_space<vmem>> -> memref<1x125xi32, #tpu.memory_space<vmem>>
    %dma_start3A_122 = tpu.memref_squeeze %dma_start3A_121 : memref<1x125xi32, #tpu.memory_space<vmem>> -> memref<125xi32, #tpu.memory_space<vmem>>
    %dma_start3A_123 = arith.constant 0 : i32
    %dma_start3A_124 = arith.constant 0 : i32
    %dma_start3A_125 = tpu.memref_slice %arg2[%dma_start3A_123, %dma_start3A_124] : memref<40000x64xf32, #tpu.memory_space<hbm>> -> memref<40000x64xf32, #tpu.memory_space<hbm>>
    tpu.enqueue_indirect_dma source(%dma_start3A_125 : memref<40000x64xf32, #tpu.memory_space<hbm>>) target(%arg13 : memref<125x64xf32, #tpu.memory_space<vmem>>) offsets(%dma_start3A_122 : memref<125xi32, #tpu.memory_space<vmem>>) semaphore(%arg21 : memref<!tpu.dma_semaphore, #tpu.memory_space<semaphore_mem>>)
    %dma_start3A_126 = arith.constant 3 : i32
    %dma_start3A_127 = arith.constant 0 : i32
    %dma_start3A_128 = tpu.memref_slice %arg9[%dma_start3A_126, %dma_start3A_127] : memref<80x125xi32, #tpu.memory_space<vmem>> -> memref<1x125xi32, #tpu.memory_space<vmem>>
    %dma_start3A_129 = tpu.memref_squeeze %dma_start3A_128 : memref<1x125xi32, #tpu.memory_space<vmem>> -> memref<125xi32, #tpu.memory_space<vmem>>
    %dma_start3A_130 = arith.constant 0 : i32
    %dma_start3A_131 = arith.constant 0 : i32
    %dma_start3A_132 = tpu.memref_slice %arg2[%dma_start3A_130, %dma_start3A_131] : memref<40000x64xf32, #tpu.memory_space<hbm>> -> memref<40000x64xf32, #tpu.memory_space<hbm>>
    tpu.enqueue_indirect_dma source(%dma_start3A_132 : memref<40000x64xf32, #tpu.memory_space<hbm>>) target(%arg14 : memref<125x64xf32, #tpu.memory_space<vmem>>) offsets(%dma_start3A_129 : memref<125xi32, #tpu.memory_space<vmem>>) semaphore(%arg22 : memref<!tpu.dma_semaphore, #tpu.memory_space<semaphore_mem>>)
    %dma_start3A_133 = arith.constant 4 : i32
    %dma_start3A_134 = arith.constant 0 : i32
    %dma_start3A_135 = tpu.memref_slice %arg9[%dma_start3A_133, %dma_start3A_134] : memref<80x125xi32, #tpu.memory_space<vmem>> -> memref<1x125xi32, #tpu.memory_space<vmem>>
    %dma_start3A_136 = tpu.memref_squeeze %dma_start3A_135 : memref<1x125xi32, #tpu.memory_space<vmem>> -> memref<125xi32, #tpu.memory_space<vmem>>
    %dma_start3A_137 = arith.constant 0 : i32
    %dma_start3A_138 = arith.constant 0 : i32
    %dma_start3A_139 = tpu.memref_slice %arg2[%dma_start3A_137, %dma_start3A_138] : memref<40000x64xf32, #tpu.memory_space<hbm>> -> memref<40000x64xf32, #tpu.memory_space<hbm>>
    tpu.enqueue_indirect_dma source(%dma_start3A_139 : memref<40000x64xf32, #tpu.memory_space<hbm>>) target(%arg15 : memref<125x64xf32, #tpu.memory_space<vmem>>) offsets(%dma_start3A_136 : memref<125xi32, #tpu.memory_space<vmem>>) semaphore(%arg23 : memref<!tpu.dma_semaphore, #tpu.memory_space<semaphore_mem>>)
    %mul3A_140 = arith.constant 625 : i32
    %mul3A_141 = arith.muli %arg1, %mul3A_140 : i32
    %mul3A_142 = arith.constant 625 : i32
    %mul3A_143 = arith.muli %arg1, %mul3A_142 : i32
    "tpu.region"() ({
      %run_scoped3A = tpu.sem_alloc : memref<!tpu.dma_semaphore, #tpu.memory_space<semaphore_mem>>
      %dma_start3A_210 = arith.constant 0 : i32
      %dma_start3A_211 = tpu.memref_slice %arg8[%arg0, %mul3A_143, %dma_start3A_210] : memref<2x10000x128xf32, #tpu.memory_space<hbm>> -> memref<1x625x64xf32, #tpu.memory_space<hbm>>
      %dma_start3A_212 = tpu.memref_squeeze %dma_start3A_211 : memref<1x625x64xf32, #tpu.memory_space<hbm>> -> memref<625x64xf32, #tpu.memory_space<hbm>>
      %dma_start3A_213 = arith.constant 0 : i32
      %dma_start3A_214 = tpu.memref_slice %arg17[%mul3A_141, %dma_start3A_213] : memref<10000x64xf32, #tpu.memory_space<vmem_shared>> -> memref<625x64xf32, #tpu.memory_space<vmem_shared>>
      tpu.enqueue_dma source(%dma_start3A_214 : memref<625x64xf32, #tpu.memory_space<vmem_shared>>) target(%dma_start3A_212 : memref<625x64xf32, #tpu.memory_space<hbm>>) target_semaphore(%run_scoped3A : memref<!tpu.dma_semaphore, #tpu.memory_space<semaphore_mem>>)
      %dma_wait3A_215 = arith.constant 0 : i32
      %dma_wait3A_216 = tpu.memref_slice %arg8[%arg0, %mul3A_143, %dma_wait3A_215] : memref<2x10000x128xf32, #tpu.memory_space<hbm>> -> memref<1x625x64xf32, #tpu.memory_space<hbm>>
      %dma_wait3A_217 = tpu.memref_squeeze %dma_wait3A_216 : memref<1x625x64xf32, #tpu.memory_space<hbm>> -> memref<625x64xf32, #tpu.memory_space<hbm>>
      %dma_wait3A_218 = arith.constant 0 : i32
      %dma_wait3A_219 = tpu.memref_slice %arg17[%mul3A_141, %dma_wait3A_218] : memref<10000x64xf32, #tpu.memory_space<vmem_shared>> -> memref<625x64xf32, #tpu.memory_space<vmem_shared>>
      tpu.wait_dma2 semaphore(%run_scoped3A : memref<!tpu.dma_semaphore, #tpu.memory_space<semaphore_mem>>) src(%dma_wait3A_219 : memref<625x64xf32, #tpu.memory_space<vmem_shared>>) dst(%dma_wait3A_217 : memref<625x64xf32, #tpu.memory_space<hbm>>)
      tpu.yield
    }) : () -> ()
    %mul3A_144 = arith.constant 625 : i32
    %mul3A_145 = arith.muli %arg1, %mul3A_144 : i32
    %add3A_146 = arith.constant 0 : i32
    %add3A_147 = arith.addi %mul3A_145, %add3A_146 : i32
    "tpu.region"() ({
      %run_scoped3A = tpu.sem_alloc : memref<!tpu.dma_semaphore, #tpu.memory_space<semaphore_mem>>
      %dma_start3A_210 = arith.constant 0 : i32
      %dma_start3A_211 = tpu.memref_slice %arg17[%add3A_147, %dma_start3A_210] : memref<10000x64xf32, #tpu.memory_space<vmem_shared>> -> memref<125x64xf32, #tpu.memory_space<vmem_shared>>
      tpu.enqueue_dma source(%arg5 : memref<125x64xf32, #tpu.memory_space<hbm>>) target(%dma_start3A_211 : memref<125x64xf32, #tpu.memory_space<vmem_shared>>) target_semaphore(%run_scoped3A : memref<!tpu.dma_semaphore, #tpu.memory_space<semaphore_mem>>)
      %dma_wait3A_212 = arith.constant 0 : i32
      %dma_wait3A_213 = tpu.memref_slice %arg17[%add3A_147, %dma_wait3A_212] : memref<10000x64xf32, #tpu.memory_space<vmem_shared>> -> memref<125x64xf32, #tpu.memory_space<vmem_shared>>
      tpu.wait_dma2 semaphore(%run_scoped3A : memref<!tpu.dma_semaphore, #tpu.memory_space<semaphore_mem>>) src(%arg5 : memref<125x64xf32, #tpu.memory_space<hbm>>) dst(%dma_wait3A_213 : memref<125x64xf32, #tpu.memory_space<vmem_shared>>)
      tpu.yield
    }) : () -> ()
    %mul3A_148 = arith.constant 625 : i32
    %mul3A_149 = arith.muli %arg1, %mul3A_148 : i32
    %add3A_150 = arith.constant 125 : i32
    %add3A_151 = arith.addi %mul3A_149, %add3A_150 : i32
    "tpu.region"() ({
      %run_scoped3A = tpu.sem_alloc : memref<!tpu.dma_semaphore, #tpu.memory_space<semaphore_mem>>
      %dma_start3A_210 = arith.constant 0 : i32
      %dma_start3A_211 = tpu.memref_slice %arg17[%add3A_151, %dma_start3A_210] : memref<10000x64xf32, #tpu.memory_space<vmem_shared>> -> memref<125x64xf32, #tpu.memory_space<vmem_shared>>
      tpu.enqueue_dma source(%arg5 : memref<125x64xf32, #tpu.memory_space<hbm>>) target(%dma_start3A_211 : memref<125x64xf32, #tpu.memory_space<vmem_shared>>) target_semaphore(%run_scoped3A : memref<!tpu.dma_semaphore, #tpu.memory_space<semaphore_mem>>)
      %dma_wait3A_212 = arith.constant 0 : i32
      %dma_wait3A_213 = tpu.memref_slice %arg17[%add3A_151, %dma_wait3A_212] : memref<10000x64xf32, #tpu.memory_space<vmem_shared>> -> memref<125x64xf32, #tpu.memory_space<vmem_shared>>
      tpu.wait_dma2 semaphore(%run_scoped3A : memref<!tpu.dma_semaphore, #tpu.memory_space<semaphore_mem>>) src(%arg5 : memref<125x64xf32, #tpu.memory_space<hbm>>) dst(%dma_wait3A_213 : memref<125x64xf32, #tpu.memory_space<vmem_shared>>)
      tpu.yield
    }) : () -> ()
    %mul3A_152 = arith.constant 625 : i32
    %mul3A_153 = arith.muli %arg1, %mul3A_152 : i32
    %add3A_154 = arith.constant 250 : i32
    %add3A_155 = arith.addi %mul3A_153, %add3A_154 : i32
    "tpu.region"() ({
      %run_scoped3A = tpu.sem_alloc : memref<!tpu.dma_semaphore, #tpu.memory_space<semaphore_mem>>
      %dma_start3A_210 = arith.constant 0 : i32
      %dma_start3A_211 = tpu.memref_slice %arg17[%add3A_155, %dma_start3A_210] : memref<10000x64xf32, #tpu.memory_space<vmem_shared>> -> memref<125x64xf32, #tpu.memory_space<vmem_shared>>
      tpu.enqueue_dma source(%arg5 : memref<125x64xf32, #tpu.memory_space<hbm>>) target(%dma_start3A_211 : memref<125x64xf32, #tpu.memory_space<vmem_shared>>) target_semaphore(%run_scoped3A : memref<!tpu.dma_semaphore, #tpu.memory_space<semaphore_mem>>)
      %dma_wait3A_212 = arith.constant 0 : i32
      %dma_wait3A_213 = tpu.memref_slice %arg17[%add3A_155, %dma_wait3A_212] : memref<10000x64xf32, #tpu.memory_space<vmem_shared>> -> memref<125x64xf32, #tpu.memory_space<vmem_shared>>
      tpu.wait_dma2 semaphore(%run_scoped3A : memref<!tpu.dma_semaphore, #tpu.memory_space<semaphore_mem>>) src(%arg5 : memref<125x64xf32, #tpu.memory_space<hbm>>) dst(%dma_wait3A_213 : memref<125x64xf32, #tpu.memory_space<vmem_shared>>)
      tpu.yield
    }) : () -> ()
    %mul3A_156 = arith.constant 625 : i32
    %mul3A_157 = arith.muli %arg1, %mul3A_156 : i32
    %add3A_158 = arith.constant 375 : i32
    %add3A_159 = arith.addi %mul3A_157, %add3A_158 : i32
    "tpu.region"() ({
      %run_scoped3A = tpu.sem_alloc : memref<!tpu.dma_semaphore, #tpu.memory_space<semaphore_mem>>
      %dma_start3A_210 = arith.constant 0 : i32
      %dma_start3A_211 = tpu.memref_slice %arg17[%add3A_159, %dma_start3A_210] : memref<10000x64xf32, #tpu.memory_space<vmem_shared>> -> memref<125x64xf32, #tpu.memory_space<vmem_shared>>
      tpu.enqueue_dma source(%arg5 : memref<125x64xf32, #tpu.memory_space<hbm>>) target(%dma_start3A_211 : memref<125x64xf32, #tpu.memory_space<vmem_shared>>) target_semaphore(%run_scoped3A : memref<!tpu.dma_semaphore, #tpu.memory_space<semaphore_mem>>)
      %dma_wait3A_212 = arith.constant 0 : i32
      %dma_wait3A_213 = tpu.memref_slice %arg17[%add3A_159, %dma_wait3A_212] : memref<10000x64xf32, #tpu.memory_space<vmem_shared>> -> memref<125x64xf32, #tpu.memory_space<vmem_shared>>
      tpu.wait_dma2 semaphore(%run_scoped3A : memref<!tpu.dma_semaphore, #tpu.memory_space<semaphore_mem>>) src(%arg5 : memref<125x64xf32, #tpu.memory_space<hbm>>) dst(%dma_wait3A_213 : memref<125x64xf32, #tpu.memory_space<vmem_shared>>)
      tpu.yield
    }) : () -> ()
    %mul3A_160 = arith.constant 625 : i32
    %mul3A_161 = arith.muli %arg1, %mul3A_160 : i32
    %add3A_162 = arith.constant 500 : i32
    %add3A_163 = arith.addi %mul3A_161, %add3A_162 : i32
    "tpu.region"() ({
      %run_scoped3A = tpu.sem_alloc : memref<!tpu.dma_semaphore, #tpu.memory_space<semaphore_mem>>
      %dma_start3A_210 = arith.constant 0 : i32
      %dma_start3A_211 = tpu.memref_slice %arg17[%add3A_163, %dma_start3A_210] : memref<10000x64xf32, #tpu.memory_space<vmem_shared>> -> memref<125x64xf32, #tpu.memory_space<vmem_shared>>
      tpu.enqueue_dma source(%arg5 : memref<125x64xf32, #tpu.memory_space<hbm>>) target(%dma_start3A_211 : memref<125x64xf32, #tpu.memory_space<vmem_shared>>) target_semaphore(%run_scoped3A : memref<!tpu.dma_semaphore, #tpu.memory_space<semaphore_mem>>)
      %dma_wait3A_212 = arith.constant 0 : i32
      %dma_wait3A_213 = tpu.memref_slice %arg17[%add3A_163, %dma_wait3A_212] : memref<10000x64xf32, #tpu.memory_space<vmem_shared>> -> memref<125x64xf32, #tpu.memory_space<vmem_shared>>
      tpu.wait_dma2 semaphore(%run_scoped3A : memref<!tpu.dma_semaphore, #tpu.memory_space<semaphore_mem>>) src(%arg5 : memref<125x64xf32, #tpu.memory_space<hbm>>) dst(%dma_wait3A_213 : memref<125x64xf32, #tpu.memory_space<vmem_shared>>)
      tpu.yield
    }) : () -> ()
    %barrier3A_164 = arith.constant 0 : index
    tpu.barrier barrier_id(%barrier3A_164)
    %scan3A_165 = arith.constant 0 : i32
    %scan3A_166 = arith.constant 16 : i32
    %scan3A_167 = arith.addi %scan3A_165, %scan3A_166 : i32
    %scan3A_168 = arith.constant 1 : i32
    scf.for %scan3A_210 = %scan3A_165 to %scan3A_167 step %scan3A_168  : i32 {
      %mul3A_211 = arith.constant 5 : i32
      %mul3A_212 = arith.muli %mul3A_211, %scan3A_210 : i32
      %add3A_213 = arith.constant 0 : i32
      %add3A_214 = arith.addi %mul3A_212, %add3A_213 : i32
      %dma_wait3A_215 = arith.constant 0 : i32
      %dma_wait3A_216 = tpu.memref_slice %arg9[%add3A_214, %dma_wait3A_215] : memref<80x125xi32, #tpu.memory_space<vmem>> -> memref<1x125xi32, #tpu.memory_space<vmem>>
      %dma_wait3A_217 = tpu.memref_squeeze %dma_wait3A_216 : memref<1x125xi32, #tpu.memory_space<vmem>> -> memref<125xi32, #tpu.memory_space<vmem>>
      %dma_wait3A_218 = arith.constant 0 : i32
      %dma_wait3A_219 = arith.constant 0 : i32
      %dma_wait3A_220 = tpu.memref_slice %arg2[%dma_wait3A_218, %dma_wait3A_219] : memref<40000x64xf32, #tpu.memory_space<hbm>> -> memref<40000x64xf32, #tpu.memory_space<hbm>>
      tpu.wait_indirect_dma semaphore(%arg19 : memref<!tpu.dma_semaphore, #tpu.memory_space<semaphore_mem>>) src(%dma_wait3A_220 : memref<40000x64xf32, #tpu.memory_space<hbm>>) dst(%arg11 : memref<125x64xf32, #tpu.memory_space<vmem>>)
      %dma_start3A_221 = arith.constant 0 : i32
      %dma_start3A_222 = tpu.memref_slice %arg10[%add3A_214, %dma_start3A_221] : memref<80x125xi32, #tpu.memory_space<vmem>> -> memref<1x125xi32, #tpu.memory_space<vmem>>
      %dma_start3A_223 = tpu.memref_squeeze %dma_start3A_222 : memref<1x125xi32, #tpu.memory_space<vmem>> -> memref<125xi32, #tpu.memory_space<vmem>>
      %dma_start3A_224 = arith.constant 0 : i32
      %dma_start3A_225 = arith.constant 0 : i32
      %dma_start3A_226 = tpu.memref_slice %arg17[%dma_start3A_224, %dma_start3A_225] : memref<10000x64xf32, #tpu.memory_space<vmem_shared>> -> memref<10000x64xf32, #tpu.memory_space<vmem_shared>>
      tpu.enqueue_indirect_dma source(%arg11 : memref<125x64xf32, #tpu.memory_space<vmem>>) target(%dma_start3A_226 : memref<10000x64xf32, #tpu.memory_space<vmem_shared>>) offsets(%dma_start3A_223 : memref<125xi32, #tpu.memory_space<vmem>>) semaphore(%arg24 : memref<!tpu.dma_semaphore, #tpu.memory_space<semaphore_mem>>) {add = true}
      %add3A_227 = arith.constant 1 : i32
      %add3A_228 = arith.addi %mul3A_212, %add3A_227 : i32
      %dma_wait3A_229 = arith.constant 0 : i32
      %dma_wait3A_230 = tpu.memref_slice %arg9[%add3A_228, %dma_wait3A_229] : memref<80x125xi32, #tpu.memory_space<vmem>> -> memref<1x125xi32, #tpu.memory_space<vmem>>
      %dma_wait3A_231 = tpu.memref_squeeze %dma_wait3A_230 : memref<1x125xi32, #tpu.memory_space<vmem>> -> memref<125xi32, #tpu.memory_space<vmem>>
      %dma_wait3A_232 = arith.constant 0 : i32
      %dma_wait3A_233 = arith.constant 0 : i32
      %dma_wait3A_234 = tpu.memref_slice %arg2[%dma_wait3A_232, %dma_wait3A_233] : memref<40000x64xf32, #tpu.memory_space<hbm>> -> memref<40000x64xf32, #tpu.memory_space<hbm>>
      tpu.wait_indirect_dma semaphore(%arg20 : memref<!tpu.dma_semaphore, #tpu.memory_space<semaphore_mem>>) src(%dma_wait3A_234 : memref<40000x64xf32, #tpu.memory_space<hbm>>) dst(%arg12 : memref<125x64xf32, #tpu.memory_space<vmem>>)
      %dma_start3A_235 = arith.constant 0 : i32
      %dma_start3A_236 = tpu.memref_slice %arg10[%add3A_228, %dma_start3A_235] : memref<80x125xi32, #tpu.memory_space<vmem>> -> memref<1x125xi32, #tpu.memory_space<vmem>>
      %dma_start3A_237 = tpu.memref_squeeze %dma_start3A_236 : memref<1x125xi32, #tpu.memory_space<vmem>> -> memref<125xi32, #tpu.memory_space<vmem>>
      %dma_start3A_238 = arith.constant 0 : i32
      %dma_start3A_239 = arith.constant 0 : i32
      %dma_start3A_240 = tpu.memref_slice %arg17[%dma_start3A_238, %dma_start3A_239] : memref<10000x64xf32, #tpu.memory_space<vmem_shared>> -> memref<10000x64xf32, #tpu.memory_space<vmem_shared>>
      tpu.enqueue_indirect_dma source(%arg12 : memref<125x64xf32, #tpu.memory_space<vmem>>) target(%dma_start3A_240 : memref<10000x64xf32, #tpu.memory_space<vmem_shared>>) offsets(%dma_start3A_237 : memref<125xi32, #tpu.memory_space<vmem>>) semaphore(%arg25 : memref<!tpu.dma_semaphore, #tpu.memory_space<semaphore_mem>>) {add = true}
      %add3A_241 = arith.constant 2 : i32
      %add3A_242 = arith.addi %mul3A_212, %add3A_241 : i32
      %dma_wait3A_243 = arith.constant 0 : i32
      %dma_wait3A_244 = tpu.memref_slice %arg9[%add3A_242, %dma_wait3A_243] : memref<80x125xi32, #tpu.memory_space<vmem>> -> memref<1x125xi32, #tpu.memory_space<vmem>>
      %dma_wait3A_245 = tpu.memref_squeeze %dma_wait3A_244 : memref<1x125xi32, #tpu.memory_space<vmem>> -> memref<125xi32, #tpu.memory_space<vmem>>
      %dma_wait3A_246 = arith.constant 0 : i32
      %dma_wait3A_247 = arith.constant 0 : i32
      %dma_wait3A_248 = tpu.memref_slice %arg2[%dma_wait3A_246, %dma_wait3A_247] : memref<40000x64xf32, #tpu.memory_space<hbm>> -> memref<40000x64xf32, #tpu.memory_space<hbm>>
      tpu.wait_indirect_dma semaphore(%arg21 : memref<!tpu.dma_semaphore, #tpu.memory_space<semaphore_mem>>) src(%dma_wait3A_248 : memref<40000x64xf32, #tpu.memory_space<hbm>>) dst(%arg13 : memref<125x64xf32, #tpu.memory_space<vmem>>)
      %dma_start3A_249 = arith.constant 0 : i32
      %dma_start3A_250 = tpu.memref_slice %arg10[%add3A_242, %dma_start3A_249] : memref<80x125xi32, #tpu.memory_space<vmem>> -> memref<1x125xi32, #tpu.memory_space<vmem>>
      %dma_start3A_251 = tpu.memref_squeeze %dma_start3A_250 : memref<1x125xi32, #tpu.memory_space<vmem>> -> memref<125xi32, #tpu.memory_space<vmem>>
      %dma_start3A_252 = arith.constant 0 : i32
      %dma_start3A_253 = arith.constant 0 : i32
      %dma_start3A_254 = tpu.memref_slice %arg17[%dma_start3A_252, %dma_start3A_253] : memref<10000x64xf32, #tpu.memory_space<vmem_shared>> -> memref<10000x64xf32, #tpu.memory_space<vmem_shared>>
      tpu.enqueue_indirect_dma source(%arg13 : memref<125x64xf32, #tpu.memory_space<vmem>>) target(%dma_start3A_254 : memref<10000x64xf32, #tpu.memory_space<vmem_shared>>) offsets(%dma_start3A_251 : memref<125xi32, #tpu.memory_space<vmem>>) semaphore(%arg26 : memref<!tpu.dma_semaphore, #tpu.memory_space<semaphore_mem>>) {add = true}
      %add3A_255 = arith.constant 3 : i32
      %add3A_256 = arith.addi %mul3A_212, %add3A_255 : i32
      %dma_wait3A_257 = arith.constant 0 : i32
      %dma_wait3A_258 = tpu.memref_slice %arg9[%add3A_256, %dma_wait3A_257] : memref<80x125xi32, #tpu.memory_space<vmem>> -> memref<1x125xi32, #tpu.memory_space<vmem>>
      %dma_wait3A_259 = tpu.memref_squeeze %dma_wait3A_258 : memref<1x125xi32, #tpu.memory_space<vmem>> -> memref<125xi32, #tpu.memory_space<vmem>>
      %dma_wait3A_260 = arith.constant 0 : i32
      %dma_wait3A_261 = arith.constant 0 : i32
      %dma_wait3A_262 = tpu.memref_slice %arg2[%dma_wait3A_260, %dma_wait3A_261] : memref<40000x64xf32, #tpu.memory_space<hbm>> -> memref<40000x64xf32, #tpu.memory_space<hbm>>
      tpu.wait_indirect_dma semaphore(%arg22 : memref<!tpu.dma_semaphore, #tpu.memory_space<semaphore_mem>>) src(%dma_wait3A_262 : memref<40000x64xf32, #tpu.memory_space<hbm>>) dst(%arg14 : memref<125x64xf32, #tpu.memory_space<vmem>>)
      %dma_start3A_263 = arith.constant 0 : i32
      %dma_start3A_264 = tpu.memref_slice %arg10[%add3A_256, %dma_start3A_263] : memref<80x125xi32, #tpu.memory_space<vmem>> -> memref<1x125xi32, #tpu.memory_space<vmem>>
      %dma_start3A_265 = tpu.memref_squeeze %dma_start3A_264 : memref<1x125xi32, #tpu.memory_space<vmem>> -> memref<125xi32, #tpu.memory_space<vmem>>
      %dma_start3A_266 = arith.constant 0 : i32
      %dma_start3A_267 = arith.constant 0 : i32
      %dma_start3A_268 = tpu.memref_slice %arg17[%dma_start3A_266, %dma_start3A_267] : memref<10000x64xf32, #tpu.memory_space<vmem_shared>> -> memref<10000x64xf32, #tpu.memory_space<vmem_shared>>
      tpu.enqueue_indirect_dma source(%arg14 : memref<125x64xf32, #tpu.memory_space<vmem>>) target(%dma_start3A_268 : memref<10000x64xf32, #tpu.memory_space<vmem_shared>>) offsets(%dma_start3A_265 : memref<125xi32, #tpu.memory_space<vmem>>) semaphore(%arg27 : memref<!tpu.dma_semaphore, #tpu.memory_space<semaphore_mem>>) {add = true}
      %add3A_269 = arith.constant 4 : i32
      %add3A_270 = arith.addi %mul3A_212, %add3A_269 : i32
      %dma_wait3A_271 = arith.constant 0 : i32
      %dma_wait3A_272 = tpu.memref_slice %arg9[%add3A_270, %dma_wait3A_271] : memref<80x125xi32, #tpu.memory_space<vmem>> -> memref<1x125xi32, #tpu.memory_space<vmem>>
      %dma_wait3A_273 = tpu.memref_squeeze %dma_wait3A_272 : memref<1x125xi32, #tpu.memory_space<vmem>> -> memref<125xi32, #tpu.memory_space<vmem>>
      %dma_wait3A_274 = arith.constant 0 : i32
      %dma_wait3A_275 = arith.constant 0 : i32
      %dma_wait3A_276 = tpu.memref_slice %arg2[%dma_wait3A_274, %dma_wait3A_275] : memref<40000x64xf32, #tpu.memory_space<hbm>> -> memref<40000x64xf32, #tpu.memory_space<hbm>>
      tpu.wait_indirect_dma semaphore(%arg23 : memref<!tpu.dma_semaphore, #tpu.memory_space<semaphore_mem>>) src(%dma_wait3A_276 : memref<40000x64xf32, #tpu.memory_space<hbm>>) dst(%arg15 : memref<125x64xf32, #tpu.memory_space<vmem>>)
      %dma_start3A_277 = arith.constant 0 : i32
      %dma_start3A_278 = tpu.memref_slice %arg10[%add3A_270, %dma_start3A_277] : memref<80x125xi32, #tpu.memory_space<vmem>> -> memref<1x125xi32, #tpu.memory_space<vmem>>
      %dma_start3A_279 = tpu.memref_squeeze %dma_start3A_278 : memref<1x125xi32, #tpu.memory_space<vmem>> -> memref<125xi32, #tpu.memory_space<vmem>>
      %dma_start3A_280 = arith.constant 0 : i32
      %dma_start3A_281 = arith.constant 0 : i32
      %dma_start3A_282 = tpu.memref_slice %arg17[%dma_start3A_280, %dma_start3A_281] : memref<10000x64xf32, #tpu.memory_space<vmem_shared>> -> memref<10000x64xf32, #tpu.memory_space<vmem_shared>>
      tpu.enqueue_indirect_dma source(%arg15 : memref<125x64xf32, #tpu.memory_space<vmem>>) target(%dma_start3A_282 : memref<10000x64xf32, #tpu.memory_space<vmem_shared>>) offsets(%dma_start3A_279 : memref<125xi32, #tpu.memory_space<vmem>>) semaphore(%arg28 : memref<!tpu.dma_semaphore, #tpu.memory_space<semaphore_mem>>) {add = true}
      %add3A_283 = arith.constant 1 : i32
      %add3A_284 = arith.addi %scan3A_210, %add3A_283 : i32
      %lt3A = arith.constant 16 : i32
      %lt3A_285 = arith.cmpi slt, %add3A_284, %lt3A : i32
      %convert_element_type3A = arith.extui %lt3A_285 : i1 to i32
      %cond3A = arith.constant 0 : i32
      %cond3A_286 = arith.cmpi ne, %convert_element_type3A, %cond3A : i32
      scf.if %cond3A_286 {
        %add3A_287 = arith.constant 0 : i32
        %add3A_288 = arith.addi %mul3A_212, %add3A_287 : i32
        %dma_wait3A_289 = arith.constant 0 : i32
        %dma_wait3A_290 = tpu.memref_slice %arg10[%add3A_288, %dma_wait3A_289] : memref<80x125xi32, #tpu.memory_space<vmem>> -> memref<1x125xi32, #tpu.memory_space<vmem>>
        %dma_wait3A_291 = tpu.memref_squeeze %dma_wait3A_290 : memref<1x125xi32, #tpu.memory_space<vmem>> -> memref<125xi32, #tpu.memory_space<vmem>>
        %dma_wait3A_292 = arith.constant 0 : i32
        %dma_wait3A_293 = arith.constant 0 : i32
        %dma_wait3A_294 = tpu.memref_slice %arg17[%dma_wait3A_292, %dma_wait3A_293] : memref<10000x64xf32, #tpu.memory_space<vmem_shared>> -> memref<10000x64xf32, #tpu.memory_space<vmem_shared>>
        tpu.wait_indirect_dma semaphore(%arg24 : memref<!tpu.dma_semaphore, #tpu.memory_space<semaphore_mem>>) src(%arg11 : memref<125x64xf32, #tpu.memory_space<vmem>>) dst(%dma_wait3A_294 : memref<10000x64xf32, #tpu.memory_space<vmem_shared>>)
        %add3A_295 = arith.constant 5 : i32
        %add3A_296 = arith.addi %mul3A_212, %add3A_295 : i32
        %add3A_297 = arith.constant 0 : i32
        %add3A_298 = arith.addi %add3A_296, %add3A_297 : i32
        %dma_start3A_299 = arith.constant 0 : i32
        %dma_start3A_300 = tpu.memref_slice %arg9[%add3A_298, %dma_start3A_299] : memref<80x125xi32, #tpu.memory_space<vmem>> -> memref<1x125xi32, #tpu.memory_space<vmem>>
        %dma_start3A_301 = tpu.memref_squeeze %dma_start3A_300 : memref<1x125xi32, #tpu.memory_space<vmem>> -> memref<125xi32, #tpu.memory_space<vmem>>
        %dma_start3A_302 = arith.constant 0 : i32
        %dma_start3A_303 = arith.constant 0 : i32
        %dma_start3A_304 = tpu.memref_slice %arg2[%dma_start3A_302, %dma_start3A_303] : memref<40000x64xf32, #tpu.memory_space<hbm>> -> memref<40000x64xf32, #tpu.memory_space<hbm>>
        tpu.enqueue_indirect_dma source(%dma_start3A_304 : memref<40000x64xf32, #tpu.memory_space<hbm>>) target(%arg11 : memref<125x64xf32, #tpu.memory_space<vmem>>) offsets(%dma_start3A_301 : memref<125xi32, #tpu.memory_space<vmem>>) semaphore(%arg19 : memref<!tpu.dma_semaphore, #tpu.memory_space<semaphore_mem>>)
        %add3A_305 = arith.constant 1 : i32
        %add3A_306 = arith.addi %mul3A_212, %add3A_305 : i32
        %dma_wait3A_307 = arith.constant 0 : i32
        %dma_wait3A_308 = tpu.memref_slice %arg10[%add3A_306, %dma_wait3A_307] : memref<80x125xi32, #tpu.memory_space<vmem>> -> memref<1x125xi32, #tpu.memory_space<vmem>>
        %dma_wait3A_309 = tpu.memref_squeeze %dma_wait3A_308 : memref<1x125xi32, #tpu.memory_space<vmem>> -> memref<125xi32, #tpu.memory_space<vmem>>
        %dma_wait3A_310 = arith.constant 0 : i32
        %dma_wait3A_311 = arith.constant 0 : i32
        %dma_wait3A_312 = tpu.memref_slice %arg17[%dma_wait3A_310, %dma_wait3A_311] : memref<10000x64xf32, #tpu.memory_space<vmem_shared>> -> memref<10000x64xf32, #tpu.memory_space<vmem_shared>>
        tpu.wait_indirect_dma semaphore(%arg25 : memref<!tpu.dma_semaphore, #tpu.memory_space<semaphore_mem>>) src(%arg12 : memref<125x64xf32, #tpu.memory_space<vmem>>) dst(%dma_wait3A_312 : memref<10000x64xf32, #tpu.memory_space<vmem_shared>>)
        %add3A_313 = arith.constant 5 : i32
        %add3A_314 = arith.addi %mul3A_212, %add3A_313 : i32
        %add3A_315 = arith.constant 1 : i32
        %add3A_316 = arith.addi %add3A_314, %add3A_315 : i32
        %dma_start3A_317 = arith.constant 0 : i32
        %dma_start3A_318 = tpu.memref_slice %arg9[%add3A_316, %dma_start3A_317] : memref<80x125xi32, #tpu.memory_space<vmem>> -> memref<1x125xi32, #tpu.memory_space<vmem>>
        %dma_start3A_319 = tpu.memref_squeeze %dma_start3A_318 : memref<1x125xi32, #tpu.memory_space<vmem>> -> memref<125xi32, #tpu.memory_space<vmem>>
        %dma_start3A_320 = arith.constant 0 : i32
        %dma_start3A_321 = arith.constant 0 : i32
        %dma_start3A_322 = tpu.memref_slice %arg2[%dma_start3A_320, %dma_start3A_321] : memref<40000x64xf32, #tpu.memory_space<hbm>> -> memref<40000x64xf32, #tpu.memory_space<hbm>>
        tpu.enqueue_indirect_dma source(%dma_start3A_322 : memref<40000x64xf32, #tpu.memory_space<hbm>>) target(%arg12 : memref<125x64xf32, #tpu.memory_space<vmem>>) offsets(%dma_start3A_319 : memref<125xi32, #tpu.memory_space<vmem>>) semaphore(%arg20 : memref<!tpu.dma_semaphore, #tpu.memory_space<semaphore_mem>>)
        %add3A_323 = arith.constant 2 : i32
        %add3A_324 = arith.addi %mul3A_212, %add3A_323 : i32
        %dma_wait3A_325 = arith.constant 0 : i32
        %dma_wait3A_326 = tpu.memref_slice %arg10[%add3A_324, %dma_wait3A_325] : memref<80x125xi32, #tpu.memory_space<vmem>> -> memref<1x125xi32, #tpu.memory_space<vmem>>
        %dma_wait3A_327 = tpu.memref_squeeze %dma_wait3A_326 : memref<1x125xi32, #tpu.memory_space<vmem>> -> memref<125xi32, #tpu.memory_space<vmem>>
        %dma_wait3A_328 = arith.constant 0 : i32
        %dma_wait3A_329 = arith.constant 0 : i32
        %dma_wait3A_330 = tpu.memref_slice %arg17[%dma_wait3A_328, %dma_wait3A_329] : memref<10000x64xf32, #tpu.memory_space<vmem_shared>> -> memref<10000x64xf32, #tpu.memory_space<vmem_shared>>
        tpu.wait_indirect_dma semaphore(%arg26 : memref<!tpu.dma_semaphore, #tpu.memory_space<semaphore_mem>>) src(%arg13 : memref<125x64xf32, #tpu.memory_space<vmem>>) dst(%dma_wait3A_330 : memref<10000x64xf32, #tpu.memory_space<vmem_shared>>)
        %add3A_331 = arith.constant 5 : i32
        %add3A_332 = arith.addi %mul3A_212, %add3A_331 : i32
        %add3A_333 = arith.constant 2 : i32
        %add3A_334 = arith.addi %add3A_332, %add3A_333 : i32
        %dma_start3A_335 = arith.constant 0 : i32
        %dma_start3A_336 = tpu.memref_slice %arg9[%add3A_334, %dma_start3A_335] : memref<80x125xi32, #tpu.memory_space<vmem>> -> memref<1x125xi32, #tpu.memory_space<vmem>>
        %dma_start3A_337 = tpu.memref_squeeze %dma_start3A_336 : memref<1x125xi32, #tpu.memory_space<vmem>> -> memref<125xi32, #tpu.memory_space<vmem>>
        %dma_start3A_338 = arith.constant 0 : i32
        %dma_start3A_339 = arith.constant 0 : i32
        %dma_start3A_340 = tpu.memref_slice %arg2[%dma_start3A_338, %dma_start3A_339] : memref<40000x64xf32, #tpu.memory_space<hbm>> -> memref<40000x64xf32, #tpu.memory_space<hbm>>
        tpu.enqueue_indirect_dma source(%dma_start3A_340 : memref<40000x64xf32, #tpu.memory_space<hbm>>) target(%arg13 : memref<125x64xf32, #tpu.memory_space<vmem>>) offsets(%dma_start3A_337 : memref<125xi32, #tpu.memory_space<vmem>>) semaphore(%arg21 : memref<!tpu.dma_semaphore, #tpu.memory_space<semaphore_mem>>)
        %add3A_341 = arith.constant 3 : i32
        %add3A_342 = arith.addi %mul3A_212, %add3A_341 : i32
        %dma_wait3A_343 = arith.constant 0 : i32
        %dma_wait3A_344 = tpu.memref_slice %arg10[%add3A_342, %dma_wait3A_343] : memref<80x125xi32, #tpu.memory_space<vmem>> -> memref<1x125xi32, #tpu.memory_space<vmem>>
        %dma_wait3A_345 = tpu.memref_squeeze %dma_wait3A_344 : memref<1x125xi32, #tpu.memory_space<vmem>> -> memref<125xi32, #tpu.memory_space<vmem>>
        %dma_wait3A_346 = arith.constant 0 : i32
        %dma_wait3A_347 = arith.constant 0 : i32
        %dma_wait3A_348 = tpu.memref_slice %arg17[%dma_wait3A_346, %dma_wait3A_347] : memref<10000x64xf32, #tpu.memory_space<vmem_shared>> -> memref<10000x64xf32, #tpu.memory_space<vmem_shared>>
        tpu.wait_indirect_dma semaphore(%arg27 : memref<!tpu.dma_semaphore, #tpu.memory_space<semaphore_mem>>) src(%arg14 : memref<125x64xf32, #tpu.memory_space<vmem>>) dst(%dma_wait3A_348 : memref<10000x64xf32, #tpu.memory_space<vmem_shared>>)
        %add3A_349 = arith.constant 5 : i32
        %add3A_350 = arith.addi %mul3A_212, %add3A_349 : i32
        %add3A_351 = arith.constant 3 : i32
        %add3A_352 = arith.addi %add3A_350, %add3A_351 : i32
        %dma_start3A_353 = arith.constant 0 : i32
        %dma_start3A_354 = tpu.memref_slice %arg9[%add3A_352, %dma_start3A_353] : memref<80x125xi32, #tpu.memory_space<vmem>> -> memref<1x125xi32, #tpu.memory_space<vmem>>
        %dma_start3A_355 = tpu.memref_squeeze %dma_start3A_354 : memref<1x125xi32, #tpu.memory_space<vmem>> -> memref<125xi32, #tpu.memory_space<vmem>>
        %dma_start3A_356 = arith.constant 0 : i32
        %dma_start3A_357 = arith.constant 0 : i32
        %dma_start3A_358 = tpu.memref_slice %arg2[%dma_start3A_356, %dma_start3A_357] : memref<40000x64xf32, #tpu.memory_space<hbm>> -> memref<40000x64xf32, #tpu.memory_space<hbm>>
        tpu.enqueue_indirect_dma source(%dma_start3A_358 : memref<40000x64xf32, #tpu.memory_space<hbm>>) target(%arg14 : memref<125x64xf32, #tpu.memory_space<vmem>>) offsets(%dma_start3A_355 : memref<125xi32, #tpu.memory_space<vmem>>) semaphore(%arg22 : memref<!tpu.dma_semaphore, #tpu.memory_space<semaphore_mem>>)
        %add3A_359 = arith.constant 4 : i32
        %add3A_360 = arith.addi %mul3A_212, %add3A_359 : i32
        %dma_wait3A_361 = arith.constant 0 : i32
        %dma_wait3A_362 = tpu.memref_slice %arg10[%add3A_360, %dma_wait3A_361] : memref<80x125xi32, #tpu.memory_space<vmem>> -> memref<1x125xi32, #tpu.memory_space<vmem>>
        %dma_wait3A_363 = tpu.memref_squeeze %dma_wait3A_362 : memref<1x125xi32, #tpu.memory_space<vmem>> -> memref<125xi32, #tpu.memory_space<vmem>>
        %dma_wait3A_364 = arith.constant 0 : i32
        %dma_wait3A_365 = arith.constant 0 : i32
        %dma_wait3A_366 = tpu.memref_slice %arg17[%dma_wait3A_364, %dma_wait3A_365] : memref<10000x64xf32, #tpu.memory_space<vmem_shared>> -> memref<10000x64xf32, #tpu.memory_space<vmem_shared>>
        tpu.wait_indirect_dma semaphore(%arg28 : memref<!tpu.dma_semaphore, #tpu.memory_space<semaphore_mem>>) src(%arg15 : memref<125x64xf32, #tpu.memory_space<vmem>>) dst(%dma_wait3A_366 : memref<10000x64xf32, #tpu.memory_space<vmem_shared>>)
        %add3A_367 = arith.constant 5 : i32
        %add3A_368 = arith.addi %mul3A_212, %add3A_367 : i32
        %add3A_369 = arith.constant 4 : i32
        %add3A_370 = arith.addi %add3A_368, %add3A_369 : i32
        %dma_start3A_371 = arith.constant 0 : i32
        %dma_start3A_372 = tpu.memref_slice %arg9[%add3A_370, %dma_start3A_371] : memref<80x125xi32, #tpu.memory_space<vmem>> -> memref<1x125xi32, #tpu.memory_space<vmem>>
        %dma_start3A_373 = tpu.memref_squeeze %dma_start3A_372 : memref<1x125xi32, #tpu.memory_space<vmem>> -> memref<125xi32, #tpu.memory_space<vmem>>
        %dma_start3A_374 = arith.constant 0 : i32
        %dma_start3A_375 = arith.constant 0 : i32
        %dma_start3A_376 = tpu.memref_slice %arg2[%dma_start3A_374, %dma_start3A_375] : memref<40000x64xf32, #tpu.memory_space<hbm>> -> memref<40000x64xf32, #tpu.memory_space<hbm>>
        tpu.enqueue_indirect_dma source(%dma_start3A_376 : memref<40000x64xf32, #tpu.memory_space<hbm>>) target(%arg15 : memref<125x64xf32, #tpu.memory_space<vmem>>) offsets(%dma_start3A_373 : memref<125xi32, #tpu.memory_space<vmem>>) semaphore(%arg23 : memref<!tpu.dma_semaphore, #tpu.memory_space<semaphore_mem>>)
      } else {
      }
    }
    %scan3A_169 = arith.constant 16 : i32
    %dma_wait3A_170 = arith.constant 75 : i32
    %dma_wait3A_171 = arith.constant 0 : i32
    %dma_wait3A_172 = tpu.memref_slice %arg10[%dma_wait3A_170, %dma_wait3A_171] : memref<80x125xi32, #tpu.memory_space<vmem>> -> memref<1x125xi32, #tpu.memory_space<vmem>>
    %dma_wait3A_173 = tpu.memref_squeeze %dma_wait3A_172 : memref<1x125xi32, #tpu.memory_space<vmem>> -> memref<125xi32, #tpu.memory_space<vmem>>
    %dma_wait3A_174 = arith.constant 0 : i32
    %dma_wait3A_175 = arith.constant 0 : i32
    %dma_wait3A_176 = tpu.memref_slice %arg17[%dma_wait3A_174, %dma_wait3A_175] : memref<10000x64xf32, #tpu.memory_space<vmem_shared>> -> memref<10000x64xf32, #tpu.memory_space<vmem_shared>>
    tpu.wait_indirect_dma semaphore(%arg24 : memref<!tpu.dma_semaphore, #tpu.memory_space<semaphore_mem>>) src(%arg11 : memref<125x64xf32, #tpu.memory_space<vmem>>) dst(%dma_wait3A_176 : memref<10000x64xf32, #tpu.memory_space<vmem_shared>>)
    %dma_wait3A_177 = arith.constant 76 : i32
    %dma_wait3A_178 = arith.constant 0 : i32
    %dma_wait3A_179 = tpu.memref_slice %arg10[%dma_wait3A_177, %dma_wait3A_178] : memref<80x125xi32, #tpu.memory_space<vmem>> -> memref<1x125xi32, #tpu.memory_space<vmem>>
    %dma_wait3A_180 = tpu.memref_squeeze %dma_wait3A_179 : memref<1x125xi32, #tpu.memory_space<vmem>> -> memref<125xi32, #tpu.memory_space<vmem>>
    %dma_wait3A_181 = arith.constant 0 : i32
    %dma_wait3A_182 = arith.constant 0 : i32
    %dma_wait3A_183 = tpu.memref_slice %arg17[%dma_wait3A_181, %dma_wait3A_182] : memref<10000x64xf32, #tpu.memory_space<vmem_shared>> -> memref<10000x64xf32, #tpu.memory_space<vmem_shared>>
    tpu.wait_indirect_dma semaphore(%arg25 : memref<!tpu.dma_semaphore, #tpu.memory_space<semaphore_mem>>) src(%arg12 : memref<125x64xf32, #tpu.memory_space<vmem>>) dst(%dma_wait3A_183 : memref<10000x64xf32, #tpu.memory_space<vmem_shared>>)
    %dma_wait3A_184 = arith.constant 77 : i32
    %dma_wait3A_185 = arith.constant 0 : i32
    %dma_wait3A_186 = tpu.memref_slice %arg10[%dma_wait3A_184, %dma_wait3A_185] : memref<80x125xi32, #tpu.memory_space<vmem>> -> memref<1x125xi32, #tpu.memory_space<vmem>>
    %dma_wait3A_187 = tpu.memref_squeeze %dma_wait3A_186 : memref<1x125xi32, #tpu.memory_space<vmem>> -> memref<125xi32, #tpu.memory_space<vmem>>
    %dma_wait3A_188 = arith.constant 0 : i32
    %dma_wait3A_189 = arith.constant 0 : i32
    %dma_wait3A_190 = tpu.memref_slice %arg17[%dma_wait3A_188, %dma_wait3A_189] : memref<10000x64xf32, #tpu.memory_space<vmem_shared>> -> memref<10000x64xf32, #tpu.memory_space<vmem_shared>>
    tpu.wait_indirect_dma semaphore(%arg26 : memref<!tpu.dma_semaphore, #tpu.memory_space<semaphore_mem>>) src(%arg13 : memref<125x64xf32, #tpu.memory_space<vmem>>) dst(%dma_wait3A_190 : memref<10000x64xf32, #tpu.memory_space<vmem_shared>>)
    %dma_wait3A_191 = arith.constant 78 : i32
    %dma_wait3A_192 = arith.constant 0 : i32
    %dma_wait3A_193 = tpu.memref_slice %arg10[%dma_wait3A_191, %dma_wait3A_192] : memref<80x125xi32, #tpu.memory_space<vmem>> -> memref<1x125xi32, #tpu.memory_space<vmem>>
    %dma_wait3A_194 = tpu.memref_squeeze %dma_wait3A_193 : memref<1x125xi32, #tpu.memory_space<vmem>> -> memref<125xi32, #tpu.memory_space<vmem>>
    %dma_wait3A_195 = arith.constant 0 : i32
    %dma_wait3A_196 = arith.constant 0 : i32
    %dma_wait3A_197 = tpu.memref_slice %arg17[%dma_wait3A_195, %dma_wait3A_196] : memref<10000x64xf32, #tpu.memory_space<vmem_shared>> -> memref<10000x64xf32, #tpu.memory_space<vmem_shared>>
    tpu.wait_indirect_dma semaphore(%arg27 : memref<!tpu.dma_semaphore, #tpu.memory_space<semaphore_mem>>) src(%arg14 : memref<125x64xf32, #tpu.memory_space<vmem>>) dst(%dma_wait3A_197 : memref<10000x64xf32, #tpu.memory_space<vmem_shared>>)
    %dma_wait3A_198 = arith.constant 79 : i32
    %dma_wait3A_199 = arith.constant 0 : i32
    %dma_wait3A_200 = tpu.memref_slice %arg10[%dma_wait3A_198, %dma_wait3A_199] : memref<80x125xi32, #tpu.memory_space<vmem>> -> memref<1x125xi32, #tpu.memory_space<vmem>>
    %dma_wait3A_201 = tpu.memref_squeeze %dma_wait3A_200 : memref<1x125xi32, #tpu.memory_space<vmem>> -> memref<125xi32, #tpu.memory_space<vmem>>
    %dma_wait3A_202 = arith.constant 0 : i32
    %dma_wait3A_203 = arith.constant 0 : i32
    %dma_wait3A_204 = tpu.memref_slice %arg17[%dma_wait3A_202, %dma_wait3A_203] : memref<10000x64xf32, #tpu.memory_space<vmem_shared>> -> memref<10000x64xf32, #tpu.memory_space<vmem_shared>>
    tpu.wait_indirect_dma semaphore(%arg28 : memref<!tpu.dma_semaphore, #tpu.memory_space<semaphore_mem>>) src(%arg15 : memref<125x64xf32, #tpu.memory_space<vmem>>) dst(%dma_wait3A_204 : memref<10000x64xf32, #tpu.memory_space<vmem_shared>>)
    %barrier3A_205 = arith.constant 0 : index
    tpu.barrier barrier_id(%barrier3A_205)
    %mul3A_206 = arith.constant 625 : i32
    %mul3A_207 = arith.muli %arg1, %mul3A_206 : i32
    %mul3A_208 = arith.constant 625 : i32
    %mul3A_209 = arith.muli %arg1, %mul3A_208 : i32
    "tpu.region"() ({
      %run_scoped3A = tpu.sem_alloc : memref<!tpu.dma_semaphore, #tpu.memory_space<semaphore_mem>>
      %dma_start3A_210 = arith.constant 64 : i32
      %dma_start3A_211 = tpu.memref_slice %arg8[%arg0, %mul3A_209, %dma_start3A_210] : memref<2x10000x128xf32, #tpu.memory_space<hbm>> -> memref<1x625x64xf32, #tpu.memory_space<hbm>>
      %dma_start3A_212 = tpu.memref_squeeze %dma_start3A_211 : memref<1x625x64xf32, #tpu.memory_space<hbm>> -> memref<625x64xf32, #tpu.memory_space<hbm>>
      %dma_start3A_213 = arith.constant 0 : i32
      %dma_start3A_214 = tpu.memref_slice %arg17[%mul3A_207, %dma_start3A_213] : memref<10000x64xf32, #tpu.memory_space<vmem_shared>> -> memref<625x64xf32, #tpu.memory_space<vmem_shared>>
      tpu.enqueue_dma source(%dma_start3A_214 : memref<625x64xf32, #tpu.memory_space<vmem_shared>>) target(%dma_start3A_212 : memref<625x64xf32, #tpu.memory_space<hbm>>) target_semaphore(%run_scoped3A : memref<!tpu.dma_semaphore, #tpu.memory_space<semaphore_mem>>)
      %dma_wait3A_215 = arith.constant 64 : i32
      %dma_wait3A_216 = tpu.memref_slice %arg8[%arg0, %mul3A_209, %dma_wait3A_215] : memref<2x10000x128xf32, #tpu.memory_space<hbm>> -> memref<1x625x64xf32, #tpu.memory_space<hbm>>
      %dma_wait3A_217 = tpu.memref_squeeze %dma_wait3A_216 : memref<1x625x64xf32, #tpu.memory_space<hbm>> -> memref<625x64xf32, #tpu.memory_space<hbm>>
      %dma_wait3A_218 = arith.constant 0 : i32
      %dma_wait3A_219 = tpu.memref_slice %arg17[%mul3A_207, %dma_wait3A_218] : memref<10000x64xf32, #tpu.memory_space<vmem_shared>> -> memref<625x64xf32, #tpu.memory_space<vmem_shared>>
      tpu.wait_dma2 semaphore(%run_scoped3A : memref<!tpu.dma_semaphore, #tpu.memory_space<semaphore_mem>>) src(%dma_wait3A_219 : memref<625x64xf32, #tpu.memory_space<vmem_shared>>) dst(%dma_wait3A_217 : memref<625x64xf32, #tpu.memory_space<hbm>>)
      tpu.yield
    }) : () -> ()
    return
  }
}

#map = affine_map<(d0, d1) -> (0, 0)>
#map1 = affine_map<(d0, d1) -> (0, 0, 0)>
module attributes {stable_mosaic.version = 14 : i64} {
  func.func @sc_agg_deg(%arg0: i32, %arg1: i32, %arg2: memref<40000x64xf32, #tpu.memory_space<hbm>>, %arg3: memref<64x80x125xi32, #tpu.memory_space<hbm>>, %arg4: memref<16x80x125xi32, #tpu.memory_space<hbm>>, %arg5: memref<125x64xf32, #tpu.memory_space<hbm>>, %arg6: memref<625x16xf32, #tpu.memory_space<hbm>>, %arg7: memref<125x16xf32, #tpu.memory_space<hbm>>, %arg8: memref<2x10000x128xf32, #tpu.memory_space<hbm>>, %arg9: memref<10000x16xf32, #tpu.memory_space<hbm>>, %arg10: memref<80x125xi32, #tpu.memory_space<vmem>>, %arg11: memref<80x125xi32, #tpu.memory_space<vmem>>, %arg12: memref<125x64xf32, #tpu.memory_space<vmem>>, %arg13: memref<125x64xf32, #tpu.memory_space<vmem>>, %arg14: memref<125x64xf32, #tpu.memory_space<vmem>>, %arg15: memref<125x64xf32, #tpu.memory_space<vmem>>, %arg16: memref<125x64xf32, #tpu.memory_space<vmem>>, %arg17: memref<125x16xf32, #tpu.memory_space<vmem>>, %arg18: memref<10000x64xf32, #tpu.memory_space<vmem_shared>>, %arg19: memref<10000x16xf32, #tpu.memory_space<vmem_shared>>, %arg20: memref<!tpu.dma_semaphore, #tpu.memory_space<semaphore_mem>>, %arg21: memref<!tpu.dma_semaphore, #tpu.memory_space<semaphore_mem>>, %arg22: memref<!tpu.dma_semaphore, #tpu.memory_space<semaphore_mem>>, %arg23: memref<!tpu.dma_semaphore, #tpu.memory_space<semaphore_mem>>, %arg24: memref<!tpu.dma_semaphore, #tpu.memory_space<semaphore_mem>>, %arg25: memref<!tpu.dma_semaphore, #tpu.memory_space<semaphore_mem>>, %arg26: memref<!tpu.dma_semaphore, #tpu.memory_space<semaphore_mem>>, %arg27: memref<!tpu.dma_semaphore, #tpu.memory_space<semaphore_mem>>, %arg28: memref<!tpu.dma_semaphore, #tpu.memory_space<semaphore_mem>>, %arg29: memref<!tpu.dma_semaphore, #tpu.memory_space<semaphore_mem>>, %arg30: memref<!tpu.dma_semaphore, #tpu.memory_space<semaphore_mem>>) attributes {dimension_semantics = [#tpu.dimension_semantics<core_parallel>, #tpu.dimension_semantics<subcore_parallel>], iteration_bounds = array<i64: 2, 16>, scalar_prefetch = 0 : i64, scratch_operands = 21 : i64, tpu.core_type = #tpu.core_type<sc_vector_subcore>, window_params = [{transform_indices = #map}, {transform_indices = #map1}, {transform_indices = #map1}, {transform_indices = #map}, {transform_indices = #map}, {transform_indices = #map}, {transform_indices = #map1}, {transform_indices = #map}]} {
    "tpu.region"() ({
      %run_scoped3A = tpu.sem_alloc : memref<!tpu.dma_semaphore, #tpu.memory_space<semaphore_mem>>
      %dma_start3A_224 = arith.constant 0 : i32
      %dma_start3A_225 = arith.constant 0 : i32
      %dma_start3A_226 = tpu.memref_slice %arg4[%arg1, %dma_start3A_224, %dma_start3A_225] : memref<16x80x125xi32, #tpu.memory_space<hbm>> -> memref<1x80x125xi32, #tpu.memory_space<hbm>>
      %dma_start3A_227 = tpu.memref_squeeze %dma_start3A_226 : memref<1x80x125xi32, #tpu.memory_space<hbm>> -> memref<80x125xi32, #tpu.memory_space<hbm>>
      %dma_start3A_228 = arith.constant 0 : i32
      %dma_start3A_229 = arith.constant 0 : i32
      %dma_start3A_230 = tpu.memref_slice %arg4[%arg1, %dma_start3A_228, %dma_start3A_229] : memref<16x80x125xi32, #tpu.memory_space<hbm>> -> memref<1x80x125xi32, #tpu.memory_space<hbm>>
      %dma_start3A_231 = tpu.memref_squeeze %dma_start3A_230 : memref<1x80x125xi32, #tpu.memory_space<hbm>> -> memref<80x125xi32, #tpu.memory_space<hbm>>
      tpu.enqueue_dma source(%dma_start3A_231 : memref<80x125xi32, #tpu.memory_space<hbm>>) target(%arg11 : memref<80x125xi32, #tpu.memory_space<vmem>>) target_semaphore(%run_scoped3A : memref<!tpu.dma_semaphore, #tpu.memory_space<semaphore_mem>>)
      %dma_wait3A_232 = arith.constant 0 : i32
      %dma_wait3A_233 = arith.constant 0 : i32
      %dma_wait3A_234 = tpu.memref_slice %arg4[%arg1, %dma_wait3A_232, %dma_wait3A_233] : memref<16x80x125xi32, #tpu.memory_space<hbm>> -> memref<1x80x125xi32, #tpu.memory_space<hbm>>
      %dma_wait3A_235 = tpu.memref_squeeze %dma_wait3A_234 : memref<1x80x125xi32, #tpu.memory_space<hbm>> -> memref<80x125xi32, #tpu.memory_space<hbm>>
      %dma_wait3A_236 = arith.constant 0 : i32
      %dma_wait3A_237 = arith.constant 0 : i32
      %dma_wait3A_238 = tpu.memref_slice %arg4[%arg1, %dma_wait3A_236, %dma_wait3A_237] : memref<16x80x125xi32, #tpu.memory_space<hbm>> -> memref<1x80x125xi32, #tpu.memory_space<hbm>>
      %dma_wait3A_239 = tpu.memref_squeeze %dma_wait3A_238 : memref<1x80x125xi32, #tpu.memory_space<hbm>> -> memref<80x125xi32, #tpu.memory_space<hbm>>
      tpu.wait_dma2 semaphore(%run_scoped3A : memref<!tpu.dma_semaphore, #tpu.memory_space<semaphore_mem>>) src(%dma_wait3A_239 : memref<80x125xi32, #tpu.memory_space<hbm>>) dst(%arg11 : memref<80x125xi32, #tpu.memory_space<vmem>>)
      tpu.yield
    }) : () -> ()
    %eq3A = arith.constant 0 : i32
    %eq3A_0 = arith.cmpi eq, %arg0, %eq3A : i32
    %convert_element_type3A = arith.extui %eq3A_0 : i1 to i32
    %cond3A = arith.constant 0 : i32
    %cond3A_1 = arith.cmpi ne, %convert_element_type3A, %cond3A : i32
    scf.if %cond3A_1 {
      %mul3A_224 = arith.constant 625 : i32
      %mul3A_225 = arith.muli %arg1, %mul3A_224 : i32
      "tpu.region"() ({
        %run_scoped3A = tpu.sem_alloc : memref<!tpu.dma_semaphore, #tpu.memory_space<semaphore_mem>>
        %dma_start3A_226 = arith.constant 0 : i32
        %dma_start3A_227 = tpu.memref_slice %arg19[%mul3A_225, %dma_start3A_226] : memref<10000x16xf32, #tpu.memory_space<vmem_shared>> -> memref<625x16xf32, #tpu.memory_space<vmem_shared>>
        tpu.enqueue_dma source(%arg6 : memref<625x16xf32, #tpu.memory_space<hbm>>) target(%dma_start3A_227 : memref<625x16xf32, #tpu.memory_space<vmem_shared>>) target_semaphore(%run_scoped3A : memref<!tpu.dma_semaphore, #tpu.memory_space<semaphore_mem>>)
        %dma_wait3A_228 = arith.constant 0 : i32
        %dma_wait3A_229 = tpu.memref_slice %arg19[%mul3A_225, %dma_wait3A_228] : memref<10000x16xf32, #tpu.memory_space<vmem_shared>> -> memref<625x16xf32, #tpu.memory_space<vmem_shared>>
        tpu.wait_dma2 semaphore(%run_scoped3A : memref<!tpu.dma_semaphore, #tpu.memory_space<semaphore_mem>>) src(%arg6 : memref<625x16xf32, #tpu.memory_space<hbm>>) dst(%dma_wait3A_229 : memref<625x16xf32, #tpu.memory_space<vmem_shared>>)
        tpu.yield
      }) : () -> ()
      "tpu.region"() ({
        %run_scoped3A = tpu.sem_alloc : memref<!tpu.dma_semaphore, #tpu.memory_space<semaphore_mem>>
        tpu.enqueue_dma source(%arg7 : memref<125x16xf32, #tpu.memory_space<hbm>>) target(%arg17 : memref<125x16xf32, #tpu.memory_space<vmem>>) target_semaphore(%run_scoped3A : memref<!tpu.dma_semaphore, #tpu.memory_space<semaphore_mem>>)
        tpu.wait_dma2 semaphore(%run_scoped3A : memref<!tpu.dma_semaphore, #tpu.memory_space<semaphore_mem>>) src(%arg7 : memref<125x16xf32, #tpu.memory_space<hbm>>) dst(%arg17 : memref<125x16xf32, #tpu.memory_space<vmem>>)
        tpu.yield
      }) : () -> ()
    } else {
    }
    %mul3A = arith.constant 2 : i32
    %mul3A_2 = arith.muli %mul3A, %arg0 : i32
    %add3A = arith.constant 0 : i32
    %add3A_3 = arith.addi %mul3A_2, %add3A : i32
    %mul3A_4 = arith.constant 16 : i32
    %mul3A_5 = arith.muli %add3A_3, %mul3A_4 : i32
    %add3A_6 = arith.addi %mul3A_5, %arg1 : i32
    "tpu.region"() ({
      %run_scoped3A = tpu.sem_alloc : memref<!tpu.dma_semaphore, #tpu.memory_space<semaphore_mem>>
      %dma_start3A_224 = arith.constant 0 : i32
      %dma_start3A_225 = arith.constant 0 : i32
      %dma_start3A_226 = tpu.memref_slice %arg3[%add3A_6, %dma_start3A_224, %dma_start3A_225] : memref<64x80x125xi32, #tpu.memory_space<hbm>> -> memref<1x80x125xi32, #tpu.memory_space<hbm>>
      %dma_start3A_227 = tpu.memref_squeeze %dma_start3A_226 : memref<1x80x125xi32, #tpu.memory_space<hbm>> -> memref<80x125xi32, #tpu.memory_space<hbm>>
      %dma_start3A_228 = arith.constant 0 : i32
      %dma_start3A_229 = arith.constant 0 : i32
      %dma_start3A_230 = tpu.memref_slice %arg3[%add3A_6, %dma_start3A_228, %dma_start3A_229] : memref<64x80x125xi32, #tpu.memory_space<hbm>> -> memref<1x80x125xi32, #tpu.memory_space<hbm>>
      %dma_start3A_231 = tpu.memref_squeeze %dma_start3A_230 : memref<1x80x125xi32, #tpu.memory_space<hbm>> -> memref<80x125xi32, #tpu.memory_space<hbm>>
      tpu.enqueue_dma source(%dma_start3A_231 : memref<80x125xi32, #tpu.memory_space<hbm>>) target(%arg10 : memref<80x125xi32, #tpu.memory_space<vmem>>) target_semaphore(%run_scoped3A : memref<!tpu.dma_semaphore, #tpu.memory_space<semaphore_mem>>)
      %dma_wait3A_232 = arith.constant 0 : i32
      %dma_wait3A_233 = arith.constant 0 : i32
      %dma_wait3A_234 = tpu.memref_slice %arg3[%add3A_6, %dma_wait3A_232, %dma_wait3A_233] : memref<64x80x125xi32, #tpu.memory_space<hbm>> -> memref<1x80x125xi32, #tpu.memory_space<hbm>>
      %dma_wait3A_235 = tpu.memref_squeeze %dma_wait3A_234 : memref<1x80x125xi32, #tpu.memory_space<hbm>> -> memref<80x125xi32, #tpu.memory_space<hbm>>
      %dma_wait3A_236 = arith.constant 0 : i32
      %dma_wait3A_237 = arith.constant 0 : i32
      %dma_wait3A_238 = tpu.memref_slice %arg3[%add3A_6, %dma_wait3A_236, %dma_wait3A_237] : memref<64x80x125xi32, #tpu.memory_space<hbm>> -> memref<1x80x125xi32, #tpu.memory_space<hbm>>
      %dma_wait3A_239 = tpu.memref_squeeze %dma_wait3A_238 : memref<1x80x125xi32, #tpu.memory_space<hbm>> -> memref<80x125xi32, #tpu.memory_space<hbm>>
      tpu.wait_dma2 semaphore(%run_scoped3A : memref<!tpu.dma_semaphore, #tpu.memory_space<semaphore_mem>>) src(%dma_wait3A_239 : memref<80x125xi32, #tpu.memory_space<hbm>>) dst(%arg10 : memref<80x125xi32, #tpu.memory_space<vmem>>)
      tpu.yield
    }) : () -> ()
    %dma_start3A = arith.constant 0 : i32
    %dma_start3A_7 = arith.constant 0 : i32
    %dma_start3A_8 = tpu.memref_slice %arg10[%dma_start3A, %dma_start3A_7] : memref<80x125xi32, #tpu.memory_space<vmem>> -> memref<1x125xi32, #tpu.memory_space<vmem>>
    %dma_start3A_9 = tpu.memref_squeeze %dma_start3A_8 : memref<1x125xi32, #tpu.memory_space<vmem>> -> memref<125xi32, #tpu.memory_space<vmem>>
    %dma_start3A_10 = arith.constant 0 : i32
    %dma_start3A_11 = arith.constant 0 : i32
    %dma_start3A_12 = tpu.memref_slice %arg2[%dma_start3A_10, %dma_start3A_11] : memref<40000x64xf32, #tpu.memory_space<hbm>> -> memref<40000x64xf32, #tpu.memory_space<hbm>>
    tpu.enqueue_indirect_dma source(%dma_start3A_12 : memref<40000x64xf32, #tpu.memory_space<hbm>>) target(%arg12 : memref<125x64xf32, #tpu.memory_space<vmem>>) offsets(%dma_start3A_9 : memref<125xi32, #tpu.memory_space<vmem>>) semaphore(%arg20 : memref<!tpu.dma_semaphore, #tpu.memory_space<semaphore_mem>>)
    %dma_start3A_13 = arith.constant 1 : i32
    %dma_start3A_14 = arith.constant 0 : i32
    %dma_start3A_15 = tpu.memref_slice %arg10[%dma_start3A_13, %dma_start3A_14] : memref<80x125xi32, #tpu.memory_space<vmem>> -> memref<1x125xi32, #tpu.memory_space<vmem>>
    %dma_start3A_16 = tpu.memref_squeeze %dma_start3A_15 : memref<1x125xi32, #tpu.memory_space<vmem>> -> memref<125xi32, #tpu.memory_space<vmem>>
    %dma_start3A_17 = arith.constant 0 : i32
    %dma_start3A_18 = arith.constant 0 : i32
    %dma_start3A_19 = tpu.memref_slice %arg2[%dma_start3A_17, %dma_start3A_18] : memref<40000x64xf32, #tpu.memory_space<hbm>> -> memref<40000x64xf32, #tpu.memory_space<hbm>>
    tpu.enqueue_indirect_dma source(%dma_start3A_19 : memref<40000x64xf32, #tpu.memory_space<hbm>>) target(%arg13 : memref<125x64xf32, #tpu.memory_space<vmem>>) offsets(%dma_start3A_16 : memref<125xi32, #tpu.memory_space<vmem>>) semaphore(%arg21 : memref<!tpu.dma_semaphore, #tpu.memory_space<semaphore_mem>>)
    %dma_start3A_20 = arith.constant 2 : i32
    %dma_start3A_21 = arith.constant 0 : i32
    %dma_start3A_22 = tpu.memref_slice %arg10[%dma_start3A_20, %dma_start3A_21] : memref<80x125xi32, #tpu.memory_space<vmem>> -> memref<1x125xi32, #tpu.memory_space<vmem>>
    %dma_start3A_23 = tpu.memref_squeeze %dma_start3A_22 : memref<1x125xi32, #tpu.memory_space<vmem>> -> memref<125xi32, #tpu.memory_space<vmem>>
    %dma_start3A_24 = arith.constant 0 : i32
    %dma_start3A_25 = arith.constant 0 : i32
    %dma_start3A_26 = tpu.memref_slice %arg2[%dma_start3A_24, %dma_start3A_25] : memref<40000x64xf32, #tpu.memory_space<hbm>> -> memref<40000x64xf32, #tpu.memory_space<hbm>>
    tpu.enqueue_indirect_dma source(%dma_start3A_26 : memref<40000x64xf32, #tpu.memory_space<hbm>>) target(%arg14 : memref<125x64xf32, #tpu.memory_space<vmem>>) offsets(%dma_start3A_23 : memref<125xi32, #tpu.memory_space<vmem>>) semaphore(%arg22 : memref<!tpu.dma_semaphore, #tpu.memory_space<semaphore_mem>>)
    %dma_start3A_27 = arith.constant 3 : i32
    %dma_start3A_28 = arith.constant 0 : i32
    %dma_start3A_29 = tpu.memref_slice %arg10[%dma_start3A_27, %dma_start3A_28] : memref<80x125xi32, #tpu.memory_space<vmem>> -> memref<1x125xi32, #tpu.memory_space<vmem>>
    %dma_start3A_30 = tpu.memref_squeeze %dma_start3A_29 : memref<1x125xi32, #tpu.memory_space<vmem>> -> memref<125xi32, #tpu.memory_space<vmem>>
    %dma_start3A_31 = arith.constant 0 : i32
    %dma_start3A_32 = arith.constant 0 : i32
    %dma_start3A_33 = tpu.memref_slice %arg2[%dma_start3A_31, %dma_start3A_32] : memref<40000x64xf32, #tpu.memory_space<hbm>> -> memref<40000x64xf32, #tpu.memory_space<hbm>>
    tpu.enqueue_indirect_dma source(%dma_start3A_33 : memref<40000x64xf32, #tpu.memory_space<hbm>>) target(%arg15 : memref<125x64xf32, #tpu.memory_space<vmem>>) offsets(%dma_start3A_30 : memref<125xi32, #tpu.memory_space<vmem>>) semaphore(%arg23 : memref<!tpu.dma_semaphore, #tpu.memory_space<semaphore_mem>>)
    %dma_start3A_34 = arith.constant 4 : i32
    %dma_start3A_35 = arith.constant 0 : i32
    %dma_start3A_36 = tpu.memref_slice %arg10[%dma_start3A_34, %dma_start3A_35] : memref<80x125xi32, #tpu.memory_space<vmem>> -> memref<1x125xi32, #tpu.memory_space<vmem>>
    %dma_start3A_37 = tpu.memref_squeeze %dma_start3A_36 : memref<1x125xi32, #tpu.memory_space<vmem>> -> memref<125xi32, #tpu.memory_space<vmem>>
    %dma_start3A_38 = arith.constant 0 : i32
    %dma_start3A_39 = arith.constant 0 : i32
    %dma_start3A_40 = tpu.memref_slice %arg2[%dma_start3A_38, %dma_start3A_39] : memref<40000x64xf32, #tpu.memory_space<hbm>> -> memref<40000x64xf32, #tpu.memory_space<hbm>>
    tpu.enqueue_indirect_dma source(%dma_start3A_40 : memref<40000x64xf32, #tpu.memory_space<hbm>>) target(%arg16 : memref<125x64xf32, #tpu.memory_space<vmem>>) offsets(%dma_start3A_37 : memref<125xi32, #tpu.memory_space<vmem>>) semaphore(%arg24 : memref<!tpu.dma_semaphore, #tpu.memory_space<semaphore_mem>>)
    %mul3A_41 = arith.constant 625 : i32
    %mul3A_42 = arith.muli %arg1, %mul3A_41 : i32
    %add3A_43 = arith.constant 0 : i32
    %add3A_44 = arith.addi %mul3A_42, %add3A_43 : i32
    "tpu.region"() ({
      %run_scoped3A = tpu.sem_alloc : memref<!tpu.dma_semaphore, #tpu.memory_space<semaphore_mem>>
      %dma_start3A_224 = arith.constant 0 : i32
      %dma_start3A_225 = tpu.memref_slice %arg18[%add3A_44, %dma_start3A_224] : memref<10000x64xf32, #tpu.memory_space<vmem_shared>> -> memref<125x64xf32, #tpu.memory_space<vmem_shared>>
      tpu.enqueue_dma source(%arg5 : memref<125x64xf32, #tpu.memory_space<hbm>>) target(%dma_start3A_225 : memref<125x64xf32, #tpu.memory_space<vmem_shared>>) target_semaphore(%run_scoped3A : memref<!tpu.dma_semaphore, #tpu.memory_space<semaphore_mem>>)
      %dma_wait3A_226 = arith.constant 0 : i32
      %dma_wait3A_227 = tpu.memref_slice %arg18[%add3A_44, %dma_wait3A_226] : memref<10000x64xf32, #tpu.memory_space<vmem_shared>> -> memref<125x64xf32, #tpu.memory_space<vmem_shared>>
      tpu.wait_dma2 semaphore(%run_scoped3A : memref<!tpu.dma_semaphore, #tpu.memory_space<semaphore_mem>>) src(%arg5 : memref<125x64xf32, #tpu.memory_space<hbm>>) dst(%dma_wait3A_227 : memref<125x64xf32, #tpu.memory_space<vmem_shared>>)
      tpu.yield
    }) : () -> ()
    %mul3A_45 = arith.constant 625 : i32
    %mul3A_46 = arith.muli %arg1, %mul3A_45 : i32
    %add3A_47 = arith.constant 125 : i32
    %add3A_48 = arith.addi %mul3A_46, %add3A_47 : i32
    "tpu.region"() ({
      %run_scoped3A = tpu.sem_alloc : memref<!tpu.dma_semaphore, #tpu.memory_space<semaphore_mem>>
      %dma_start3A_224 = arith.constant 0 : i32
      %dma_start3A_225 = tpu.memref_slice %arg18[%add3A_48, %dma_start3A_224] : memref<10000x64xf32, #tpu.memory_space<vmem_shared>> -> memref<125x64xf32, #tpu.memory_space<vmem_shared>>
      tpu.enqueue_dma source(%arg5 : memref<125x64xf32, #tpu.memory_space<hbm>>) target(%dma_start3A_225 : memref<125x64xf32, #tpu.memory_space<vmem_shared>>) target_semaphore(%run_scoped3A : memref<!tpu.dma_semaphore, #tpu.memory_space<semaphore_mem>>)
      %dma_wait3A_226 = arith.constant 0 : i32
      %dma_wait3A_227 = tpu.memref_slice %arg18[%add3A_48, %dma_wait3A_226] : memref<10000x64xf32, #tpu.memory_space<vmem_shared>> -> memref<125x64xf32, #tpu.memory_space<vmem_shared>>
      tpu.wait_dma2 semaphore(%run_scoped3A : memref<!tpu.dma_semaphore, #tpu.memory_space<semaphore_mem>>) src(%arg5 : memref<125x64xf32, #tpu.memory_space<hbm>>) dst(%dma_wait3A_227 : memref<125x64xf32, #tpu.memory_space<vmem_shared>>)
      tpu.yield
    }) : () -> ()
    %mul3A_49 = arith.constant 625 : i32
    %mul3A_50 = arith.muli %arg1, %mul3A_49 : i32
    %add3A_51 = arith.constant 250 : i32
    %add3A_52 = arith.addi %mul3A_50, %add3A_51 : i32
    "tpu.region"() ({
      %run_scoped3A = tpu.sem_alloc : memref<!tpu.dma_semaphore, #tpu.memory_space<semaphore_mem>>
      %dma_start3A_224 = arith.constant 0 : i32
      %dma_start3A_225 = tpu.memref_slice %arg18[%add3A_52, %dma_start3A_224] : memref<10000x64xf32, #tpu.memory_space<vmem_shared>> -> memref<125x64xf32, #tpu.memory_space<vmem_shared>>
      tpu.enqueue_dma source(%arg5 : memref<125x64xf32, #tpu.memory_space<hbm>>) target(%dma_start3A_225 : memref<125x64xf32, #tpu.memory_space<vmem_shared>>) target_semaphore(%run_scoped3A : memref<!tpu.dma_semaphore, #tpu.memory_space<semaphore_mem>>)
      %dma_wait3A_226 = arith.constant 0 : i32
      %dma_wait3A_227 = tpu.memref_slice %arg18[%add3A_52, %dma_wait3A_226] : memref<10000x64xf32, #tpu.memory_space<vmem_shared>> -> memref<125x64xf32, #tpu.memory_space<vmem_shared>>
      tpu.wait_dma2 semaphore(%run_scoped3A : memref<!tpu.dma_semaphore, #tpu.memory_space<semaphore_mem>>) src(%arg5 : memref<125x64xf32, #tpu.memory_space<hbm>>) dst(%dma_wait3A_227 : memref<125x64xf32, #tpu.memory_space<vmem_shared>>)
      tpu.yield
    }) : () -> ()
    %mul3A_53 = arith.constant 625 : i32
    %mul3A_54 = arith.muli %arg1, %mul3A_53 : i32
    %add3A_55 = arith.constant 375 : i32
    %add3A_56 = arith.addi %mul3A_54, %add3A_55 : i32
    "tpu.region"() ({
      %run_scoped3A = tpu.sem_alloc : memref<!tpu.dma_semaphore, #tpu.memory_space<semaphore_mem>>
      %dma_start3A_224 = arith.constant 0 : i32
      %dma_start3A_225 = tpu.memref_slice %arg18[%add3A_56, %dma_start3A_224] : memref<10000x64xf32, #tpu.memory_space<vmem_shared>> -> memref<125x64xf32, #tpu.memory_space<vmem_shared>>
      tpu.enqueue_dma source(%arg5 : memref<125x64xf32, #tpu.memory_space<hbm>>) target(%dma_start3A_225 : memref<125x64xf32, #tpu.memory_space<vmem_shared>>) target_semaphore(%run_scoped3A : memref<!tpu.dma_semaphore, #tpu.memory_space<semaphore_mem>>)
      %dma_wait3A_226 = arith.constant 0 : i32
      %dma_wait3A_227 = tpu.memref_slice %arg18[%add3A_56, %dma_wait3A_226] : memref<10000x64xf32, #tpu.memory_space<vmem_shared>> -> memref<125x64xf32, #tpu.memory_space<vmem_shared>>
      tpu.wait_dma2 semaphore(%run_scoped3A : memref<!tpu.dma_semaphore, #tpu.memory_space<semaphore_mem>>) src(%arg5 : memref<125x64xf32, #tpu.memory_space<hbm>>) dst(%dma_wait3A_227 : memref<125x64xf32, #tpu.memory_space<vmem_shared>>)
      tpu.yield
    }) : () -> ()
    %mul3A_57 = arith.constant 625 : i32
    %mul3A_58 = arith.muli %arg1, %mul3A_57 : i32
    %add3A_59 = arith.constant 500 : i32
    %add3A_60 = arith.addi %mul3A_58, %add3A_59 : i32
    "tpu.region"() ({
      %run_scoped3A = tpu.sem_alloc : memref<!tpu.dma_semaphore, #tpu.memory_space<semaphore_mem>>
      %dma_start3A_224 = arith.constant 0 : i32
      %dma_start3A_225 = tpu.memref_slice %arg18[%add3A_60, %dma_start3A_224] : memref<10000x64xf32, #tpu.memory_space<vmem_shared>> -> memref<125x64xf32, #tpu.memory_space<vmem_shared>>
      tpu.enqueue_dma source(%arg5 : memref<125x64xf32, #tpu.memory_space<hbm>>) target(%dma_start3A_225 : memref<125x64xf32, #tpu.memory_space<vmem_shared>>) target_semaphore(%run_scoped3A : memref<!tpu.dma_semaphore, #tpu.memory_space<semaphore_mem>>)
      %dma_wait3A_226 = arith.constant 0 : i32
      %dma_wait3A_227 = tpu.memref_slice %arg18[%add3A_60, %dma_wait3A_226] : memref<10000x64xf32, #tpu.memory_space<vmem_shared>> -> memref<125x64xf32, #tpu.memory_space<vmem_shared>>
      tpu.wait_dma2 semaphore(%run_scoped3A : memref<!tpu.dma_semaphore, #tpu.memory_space<semaphore_mem>>) src(%arg5 : memref<125x64xf32, #tpu.memory_space<hbm>>) dst(%dma_wait3A_227 : memref<125x64xf32, #tpu.memory_space<vmem_shared>>)
      tpu.yield
    }) : () -> ()
    %barrier3A = arith.constant 0 : index
    tpu.barrier barrier_id(%barrier3A)
    %scan3A = arith.constant 0 : i32
    %scan3A_61 = arith.constant 16 : i32
    %scan3A_62 = arith.addi %scan3A, %scan3A_61 : i32
    %scan3A_63 = arith.constant 1 : i32
    scf.for %scan3A_224 = %scan3A to %scan3A_62 step %scan3A_63  : i32 {
      %mul3A_225 = arith.constant 5 : i32
      %mul3A_226 = arith.muli %mul3A_225, %scan3A_224 : i32
      %add3A_227 = arith.constant 0 : i32
      %add3A_228 = arith.addi %mul3A_226, %add3A_227 : i32
      %dma_wait3A_229 = arith.constant 0 : i32
      %dma_wait3A_230 = tpu.memref_slice %arg10[%add3A_228, %dma_wait3A_229] : memref<80x125xi32, #tpu.memory_space<vmem>> -> memref<1x125xi32, #tpu.memory_space<vmem>>
      %dma_wait3A_231 = tpu.memref_squeeze %dma_wait3A_230 : memref<1x125xi32, #tpu.memory_space<vmem>> -> memref<125xi32, #tpu.memory_space<vmem>>
      %dma_wait3A_232 = arith.constant 0 : i32
      %dma_wait3A_233 = arith.constant 0 : i32
      %dma_wait3A_234 = tpu.memref_slice %arg2[%dma_wait3A_232, %dma_wait3A_233] : memref<40000x64xf32, #tpu.memory_space<hbm>> -> memref<40000x64xf32, #tpu.memory_space<hbm>>
      tpu.wait_indirect_dma semaphore(%arg20 : memref<!tpu.dma_semaphore, #tpu.memory_space<semaphore_mem>>) src(%dma_wait3A_234 : memref<40000x64xf32, #tpu.memory_space<hbm>>) dst(%arg12 : memref<125x64xf32, #tpu.memory_space<vmem>>)
      %dma_start3A_235 = arith.constant 0 : i32
      %dma_start3A_236 = tpu.memref_slice %arg11[%add3A_228, %dma_start3A_235] : memref<80x125xi32, #tpu.memory_space<vmem>> -> memref<1x125xi32, #tpu.memory_space<vmem>>
      %dma_start3A_237 = tpu.memref_squeeze %dma_start3A_236 : memref<1x125xi32, #tpu.memory_space<vmem>> -> memref<125xi32, #tpu.memory_space<vmem>>
      %dma_start3A_238 = arith.constant 0 : i32
      %dma_start3A_239 = arith.constant 0 : i32
      %dma_start3A_240 = tpu.memref_slice %arg18[%dma_start3A_238, %dma_start3A_239] : memref<10000x64xf32, #tpu.memory_space<vmem_shared>> -> memref<10000x64xf32, #tpu.memory_space<vmem_shared>>
      tpu.enqueue_indirect_dma source(%arg12 : memref<125x64xf32, #tpu.memory_space<vmem>>) target(%dma_start3A_240 : memref<10000x64xf32, #tpu.memory_space<vmem_shared>>) offsets(%dma_start3A_237 : memref<125xi32, #tpu.memory_space<vmem>>) semaphore(%arg25 : memref<!tpu.dma_semaphore, #tpu.memory_space<semaphore_mem>>) {add = true}
      %add3A_241 = arith.constant 1 : i32
      %add3A_242 = arith.addi %mul3A_226, %add3A_241 : i32
      %dma_wait3A_243 = arith.constant 0 : i32
      %dma_wait3A_244 = tpu.memref_slice %arg10[%add3A_242, %dma_wait3A_243] : memref<80x125xi32, #tpu.memory_space<vmem>> -> memref<1x125xi32, #tpu.memory_space<vmem>>
      %dma_wait3A_245 = tpu.memref_squeeze %dma_wait3A_244 : memref<1x125xi32, #tpu.memory_space<vmem>> -> memref<125xi32, #tpu.memory_space<vmem>>
      %dma_wait3A_246 = arith.constant 0 : i32
      %dma_wait3A_247 = arith.constant 0 : i32
      %dma_wait3A_248 = tpu.memref_slice %arg2[%dma_wait3A_246, %dma_wait3A_247] : memref<40000x64xf32, #tpu.memory_space<hbm>> -> memref<40000x64xf32, #tpu.memory_space<hbm>>
      tpu.wait_indirect_dma semaphore(%arg21 : memref<!tpu.dma_semaphore, #tpu.memory_space<semaphore_mem>>) src(%dma_wait3A_248 : memref<40000x64xf32, #tpu.memory_space<hbm>>) dst(%arg13 : memref<125x64xf32, #tpu.memory_space<vmem>>)
      %dma_start3A_249 = arith.constant 0 : i32
      %dma_start3A_250 = tpu.memref_slice %arg11[%add3A_242, %dma_start3A_249] : memref<80x125xi32, #tpu.memory_space<vmem>> -> memref<1x125xi32, #tpu.memory_space<vmem>>
      %dma_start3A_251 = tpu.memref_squeeze %dma_start3A_250 : memref<1x125xi32, #tpu.memory_space<vmem>> -> memref<125xi32, #tpu.memory_space<vmem>>
      %dma_start3A_252 = arith.constant 0 : i32
      %dma_start3A_253 = arith.constant 0 : i32
      %dma_start3A_254 = tpu.memref_slice %arg18[%dma_start3A_252, %dma_start3A_253] : memref<10000x64xf32, #tpu.memory_space<vmem_shared>> -> memref<10000x64xf32, #tpu.memory_space<vmem_shared>>
      tpu.enqueue_indirect_dma source(%arg13 : memref<125x64xf32, #tpu.memory_space<vmem>>) target(%dma_start3A_254 : memref<10000x64xf32, #tpu.memory_space<vmem_shared>>) offsets(%dma_start3A_251 : memref<125xi32, #tpu.memory_space<vmem>>) semaphore(%arg26 : memref<!tpu.dma_semaphore, #tpu.memory_space<semaphore_mem>>) {add = true}
      %add3A_255 = arith.constant 2 : i32
      %add3A_256 = arith.addi %mul3A_226, %add3A_255 : i32
      %dma_wait3A_257 = arith.constant 0 : i32
      %dma_wait3A_258 = tpu.memref_slice %arg10[%add3A_256, %dma_wait3A_257] : memref<80x125xi32, #tpu.memory_space<vmem>> -> memref<1x125xi32, #tpu.memory_space<vmem>>
      %dma_wait3A_259 = tpu.memref_squeeze %dma_wait3A_258 : memref<1x125xi32, #tpu.memory_space<vmem>> -> memref<125xi32, #tpu.memory_space<vmem>>
      %dma_wait3A_260 = arith.constant 0 : i32
      %dma_wait3A_261 = arith.constant 0 : i32
      %dma_wait3A_262 = tpu.memref_slice %arg2[%dma_wait3A_260, %dma_wait3A_261] : memref<40000x64xf32, #tpu.memory_space<hbm>> -> memref<40000x64xf32, #tpu.memory_space<hbm>>
      tpu.wait_indirect_dma semaphore(%arg22 : memref<!tpu.dma_semaphore, #tpu.memory_space<semaphore_mem>>) src(%dma_wait3A_262 : memref<40000x64xf32, #tpu.memory_space<hbm>>) dst(%arg14 : memref<125x64xf32, #tpu.memory_space<vmem>>)
      %dma_start3A_263 = arith.constant 0 : i32
      %dma_start3A_264 = tpu.memref_slice %arg11[%add3A_256, %dma_start3A_263] : memref<80x125xi32, #tpu.memory_space<vmem>> -> memref<1x125xi32, #tpu.memory_space<vmem>>
      %dma_start3A_265 = tpu.memref_squeeze %dma_start3A_264 : memref<1x125xi32, #tpu.memory_space<vmem>> -> memref<125xi32, #tpu.memory_space<vmem>>
      %dma_start3A_266 = arith.constant 0 : i32
      %dma_start3A_267 = arith.constant 0 : i32
      %dma_start3A_268 = tpu.memref_slice %arg18[%dma_start3A_266, %dma_start3A_267] : memref<10000x64xf32, #tpu.memory_space<vmem_shared>> -> memref<10000x64xf32, #tpu.memory_space<vmem_shared>>
      tpu.enqueue_indirect_dma source(%arg14 : memref<125x64xf32, #tpu.memory_space<vmem>>) target(%dma_start3A_268 : memref<10000x64xf32, #tpu.memory_space<vmem_shared>>) offsets(%dma_start3A_265 : memref<125xi32, #tpu.memory_space<vmem>>) semaphore(%arg27 : memref<!tpu.dma_semaphore, #tpu.memory_space<semaphore_mem>>) {add = true}
      %add3A_269 = arith.constant 3 : i32
      %add3A_270 = arith.addi %mul3A_226, %add3A_269 : i32
      %dma_wait3A_271 = arith.constant 0 : i32
      %dma_wait3A_272 = tpu.memref_slice %arg10[%add3A_270, %dma_wait3A_271] : memref<80x125xi32, #tpu.memory_space<vmem>> -> memref<1x125xi32, #tpu.memory_space<vmem>>
      %dma_wait3A_273 = tpu.memref_squeeze %dma_wait3A_272 : memref<1x125xi32, #tpu.memory_space<vmem>> -> memref<125xi32, #tpu.memory_space<vmem>>
      %dma_wait3A_274 = arith.constant 0 : i32
      %dma_wait3A_275 = arith.constant 0 : i32
      %dma_wait3A_276 = tpu.memref_slice %arg2[%dma_wait3A_274, %dma_wait3A_275] : memref<40000x64xf32, #tpu.memory_space<hbm>> -> memref<40000x64xf32, #tpu.memory_space<hbm>>
      tpu.wait_indirect_dma semaphore(%arg23 : memref<!tpu.dma_semaphore, #tpu.memory_space<semaphore_mem>>) src(%dma_wait3A_276 : memref<40000x64xf32, #tpu.memory_space<hbm>>) dst(%arg15 : memref<125x64xf32, #tpu.memory_space<vmem>>)
      %dma_start3A_277 = arith.constant 0 : i32
      %dma_start3A_278 = tpu.memref_slice %arg11[%add3A_270, %dma_start3A_277] : memref<80x125xi32, #tpu.memory_space<vmem>> -> memref<1x125xi32, #tpu.memory_space<vmem>>
      %dma_start3A_279 = tpu.memref_squeeze %dma_start3A_278 : memref<1x125xi32, #tpu.memory_space<vmem>> -> memref<125xi32, #tpu.memory_space<vmem>>
      %dma_start3A_280 = arith.constant 0 : i32
      %dma_start3A_281 = arith.constant 0 : i32
      %dma_start3A_282 = tpu.memref_slice %arg18[%dma_start3A_280, %dma_start3A_281] : memref<10000x64xf32, #tpu.memory_space<vmem_shared>> -> memref<10000x64xf32, #tpu.memory_space<vmem_shared>>
      tpu.enqueue_indirect_dma source(%arg15 : memref<125x64xf32, #tpu.memory_space<vmem>>) target(%dma_start3A_282 : memref<10000x64xf32, #tpu.memory_space<vmem_shared>>) offsets(%dma_start3A_279 : memref<125xi32, #tpu.memory_space<vmem>>) semaphore(%arg28 : memref<!tpu.dma_semaphore, #tpu.memory_space<semaphore_mem>>) {add = true}
      %add3A_283 = arith.constant 4 : i32
      %add3A_284 = arith.addi %mul3A_226, %add3A_283 : i32
      %dma_wait3A_285 = arith.constant 0 : i32
      %dma_wait3A_286 = tpu.memref_slice %arg10[%add3A_284, %dma_wait3A_285] : memref<80x125xi32, #tpu.memory_space<vmem>> -> memref<1x125xi32, #tpu.memory_space<vmem>>
      %dma_wait3A_287 = tpu.memref_squeeze %dma_wait3A_286 : memref<1x125xi32, #tpu.memory_space<vmem>> -> memref<125xi32, #tpu.memory_space<vmem>>
      %dma_wait3A_288 = arith.constant 0 : i32
      %dma_wait3A_289 = arith.constant 0 : i32
      %dma_wait3A_290 = tpu.memref_slice %arg2[%dma_wait3A_288, %dma_wait3A_289] : memref<40000x64xf32, #tpu.memory_space<hbm>> -> memref<40000x64xf32, #tpu.memory_space<hbm>>
      tpu.wait_indirect_dma semaphore(%arg24 : memref<!tpu.dma_semaphore, #tpu.memory_space<semaphore_mem>>) src(%dma_wait3A_290 : memref<40000x64xf32, #tpu.memory_space<hbm>>) dst(%arg16 : memref<125x64xf32, #tpu.memory_space<vmem>>)
      %dma_start3A_291 = arith.constant 0 : i32
      %dma_start3A_292 = tpu.memref_slice %arg11[%add3A_284, %dma_start3A_291] : memref<80x125xi32, #tpu.memory_space<vmem>> -> memref<1x125xi32, #tpu.memory_space<vmem>>
      %dma_start3A_293 = tpu.memref_squeeze %dma_start3A_292 : memref<1x125xi32, #tpu.memory_space<vmem>> -> memref<125xi32, #tpu.memory_space<vmem>>
      %dma_start3A_294 = arith.constant 0 : i32
      %dma_start3A_295 = arith.constant 0 : i32
      %dma_start3A_296 = tpu.memref_slice %arg18[%dma_start3A_294, %dma_start3A_295] : memref<10000x64xf32, #tpu.memory_space<vmem_shared>> -> memref<10000x64xf32, #tpu.memory_space<vmem_shared>>
      tpu.enqueue_indirect_dma source(%arg16 : memref<125x64xf32, #tpu.memory_space<vmem>>) target(%dma_start3A_296 : memref<10000x64xf32, #tpu.memory_space<vmem_shared>>) offsets(%dma_start3A_293 : memref<125xi32, #tpu.memory_space<vmem>>) semaphore(%arg29 : memref<!tpu.dma_semaphore, #tpu.memory_space<semaphore_mem>>) {add = true}
      %eq3A_297 = arith.constant 0 : i32
      %eq3A_298 = arith.cmpi eq, %arg0, %eq3A_297 : i32
      %convert_element_type3A_299 = arith.extui %eq3A_298 : i1 to i32
      %cond3A_300 = arith.constant 0 : i32
      %cond3A_301 = arith.cmpi ne, %convert_element_type3A_299, %cond3A_300 : i32
      scf.if %cond3A_301 {
        %gt3A = arith.constant 0 : i32
        %gt3A_308 = arith.cmpi sgt, %scan3A_224, %gt3A : i32
        %convert_element_type3A_309 = arith.extui %gt3A_308 : i1 to i32
        %cond3A_310 = arith.constant 0 : i32
        %cond3A_311 = arith.cmpi ne, %convert_element_type3A_309, %cond3A_310 : i32
        scf.if %cond3A_311 {
          %add3A_352 = arith.constant 0 : i32
          %add3A_353 = arith.addi %mul3A_226, %add3A_352 : i32
          %dma_wait3A_354 = arith.constant 0 : i32
          %dma_wait3A_355 = tpu.memref_slice %arg11[%add3A_353, %dma_wait3A_354] : memref<80x125xi32, #tpu.memory_space<vmem>> -> memref<1x125xi32, #tpu.memory_space<vmem>>
          %dma_wait3A_356 = tpu.memref_squeeze %dma_wait3A_355 : memref<1x125xi32, #tpu.memory_space<vmem>> -> memref<125xi32, #tpu.memory_space<vmem>>
          %dma_wait3A_357 = arith.constant 0 : i32
          %dma_wait3A_358 = arith.constant 0 : i32
          %dma_wait3A_359 = tpu.memref_slice %arg19[%dma_wait3A_357, %dma_wait3A_358] : memref<10000x16xf32, #tpu.memory_space<vmem_shared>> -> memref<10000x16xf32, #tpu.memory_space<vmem_shared>>
          tpu.wait_indirect_dma semaphore(%arg30 : memref<!tpu.dma_semaphore, #tpu.memory_space<semaphore_mem>>) src(%arg17 : memref<125x16xf32, #tpu.memory_space<vmem>>) dst(%dma_wait3A_359 : memref<10000x16xf32, #tpu.memory_space<vmem_shared>>)
          %add3A_360 = arith.constant 1 : i32
          %add3A_361 = arith.addi %mul3A_226, %add3A_360 : i32
          %dma_wait3A_362 = arith.constant 0 : i32
          %dma_wait3A_363 = tpu.memref_slice %arg11[%add3A_361, %dma_wait3A_362] : memref<80x125xi32, #tpu.memory_space<vmem>> -> memref<1x125xi32, #tpu.memory_space<vmem>>
          %dma_wait3A_364 = tpu.memref_squeeze %dma_wait3A_363 : memref<1x125xi32, #tpu.memory_space<vmem>> -> memref<125xi32, #tpu.memory_space<vmem>>
          %dma_wait3A_365 = arith.constant 0 : i32
          %dma_wait3A_366 = arith.constant 0 : i32
          %dma_wait3A_367 = tpu.memref_slice %arg19[%dma_wait3A_365, %dma_wait3A_366] : memref<10000x16xf32, #tpu.memory_space<vmem_shared>> -> memref<10000x16xf32, #tpu.memory_space<vmem_shared>>
          tpu.wait_indirect_dma semaphore(%arg30 : memref<!tpu.dma_semaphore, #tpu.memory_space<semaphore_mem>>) src(%arg17 : memref<125x16xf32, #tpu.memory_space<vmem>>) dst(%dma_wait3A_367 : memref<10000x16xf32, #tpu.memory_space<vmem_shared>>)
          %add3A_368 = arith.constant 2 : i32
          %add3A_369 = arith.addi %mul3A_226, %add3A_368 : i32
          %dma_wait3A_370 = arith.constant 0 : i32
          %dma_wait3A_371 = tpu.memref_slice %arg11[%add3A_369, %dma_wait3A_370] : memref<80x125xi32, #tpu.memory_space<vmem>> -> memref<1x125xi32, #tpu.memory_space<vmem>>
          %dma_wait3A_372 = tpu.memref_squeeze %dma_wait3A_371 : memref<1x125xi32, #tpu.memory_space<vmem>> -> memref<125xi32, #tpu.memory_space<vmem>>
          %dma_wait3A_373 = arith.constant 0 : i32
          %dma_wait3A_374 = arith.constant 0 : i32
          %dma_wait3A_375 = tpu.memref_slice %arg19[%dma_wait3A_373, %dma_wait3A_374] : memref<10000x16xf32, #tpu.memory_space<vmem_shared>> -> memref<10000x16xf32, #tpu.memory_space<vmem_shared>>
          tpu.wait_indirect_dma semaphore(%arg30 : memref<!tpu.dma_semaphore, #tpu.memory_space<semaphore_mem>>) src(%arg17 : memref<125x16xf32, #tpu.memory_space<vmem>>) dst(%dma_wait3A_375 : memref<10000x16xf32, #tpu.memory_space<vmem_shared>>)
          %add3A_376 = arith.constant 3 : i32
          %add3A_377 = arith.addi %mul3A_226, %add3A_376 : i32
          %dma_wait3A_378 = arith.constant 0 : i32
          %dma_wait3A_379 = tpu.memref_slice %arg11[%add3A_377, %dma_wait3A_378] : memref<80x125xi32, #tpu.memory_space<vmem>> -> memref<1x125xi32, #tpu.memory_space<vmem>>
          %dma_wait3A_380 = tpu.memref_squeeze %dma_wait3A_379 : memref<1x125xi32, #tpu.memory_space<vmem>> -> memref<125xi32, #tpu.memory_space<vmem>>
          %dma_wait3A_381 = arith.constant 0 : i32
          %dma_wait3A_382 = arith.constant 0 : i32
          %dma_wait3A_383 = tpu.memref_slice %arg19[%dma_wait3A_381, %dma_wait3A_382] : memref<10000x16xf32, #tpu.memory_space<vmem_shared>> -> memref<10000x16xf32, #tpu.memory_space<vmem_shared>>
          tpu.wait_indirect_dma semaphore(%arg30 : memref<!tpu.dma_semaphore, #tpu.memory_space<semaphore_mem>>) src(%arg17 : memref<125x16xf32, #tpu.memory_space<vmem>>) dst(%dma_wait3A_383 : memref<10000x16xf32, #tpu.memory_space<vmem_shared>>)
          %add3A_384 = arith.constant 4 : i32
          %add3A_385 = arith.addi %mul3A_226, %add3A_384 : i32
          %dma_wait3A_386 = arith.constant 0 : i32
          %dma_wait3A_387 = tpu.memref_slice %arg11[%add3A_385, %dma_wait3A_386] : memref<80x125xi32, #tpu.memory_space<vmem>> -> memref<1x125xi32, #tpu.memory_space<vmem>>
          %dma_wait3A_388 = tpu.memref_squeeze %dma_wait3A_387 : memref<1x125xi32, #tpu.memory_space<vmem>> -> memref<125xi32, #tpu.memory_space<vmem>>
          %dma_wait3A_389 = arith.constant 0 : i32
          %dma_wait3A_390 = arith.constant 0 : i32
          %dma_wait3A_391 = tpu.memref_slice %arg19[%dma_wait3A_389, %dma_wait3A_390] : memref<10000x16xf32, #tpu.memory_space<vmem_shared>> -> memref<10000x16xf32, #tpu.memory_space<vmem_shared>>
          tpu.wait_indirect_dma semaphore(%arg30 : memref<!tpu.dma_semaphore, #tpu.memory_space<semaphore_mem>>) src(%arg17 : memref<125x16xf32, #tpu.memory_space<vmem>>) dst(%dma_wait3A_391 : memref<10000x16xf32, #tpu.memory_space<vmem_shared>>)
        } else {
        }
        %add3A_312 = arith.constant 0 : i32
        %add3A_313 = arith.addi %mul3A_226, %add3A_312 : i32
        %dma_start3A_314 = arith.constant 0 : i32
        %dma_start3A_315 = tpu.memref_slice %arg11[%add3A_313, %dma_start3A_314] : memref<80x125xi32, #tpu.memory_space<vmem>> -> memref<1x125xi32, #tpu.memory_space<vmem>>
        %dma_start3A_316 = tpu.memref_squeeze %dma_start3A_315 : memref<1x125xi32, #tpu.memory_space<vmem>> -> memref<125xi32, #tpu.memory_space<vmem>>
        %dma_start3A_317 = arith.constant 0 : i32
        %dma_start3A_318 = arith.constant 0 : i32
        %dma_start3A_319 = tpu.memref_slice %arg19[%dma_start3A_317, %dma_start3A_318] : memref<10000x16xf32, #tpu.memory_space<vmem_shared>> -> memref<10000x16xf32, #tpu.memory_space<vmem_shared>>
        tpu.enqueue_indirect_dma source(%arg17 : memref<125x16xf32, #tpu.memory_space<vmem>>) target(%dma_start3A_319 : memref<10000x16xf32, #tpu.memory_space<vmem_shared>>) offsets(%dma_start3A_316 : memref<125xi32, #tpu.memory_space<vmem>>) semaphore(%arg30 : memref<!tpu.dma_semaphore, #tpu.memory_space<semaphore_mem>>) {add = true}
        %add3A_320 = arith.constant 1 : i32
        %add3A_321 = arith.addi %mul3A_226, %add3A_320 : i32
        %dma_start3A_322 = arith.constant 0 : i32
        %dma_start3A_323 = tpu.memref_slice %arg11[%add3A_321, %dma_start3A_322] : memref<80x125xi32, #tpu.memory_space<vmem>> -> memref<1x125xi32, #tpu.memory_space<vmem>>
        %dma_start3A_324 = tpu.memref_squeeze %dma_start3A_323 : memref<1x125xi32, #tpu.memory_space<vmem>> -> memref<125xi32, #tpu.memory_space<vmem>>
        %dma_start3A_325 = arith.constant 0 : i32
        %dma_start3A_326 = arith.constant 0 : i32
        %dma_start3A_327 = tpu.memref_slice %arg19[%dma_start3A_325, %dma_start3A_326] : memref<10000x16xf32, #tpu.memory_space<vmem_shared>> -> memref<10000x16xf32, #tpu.memory_space<vmem_shared>>
        tpu.enqueue_indirect_dma source(%arg17 : memref<125x16xf32, #tpu.memory_space<vmem>>) target(%dma_start3A_327 : memref<10000x16xf32, #tpu.memory_space<vmem_shared>>) offsets(%dma_start3A_324 : memref<125xi32, #tpu.memory_space<vmem>>) semaphore(%arg30 : memref<!tpu.dma_semaphore, #tpu.memory_space<semaphore_mem>>) {add = true}
        %add3A_328 = arith.constant 2 : i32
        %add3A_329 = arith.addi %mul3A_226, %add3A_328 : i32
        %dma_start3A_330 = arith.constant 0 : i32
        %dma_start3A_331 = tpu.memref_slice %arg11[%add3A_329, %dma_start3A_330] : memref<80x125xi32, #tpu.memory_space<vmem>> -> memref<1x125xi32, #tpu.memory_space<vmem>>
        %dma_start3A_332 = tpu.memref_squeeze %dma_start3A_331 : memref<1x125xi32, #tpu.memory_space<vmem>> -> memref<125xi32, #tpu.memory_space<vmem>>
        %dma_start3A_333 = arith.constant 0 : i32
        %dma_start3A_334 = arith.constant 0 : i32
        %dma_start3A_335 = tpu.memref_slice %arg19[%dma_start3A_333, %dma_start3A_334] : memref<10000x16xf32, #tpu.memory_space<vmem_shared>> -> memref<10000x16xf32, #tpu.memory_space<vmem_shared>>
        tpu.enqueue_indirect_dma source(%arg17 : memref<125x16xf32, #tpu.memory_space<vmem>>) target(%dma_start3A_335 : memref<10000x16xf32, #tpu.memory_space<vmem_shared>>) offsets(%dma_start3A_332 : memref<125xi32, #tpu.memory_space<vmem>>) semaphore(%arg30 : memref<!tpu.dma_semaphore, #tpu.memory_space<semaphore_mem>>) {add = true}
        %add3A_336 = arith.constant 3 : i32
        %add3A_337 = arith.addi %mul3A_226, %add3A_336 : i32
        %dma_start3A_338 = arith.constant 0 : i32
        %dma_start3A_339 = tpu.memref_slice %arg11[%add3A_337, %dma_start3A_338] : memref<80x125xi32, #tpu.memory_space<vmem>> -> memref<1x125xi32, #tpu.memory_space<vmem>>
        %dma_start3A_340 = tpu.memref_squeeze %dma_start3A_339 : memref<1x125xi32, #tpu.memory_space<vmem>> -> memref<125xi32, #tpu.memory_space<vmem>>
        %dma_start3A_341 = arith.constant 0 : i32
        %dma_start3A_342 = arith.constant 0 : i32
        %dma_start3A_343 = tpu.memref_slice %arg19[%dma_start3A_341, %dma_start3A_342] : memref<10000x16xf32, #tpu.memory_space<vmem_shared>> -> memref<10000x16xf32, #tpu.memory_space<vmem_shared>>
        tpu.enqueue_indirect_dma source(%arg17 : memref<125x16xf32, #tpu.memory_space<vmem>>) target(%dma_start3A_343 : memref<10000x16xf32, #tpu.memory_space<vmem_shared>>) offsets(%dma_start3A_340 : memref<125xi32, #tpu.memory_space<vmem>>) semaphore(%arg30 : memref<!tpu.dma_semaphore, #tpu.memory_space<semaphore_mem>>) {add = true}
        %add3A_344 = arith.constant 4 : i32
        %add3A_345 = arith.addi %mul3A_226, %add3A_344 : i32
        %dma_start3A_346 = arith.constant 0 : i32
        %dma_start3A_347 = tpu.memref_slice %arg11[%add3A_345, %dma_start3A_346] : memref<80x125xi32, #tpu.memory_space<vmem>> -> memref<1x125xi32, #tpu.memory_space<vmem>>
        %dma_start3A_348 = tpu.memref_squeeze %dma_start3A_347 : memref<1x125xi32, #tpu.memory_space<vmem>> -> memref<125xi32, #tpu.memory_space<vmem>>
        %dma_start3A_349 = arith.constant 0 : i32
        %dma_start3A_350 = arith.constant 0 : i32
        %dma_start3A_351 = tpu.memref_slice %arg19[%dma_start3A_349, %dma_start3A_350] : memref<10000x16xf32, #tpu.memory_space<vmem_shared>> -> memref<10000x16xf32, #tpu.memory_space<vmem_shared>>
        tpu.enqueue_indirect_dma source(%arg17 : memref<125x16xf32, #tpu.memory_space<vmem>>) target(%dma_start3A_351 : memref<10000x16xf32, #tpu.memory_space<vmem_shared>>) offsets(%dma_start3A_348 : memref<125xi32, #tpu.memory_space<vmem>>) semaphore(%arg30 : memref<!tpu.dma_semaphore, #tpu.memory_space<semaphore_mem>>) {add = true}
      } else {
      }
      %add3A_302 = arith.constant 1 : i32
      %add3A_303 = arith.addi %scan3A_224, %add3A_302 : i32
      %lt3A = arith.constant 16 : i32
      %lt3A_304 = arith.cmpi slt, %add3A_303, %lt3A : i32
      %convert_element_type3A_305 = arith.extui %lt3A_304 : i1 to i32
      %cond3A_306 = arith.constant 0 : i32
      %cond3A_307 = arith.cmpi ne, %convert_element_type3A_305, %cond3A_306 : i32
      scf.if %cond3A_307 {
        %add3A_308 = arith.constant 0 : i32
        %add3A_309 = arith.addi %mul3A_226, %add3A_308 : i32
        %dma_wait3A_310 = arith.constant 0 : i32
        %dma_wait3A_311 = tpu.memref_slice %arg11[%add3A_309, %dma_wait3A_310] : memref<80x125xi32, #tpu.memory_space<vmem>> -> memref<1x125xi32, #tpu.memory_space<vmem>>
        %dma_wait3A_312 = tpu.memref_squeeze %dma_wait3A_311 : memref<1x125xi32, #tpu.memory_space<vmem>> -> memref<125xi32, #tpu.memory_space<vmem>>
        %dma_wait3A_313 = arith.constant 0 : i32
        %dma_wait3A_314 = arith.constant 0 : i32
        %dma_wait3A_315 = tpu.memref_slice %arg18[%dma_wait3A_313, %dma_wait3A_314] : memref<10000x64xf32, #tpu.memory_space<vmem_shared>> -> memref<10000x64xf32, #tpu.memory_space<vmem_shared>>
        tpu.wait_indirect_dma semaphore(%arg25 : memref<!tpu.dma_semaphore, #tpu.memory_space<semaphore_mem>>) src(%arg12 : memref<125x64xf32, #tpu.memory_space<vmem>>) dst(%dma_wait3A_315 : memref<10000x64xf32, #tpu.memory_space<vmem_shared>>)
        %add3A_316 = arith.constant 5 : i32
        %add3A_317 = arith.addi %mul3A_226, %add3A_316 : i32
        %add3A_318 = arith.constant 0 : i32
        %add3A_319 = arith.addi %add3A_317, %add3A_318 : i32
        %dma_start3A_320 = arith.constant 0 : i32
        %dma_start3A_321 = tpu.memref_slice %arg10[%add3A_319, %dma_start3A_320] : memref<80x125xi32, #tpu.memory_space<vmem>> -> memref<1x125xi32, #tpu.memory_space<vmem>>
        %dma_start3A_322 = tpu.memref_squeeze %dma_start3A_321 : memref<1x125xi32, #tpu.memory_space<vmem>> -> memref<125xi32, #tpu.memory_space<vmem>>
        %dma_start3A_323 = arith.constant 0 : i32
        %dma_start3A_324 = arith.constant 0 : i32
        %dma_start3A_325 = tpu.memref_slice %arg2[%dma_start3A_323, %dma_start3A_324] : memref<40000x64xf32, #tpu.memory_space<hbm>> -> memref<40000x64xf32, #tpu.memory_space<hbm>>
        tpu.enqueue_indirect_dma source(%dma_start3A_325 : memref<40000x64xf32, #tpu.memory_space<hbm>>) target(%arg12 : memref<125x64xf32, #tpu.memory_space<vmem>>) offsets(%dma_start3A_322 : memref<125xi32, #tpu.memory_space<vmem>>) semaphore(%arg20 : memref<!tpu.dma_semaphore, #tpu.memory_space<semaphore_mem>>)
        %add3A_326 = arith.constant 1 : i32
        %add3A_327 = arith.addi %mul3A_226, %add3A_326 : i32
        %dma_wait3A_328 = arith.constant 0 : i32
        %dma_wait3A_329 = tpu.memref_slice %arg11[%add3A_327, %dma_wait3A_328] : memref<80x125xi32, #tpu.memory_space<vmem>> -> memref<1x125xi32, #tpu.memory_space<vmem>>
        %dma_wait3A_330 = tpu.memref_squeeze %dma_wait3A_329 : memref<1x125xi32, #tpu.memory_space<vmem>> -> memref<125xi32, #tpu.memory_space<vmem>>
        %dma_wait3A_331 = arith.constant 0 : i32
        %dma_wait3A_332 = arith.constant 0 : i32
        %dma_wait3A_333 = tpu.memref_slice %arg18[%dma_wait3A_331, %dma_wait3A_332] : memref<10000x64xf32, #tpu.memory_space<vmem_shared>> -> memref<10000x64xf32, #tpu.memory_space<vmem_shared>>
        tpu.wait_indirect_dma semaphore(%arg26 : memref<!tpu.dma_semaphore, #tpu.memory_space<semaphore_mem>>) src(%arg13 : memref<125x64xf32, #tpu.memory_space<vmem>>) dst(%dma_wait3A_333 : memref<10000x64xf32, #tpu.memory_space<vmem_shared>>)
        %add3A_334 = arith.constant 5 : i32
        %add3A_335 = arith.addi %mul3A_226, %add3A_334 : i32
        %add3A_336 = arith.constant 1 : i32
        %add3A_337 = arith.addi %add3A_335, %add3A_336 : i32
        %dma_start3A_338 = arith.constant 0 : i32
        %dma_start3A_339 = tpu.memref_slice %arg10[%add3A_337, %dma_start3A_338] : memref<80x125xi32, #tpu.memory_space<vmem>> -> memref<1x125xi32, #tpu.memory_space<vmem>>
        %dma_start3A_340 = tpu.memref_squeeze %dma_start3A_339 : memref<1x125xi32, #tpu.memory_space<vmem>> -> memref<125xi32, #tpu.memory_space<vmem>>
        %dma_start3A_341 = arith.constant 0 : i32
        %dma_start3A_342 = arith.constant 0 : i32
        %dma_start3A_343 = tpu.memref_slice %arg2[%dma_start3A_341, %dma_start3A_342] : memref<40000x64xf32, #tpu.memory_space<hbm>> -> memref<40000x64xf32, #tpu.memory_space<hbm>>
        tpu.enqueue_indirect_dma source(%dma_start3A_343 : memref<40000x64xf32, #tpu.memory_space<hbm>>) target(%arg13 : memref<125x64xf32, #tpu.memory_space<vmem>>) offsets(%dma_start3A_340 : memref<125xi32, #tpu.memory_space<vmem>>) semaphore(%arg21 : memref<!tpu.dma_semaphore, #tpu.memory_space<semaphore_mem>>)
        %add3A_344 = arith.constant 2 : i32
        %add3A_345 = arith.addi %mul3A_226, %add3A_344 : i32
        %dma_wait3A_346 = arith.constant 0 : i32
        %dma_wait3A_347 = tpu.memref_slice %arg11[%add3A_345, %dma_wait3A_346] : memref<80x125xi32, #tpu.memory_space<vmem>> -> memref<1x125xi32, #tpu.memory_space<vmem>>
        %dma_wait3A_348 = tpu.memref_squeeze %dma_wait3A_347 : memref<1x125xi32, #tpu.memory_space<vmem>> -> memref<125xi32, #tpu.memory_space<vmem>>
        %dma_wait3A_349 = arith.constant 0 : i32
        %dma_wait3A_350 = arith.constant 0 : i32
        %dma_wait3A_351 = tpu.memref_slice %arg18[%dma_wait3A_349, %dma_wait3A_350] : memref<10000x64xf32, #tpu.memory_space<vmem_shared>> -> memref<10000x64xf32, #tpu.memory_space<vmem_shared>>
        tpu.wait_indirect_dma semaphore(%arg27 : memref<!tpu.dma_semaphore, #tpu.memory_space<semaphore_mem>>) src(%arg14 : memref<125x64xf32, #tpu.memory_space<vmem>>) dst(%dma_wait3A_351 : memref<10000x64xf32, #tpu.memory_space<vmem_shared>>)
        %add3A_352 = arith.constant 5 : i32
        %add3A_353 = arith.addi %mul3A_226, %add3A_352 : i32
        %add3A_354 = arith.constant 2 : i32
        %add3A_355 = arith.addi %add3A_353, %add3A_354 : i32
        %dma_start3A_356 = arith.constant 0 : i32
        %dma_start3A_357 = tpu.memref_slice %arg10[%add3A_355, %dma_start3A_356] : memref<80x125xi32, #tpu.memory_space<vmem>> -> memref<1x125xi32, #tpu.memory_space<vmem>>
        %dma_start3A_358 = tpu.memref_squeeze %dma_start3A_357 : memref<1x125xi32, #tpu.memory_space<vmem>> -> memref<125xi32, #tpu.memory_space<vmem>>
        %dma_start3A_359 = arith.constant 0 : i32
        %dma_start3A_360 = arith.constant 0 : i32
        %dma_start3A_361 = tpu.memref_slice %arg2[%dma_start3A_359, %dma_start3A_360] : memref<40000x64xf32, #tpu.memory_space<hbm>> -> memref<40000x64xf32, #tpu.memory_space<hbm>>
        tpu.enqueue_indirect_dma source(%dma_start3A_361 : memref<40000x64xf32, #tpu.memory_space<hbm>>) target(%arg14 : memref<125x64xf32, #tpu.memory_space<vmem>>) offsets(%dma_start3A_358 : memref<125xi32, #tpu.memory_space<vmem>>) semaphore(%arg22 : memref<!tpu.dma_semaphore, #tpu.memory_space<semaphore_mem>>)
        %add3A_362 = arith.constant 3 : i32
        %add3A_363 = arith.addi %mul3A_226, %add3A_362 : i32
        %dma_wait3A_364 = arith.constant 0 : i32
        %dma_wait3A_365 = tpu.memref_slice %arg11[%add3A_363, %dma_wait3A_364] : memref<80x125xi32, #tpu.memory_space<vmem>> -> memref<1x125xi32, #tpu.memory_space<vmem>>
        %dma_wait3A_366 = tpu.memref_squeeze %dma_wait3A_365 : memref<1x125xi32, #tpu.memory_space<vmem>> -> memref<125xi32, #tpu.memory_space<vmem>>
        %dma_wait3A_367 = arith.constant 0 : i32
        %dma_wait3A_368 = arith.constant 0 : i32
        %dma_wait3A_369 = tpu.memref_slice %arg18[%dma_wait3A_367, %dma_wait3A_368] : memref<10000x64xf32, #tpu.memory_space<vmem_shared>> -> memref<10000x64xf32, #tpu.memory_space<vmem_shared>>
        tpu.wait_indirect_dma semaphore(%arg28 : memref<!tpu.dma_semaphore, #tpu.memory_space<semaphore_mem>>) src(%arg15 : memref<125x64xf32, #tpu.memory_space<vmem>>) dst(%dma_wait3A_369 : memref<10000x64xf32, #tpu.memory_space<vmem_shared>>)
        %add3A_370 = arith.constant 5 : i32
        %add3A_371 = arith.addi %mul3A_226, %add3A_370 : i32
        %add3A_372 = arith.constant 3 : i32
        %add3A_373 = arith.addi %add3A_371, %add3A_372 : i32
        %dma_start3A_374 = arith.constant 0 : i32
        %dma_start3A_375 = tpu.memref_slice %arg10[%add3A_373, %dma_start3A_374] : memref<80x125xi32, #tpu.memory_space<vmem>> -> memref<1x125xi32, #tpu.memory_space<vmem>>
        %dma_start3A_376 = tpu.memref_squeeze %dma_start3A_375 : memref<1x125xi32, #tpu.memory_space<vmem>> -> memref<125xi32, #tpu.memory_space<vmem>>
        %dma_start3A_377 = arith.constant 0 : i32
        %dma_start3A_378 = arith.constant 0 : i32
        %dma_start3A_379 = tpu.memref_slice %arg2[%dma_start3A_377, %dma_start3A_378] : memref<40000x64xf32, #tpu.memory_space<hbm>> -> memref<40000x64xf32, #tpu.memory_space<hbm>>
        tpu.enqueue_indirect_dma source(%dma_start3A_379 : memref<40000x64xf32, #tpu.memory_space<hbm>>) target(%arg15 : memref<125x64xf32, #tpu.memory_space<vmem>>) offsets(%dma_start3A_376 : memref<125xi32, #tpu.memory_space<vmem>>) semaphore(%arg23 : memref<!tpu.dma_semaphore, #tpu.memory_space<semaphore_mem>>)
        %add3A_380 = arith.constant 4 : i32
        %add3A_381 = arith.addi %mul3A_226, %add3A_380 : i32
        %dma_wait3A_382 = arith.constant 0 : i32
        %dma_wait3A_383 = tpu.memref_slice %arg11[%add3A_381, %dma_wait3A_382] : memref<80x125xi32, #tpu.memory_space<vmem>> -> memref<1x125xi32, #tpu.memory_space<vmem>>
        %dma_wait3A_384 = tpu.memref_squeeze %dma_wait3A_383 : memref<1x125xi32, #tpu.memory_space<vmem>> -> memref<125xi32, #tpu.memory_space<vmem>>
        %dma_wait3A_385 = arith.constant 0 : i32
        %dma_wait3A_386 = arith.constant 0 : i32
        %dma_wait3A_387 = tpu.memref_slice %arg18[%dma_wait3A_385, %dma_wait3A_386] : memref<10000x64xf32, #tpu.memory_space<vmem_shared>> -> memref<10000x64xf32, #tpu.memory_space<vmem_shared>>
        tpu.wait_indirect_dma semaphore(%arg29 : memref<!tpu.dma_semaphore, #tpu.memory_space<semaphore_mem>>) src(%arg16 : memref<125x64xf32, #tpu.memory_space<vmem>>) dst(%dma_wait3A_387 : memref<10000x64xf32, #tpu.memory_space<vmem_shared>>)
        %add3A_388 = arith.constant 5 : i32
        %add3A_389 = arith.addi %mul3A_226, %add3A_388 : i32
        %add3A_390 = arith.constant 4 : i32
        %add3A_391 = arith.addi %add3A_389, %add3A_390 : i32
        %dma_start3A_392 = arith.constant 0 : i32
        %dma_start3A_393 = tpu.memref_slice %arg10[%add3A_391, %dma_start3A_392] : memref<80x125xi32, #tpu.memory_space<vmem>> -> memref<1x125xi32, #tpu.memory_space<vmem>>
        %dma_start3A_394 = tpu.memref_squeeze %dma_start3A_393 : memref<1x125xi32, #tpu.memory_space<vmem>> -> memref<125xi32, #tpu.memory_space<vmem>>
        %dma_start3A_395 = arith.constant 0 : i32
        %dma_start3A_396 = arith.constant 0 : i32
        %dma_start3A_397 = tpu.memref_slice %arg2[%dma_start3A_395, %dma_start3A_396] : memref<40000x64xf32, #tpu.memory_space<hbm>> -> memref<40000x64xf32, #tpu.memory_space<hbm>>
        tpu.enqueue_indirect_dma source(%dma_start3A_397 : memref<40000x64xf32, #tpu.memory_space<hbm>>) target(%arg16 : memref<125x64xf32, #tpu.memory_space<vmem>>) offsets(%dma_start3A_394 : memref<125xi32, #tpu.memory_space<vmem>>) semaphore(%arg24 : memref<!tpu.dma_semaphore, #tpu.memory_space<semaphore_mem>>)
      } else {
      }
    }
    %scan3A_64 = arith.constant 16 : i32
    %dma_wait3A = arith.constant 75 : i32
    %dma_wait3A_65 = arith.constant 0 : i32
    %dma_wait3A_66 = tpu.memref_slice %arg11[%dma_wait3A, %dma_wait3A_65] : memref<80x125xi32, #tpu.memory_space<vmem>> -> memref<1x125xi32, #tpu.memory_space<vmem>>
    %dma_wait3A_67 = tpu.memref_squeeze %dma_wait3A_66 : memref<1x125xi32, #tpu.memory_space<vmem>> -> memref<125xi32, #tpu.memory_space<vmem>>
    %dma_wait3A_68 = arith.constant 0 : i32
    %dma_wait3A_69 = arith.constant 0 : i32
    %dma_wait3A_70 = tpu.memref_slice %arg18[%dma_wait3A_68, %dma_wait3A_69] : memref<10000x64xf32, #tpu.memory_space<vmem_shared>> -> memref<10000x64xf32, #tpu.memory_space<vmem_shared>>
    tpu.wait_indirect_dma semaphore(%arg25 : memref<!tpu.dma_semaphore, #tpu.memory_space<semaphore_mem>>) src(%arg12 : memref<125x64xf32, #tpu.memory_space<vmem>>) dst(%dma_wait3A_70 : memref<10000x64xf32, #tpu.memory_space<vmem_shared>>)
    %dma_wait3A_71 = arith.constant 76 : i32
    %dma_wait3A_72 = arith.constant 0 : i32
    %dma_wait3A_73 = tpu.memref_slice %arg11[%dma_wait3A_71, %dma_wait3A_72] : memref<80x125xi32, #tpu.memory_space<vmem>> -> memref<1x125xi32, #tpu.memory_space<vmem>>
    %dma_wait3A_74 = tpu.memref_squeeze %dma_wait3A_73 : memref<1x125xi32, #tpu.memory_space<vmem>> -> memref<125xi32, #tpu.memory_space<vmem>>
    %dma_wait3A_75 = arith.constant 0 : i32
    %dma_wait3A_76 = arith.constant 0 : i32
    %dma_wait3A_77 = tpu.memref_slice %arg18[%dma_wait3A_75, %dma_wait3A_76] : memref<10000x64xf32, #tpu.memory_space<vmem_shared>> -> memref<10000x64xf32, #tpu.memory_space<vmem_shared>>
    tpu.wait_indirect_dma semaphore(%arg26 : memref<!tpu.dma_semaphore, #tpu.memory_space<semaphore_mem>>) src(%arg13 : memref<125x64xf32, #tpu.memory_space<vmem>>) dst(%dma_wait3A_77 : memref<10000x64xf32, #tpu.memory_space<vmem_shared>>)
    %dma_wait3A_78 = arith.constant 77 : i32
    %dma_wait3A_79 = arith.constant 0 : i32
    %dma_wait3A_80 = tpu.memref_slice %arg11[%dma_wait3A_78, %dma_wait3A_79] : memref<80x125xi32, #tpu.memory_space<vmem>> -> memref<1x125xi32, #tpu.memory_space<vmem>>
    %dma_wait3A_81 = tpu.memref_squeeze %dma_wait3A_80 : memref<1x125xi32, #tpu.memory_space<vmem>> -> memref<125xi32, #tpu.memory_space<vmem>>
    %dma_wait3A_82 = arith.constant 0 : i32
    %dma_wait3A_83 = arith.constant 0 : i32
    %dma_wait3A_84 = tpu.memref_slice %arg18[%dma_wait3A_82, %dma_wait3A_83] : memref<10000x64xf32, #tpu.memory_space<vmem_shared>> -> memref<10000x64xf32, #tpu.memory_space<vmem_shared>>
    tpu.wait_indirect_dma semaphore(%arg27 : memref<!tpu.dma_semaphore, #tpu.memory_space<semaphore_mem>>) src(%arg14 : memref<125x64xf32, #tpu.memory_space<vmem>>) dst(%dma_wait3A_84 : memref<10000x64xf32, #tpu.memory_space<vmem_shared>>)
    %dma_wait3A_85 = arith.constant 78 : i32
    %dma_wait3A_86 = arith.constant 0 : i32
    %dma_wait3A_87 = tpu.memref_slice %arg11[%dma_wait3A_85, %dma_wait3A_86] : memref<80x125xi32, #tpu.memory_space<vmem>> -> memref<1x125xi32, #tpu.memory_space<vmem>>
    %dma_wait3A_88 = tpu.memref_squeeze %dma_wait3A_87 : memref<1x125xi32, #tpu.memory_space<vmem>> -> memref<125xi32, #tpu.memory_space<vmem>>
    %dma_wait3A_89 = arith.constant 0 : i32
    %dma_wait3A_90 = arith.constant 0 : i32
    %dma_wait3A_91 = tpu.memref_slice %arg18[%dma_wait3A_89, %dma_wait3A_90] : memref<10000x64xf32, #tpu.memory_space<vmem_shared>> -> memref<10000x64xf32, #tpu.memory_space<vmem_shared>>
    tpu.wait_indirect_dma semaphore(%arg28 : memref<!tpu.dma_semaphore, #tpu.memory_space<semaphore_mem>>) src(%arg15 : memref<125x64xf32, #tpu.memory_space<vmem>>) dst(%dma_wait3A_91 : memref<10000x64xf32, #tpu.memory_space<vmem_shared>>)
    %dma_wait3A_92 = arith.constant 79 : i32
    %dma_wait3A_93 = arith.constant 0 : i32
    %dma_wait3A_94 = tpu.memref_slice %arg11[%dma_wait3A_92, %dma_wait3A_93] : memref<80x125xi32, #tpu.memory_space<vmem>> -> memref<1x125xi32, #tpu.memory_space<vmem>>
    %dma_wait3A_95 = tpu.memref_squeeze %dma_wait3A_94 : memref<1x125xi32, #tpu.memory_space<vmem>> -> memref<125xi32, #tpu.memory_space<vmem>>
    %dma_wait3A_96 = arith.constant 0 : i32
    %dma_wait3A_97 = arith.constant 0 : i32
    %dma_wait3A_98 = tpu.memref_slice %arg18[%dma_wait3A_96, %dma_wait3A_97] : memref<10000x64xf32, #tpu.memory_space<vmem_shared>> -> memref<10000x64xf32, #tpu.memory_space<vmem_shared>>
    tpu.wait_indirect_dma semaphore(%arg29 : memref<!tpu.dma_semaphore, #tpu.memory_space<semaphore_mem>>) src(%arg16 : memref<125x64xf32, #tpu.memory_space<vmem>>) dst(%dma_wait3A_98 : memref<10000x64xf32, #tpu.memory_space<vmem_shared>>)
    %eq3A_99 = arith.constant 0 : i32
    %eq3A_100 = arith.cmpi eq, %arg0, %eq3A_99 : i32
    %convert_element_type3A_101 = arith.extui %eq3A_100 : i1 to i32
    %cond3A_102 = arith.constant 0 : i32
    %cond3A_103 = arith.cmpi ne, %convert_element_type3A_101, %cond3A_102 : i32
    scf.if %cond3A_103 {
      %dma_wait3A_224 = arith.constant 0 : i32
      %dma_wait3A_225 = arith.constant 0 : i32
      %dma_wait3A_226 = tpu.memref_slice %arg11[%dma_wait3A_224, %dma_wait3A_225] : memref<80x125xi32, #tpu.memory_space<vmem>> -> memref<1x125xi32, #tpu.memory_space<vmem>>
      %dma_wait3A_227 = tpu.memref_squeeze %dma_wait3A_226 : memref<1x125xi32, #tpu.memory_space<vmem>> -> memref<125xi32, #tpu.memory_space<vmem>>
      %dma_wait3A_228 = arith.constant 0 : i32
      %dma_wait3A_229 = arith.constant 0 : i32
      %dma_wait3A_230 = tpu.memref_slice %arg19[%dma_wait3A_228, %dma_wait3A_229] : memref<10000x16xf32, #tpu.memory_space<vmem_shared>> -> memref<10000x16xf32, #tpu.memory_space<vmem_shared>>
      tpu.wait_indirect_dma semaphore(%arg30 : memref<!tpu.dma_semaphore, #tpu.memory_space<semaphore_mem>>) src(%arg17 : memref<125x16xf32, #tpu.memory_space<vmem>>) dst(%dma_wait3A_230 : memref<10000x16xf32, #tpu.memory_space<vmem_shared>>)
      %dma_wait3A_231 = arith.constant 0 : i32
      %dma_wait3A_232 = arith.constant 0 : i32
      %dma_wait3A_233 = tpu.memref_slice %arg11[%dma_wait3A_231, %dma_wait3A_232] : memref<80x125xi32, #tpu.memory_space<vmem>> -> memref<1x125xi32, #tpu.memory_space<vmem>>
      %dma_wait3A_234 = tpu.memref_squeeze %dma_wait3A_233 : memref<1x125xi32, #tpu.memory_space<vmem>> -> memref<125xi32, #tpu.memory_space<vmem>>
      %dma_wait3A_235 = arith.constant 0 : i32
      %dma_wait3A_236 = arith.constant 0 : i32
      %dma_wait3A_237 = tpu.memref_slice %arg19[%dma_wait3A_235, %dma_wait3A_236] : memref<10000x16xf32, #tpu.memory_space<vmem_shared>> -> memref<10000x16xf32, #tpu.memory_space<vmem_shared>>
      tpu.wait_indirect_dma semaphore(%arg30 : memref<!tpu.dma_semaphore, #tpu.memory_space<semaphore_mem>>) src(%arg17 : memref<125x16xf32, #tpu.memory_space<vmem>>) dst(%dma_wait3A_237 : memref<10000x16xf32, #tpu.memory_space<vmem_shared>>)
      %dma_wait3A_238 = arith.constant 0 : i32
      %dma_wait3A_239 = arith.constant 0 : i32
      %dma_wait3A_240 = tpu.memref_slice %arg11[%dma_wait3A_238, %dma_wait3A_239] : memref<80x125xi32, #tpu.memory_space<vmem>> -> memref<1x125xi32, #tpu.memory_space<vmem>>
      %dma_wait3A_241 = tpu.memref_squeeze %dma_wait3A_240 : memref<1x125xi32, #tpu.memory_space<vmem>> -> memref<125xi32, #tpu.memory_space<vmem>>
      %dma_wait3A_242 = arith.constant 0 : i32
      %dma_wait3A_243 = arith.constant 0 : i32
      %dma_wait3A_244 = tpu.memref_slice %arg19[%dma_wait3A_242, %dma_wait3A_243] : memref<10000x16xf32, #tpu.memory_space<vmem_shared>> -> memref<10000x16xf32, #tpu.memory_space<vmem_shared>>
      tpu.wait_indirect_dma semaphore(%arg30 : memref<!tpu.dma_semaphore, #tpu.memory_space<semaphore_mem>>) src(%arg17 : memref<125x16xf32, #tpu.memory_space<vmem>>) dst(%dma_wait3A_244 : memref<10000x16xf32, #tpu.memory_space<vmem_shared>>)
      %dma_wait3A_245 = arith.constant 0 : i32
      %dma_wait3A_246 = arith.constant 0 : i32
      %dma_wait3A_247 = tpu.memref_slice %arg11[%dma_wait3A_245, %dma_wait3A_246] : memref<80x125xi32, #tpu.memory_space<vmem>> -> memref<1x125xi32, #tpu.memory_space<vmem>>
      %dma_wait3A_248 = tpu.memref_squeeze %dma_wait3A_247 : memref<1x125xi32, #tpu.memory_space<vmem>> -> memref<125xi32, #tpu.memory_space<vmem>>
      %dma_wait3A_249 = arith.constant 0 : i32
      %dma_wait3A_250 = arith.constant 0 : i32
      %dma_wait3A_251 = tpu.memref_slice %arg19[%dma_wait3A_249, %dma_wait3A_250] : memref<10000x16xf32, #tpu.memory_space<vmem_shared>> -> memref<10000x16xf32, #tpu.memory_space<vmem_shared>>
      tpu.wait_indirect_dma semaphore(%arg30 : memref<!tpu.dma_semaphore, #tpu.memory_space<semaphore_mem>>) src(%arg17 : memref<125x16xf32, #tpu.memory_space<vmem>>) dst(%dma_wait3A_251 : memref<10000x16xf32, #tpu.memory_space<vmem_shared>>)
      %dma_wait3A_252 = arith.constant 0 : i32
      %dma_wait3A_253 = arith.constant 0 : i32
      %dma_wait3A_254 = tpu.memref_slice %arg11[%dma_wait3A_252, %dma_wait3A_253] : memref<80x125xi32, #tpu.memory_space<vmem>> -> memref<1x125xi32, #tpu.memory_space<vmem>>
      %dma_wait3A_255 = tpu.memref_squeeze %dma_wait3A_254 : memref<1x125xi32, #tpu.memory_space<vmem>> -> memref<125xi32, #tpu.memory_space<vmem>>
      %dma_wait3A_256 = arith.constant 0 : i32
      %dma_wait3A_257 = arith.constant 0 : i32
      %dma_wait3A_258 = tpu.memref_slice %arg19[%dma_wait3A_256, %dma_wait3A_257] : memref<10000x16xf32, #tpu.memory_space<vmem_shared>> -> memref<10000x16xf32, #tpu.memory_space<vmem_shared>>
      tpu.wait_indirect_dma semaphore(%arg30 : memref<!tpu.dma_semaphore, #tpu.memory_space<semaphore_mem>>) src(%arg17 : memref<125x16xf32, #tpu.memory_space<vmem>>) dst(%dma_wait3A_258 : memref<10000x16xf32, #tpu.memory_space<vmem_shared>>)
    } else {
    }
    %barrier3A_104 = arith.constant 0 : index
    tpu.barrier barrier_id(%barrier3A_104)
    %mul3A_105 = arith.constant 2 : i32
    %mul3A_106 = arith.muli %mul3A_105, %arg0 : i32
    %add3A_107 = arith.constant 1 : i32
    %add3A_108 = arith.addi %mul3A_106, %add3A_107 : i32
    %mul3A_109 = arith.constant 16 : i32
    %mul3A_110 = arith.muli %add3A_108, %mul3A_109 : i32
    %add3A_111 = arith.addi %mul3A_110, %arg1 : i32
    "tpu.region"() ({
      %run_scoped3A = tpu.sem_alloc : memref<!tpu.dma_semaphore, #tpu.memory_space<semaphore_mem>>
      %dma_start3A_224 = arith.constant 0 : i32
      %dma_start3A_225 = arith.constant 0 : i32
      %dma_start3A_226 = tpu.memref_slice %arg3[%add3A_111, %dma_start3A_224, %dma_start3A_225] : memref<64x80x125xi32, #tpu.memory_space<hbm>> -> memref<1x80x125xi32, #tpu.memory_space<hbm>>
      %dma_start3A_227 = tpu.memref_squeeze %dma_start3A_226 : memref<1x80x125xi32, #tpu.memory_space<hbm>> -> memref<80x125xi32, #tpu.memory_space<hbm>>
      %dma_start3A_228 = arith.constant 0 : i32
      %dma_start3A_229 = arith.constant 0 : i32
      %dma_start3A_230 = tpu.memref_slice %arg3[%add3A_111, %dma_start3A_228, %dma_start3A_229] : memref<64x80x125xi32, #tpu.memory_space<hbm>> -> memref<1x80x125xi32, #tpu.memory_space<hbm>>
      %dma_start3A_231 = tpu.memref_squeeze %dma_start3A_230 : memref<1x80x125xi32, #tpu.memory_space<hbm>> -> memref<80x125xi32, #tpu.memory_space<hbm>>
      tpu.enqueue_dma source(%dma_start3A_231 : memref<80x125xi32, #tpu.memory_space<hbm>>) target(%arg10 : memref<80x125xi32, #tpu.memory_space<vmem>>) target_semaphore(%run_scoped3A : memref<!tpu.dma_semaphore, #tpu.memory_space<semaphore_mem>>)
      %dma_wait3A_232 = arith.constant 0 : i32
      %dma_wait3A_233 = arith.constant 0 : i32
      %dma_wait3A_234 = tpu.memref_slice %arg3[%add3A_111, %dma_wait3A_232, %dma_wait3A_233] : memref<64x80x125xi32, #tpu.memory_space<hbm>> -> memref<1x80x125xi32, #tpu.memory_space<hbm>>
      %dma_wait3A_235 = tpu.memref_squeeze %dma_wait3A_234 : memref<1x80x125xi32, #tpu.memory_space<hbm>> -> memref<80x125xi32, #tpu.memory_space<hbm>>
      %dma_wait3A_236 = arith.constant 0 : i32
      %dma_wait3A_237 = arith.constant 0 : i32
      %dma_wait3A_238 = tpu.memref_slice %arg3[%add3A_111, %dma_wait3A_236, %dma_wait3A_237] : memref<64x80x125xi32, #tpu.memory_space<hbm>> -> memref<1x80x125xi32, #tpu.memory_space<hbm>>
      %dma_wait3A_239 = tpu.memref_squeeze %dma_wait3A_238 : memref<1x80x125xi32, #tpu.memory_space<hbm>> -> memref<80x125xi32, #tpu.memory_space<hbm>>
      tpu.wait_dma2 semaphore(%run_scoped3A : memref<!tpu.dma_semaphore, #tpu.memory_space<semaphore_mem>>) src(%dma_wait3A_239 : memref<80x125xi32, #tpu.memory_space<hbm>>) dst(%arg10 : memref<80x125xi32, #tpu.memory_space<vmem>>)
      tpu.yield
    }) : () -> ()
    %dma_start3A_112 = arith.constant 0 : i32
    %dma_start3A_113 = arith.constant 0 : i32
    %dma_start3A_114 = tpu.memref_slice %arg10[%dma_start3A_112, %dma_start3A_113] : memref<80x125xi32, #tpu.memory_space<vmem>> -> memref<1x125xi32, #tpu.memory_space<vmem>>
    %dma_start3A_115 = tpu.memref_squeeze %dma_start3A_114 : memref<1x125xi32, #tpu.memory_space<vmem>> -> memref<125xi32, #tpu.memory_space<vmem>>
    %dma_start3A_116 = arith.constant 0 : i32
    %dma_start3A_117 = arith.constant 0 : i32
    %dma_start3A_118 = tpu.memref_slice %arg2[%dma_start3A_116, %dma_start3A_117] : memref<40000x64xf32, #tpu.memory_space<hbm>> -> memref<40000x64xf32, #tpu.memory_space<hbm>>
    tpu.enqueue_indirect_dma source(%dma_start3A_118 : memref<40000x64xf32, #tpu.memory_space<hbm>>) target(%arg12 : memref<125x64xf32, #tpu.memory_space<vmem>>) offsets(%dma_start3A_115 : memref<125xi32, #tpu.memory_space<vmem>>) semaphore(%arg20 : memref<!tpu.dma_semaphore, #tpu.memory_space<semaphore_mem>>)
    %dma_start3A_119 = arith.constant 1 : i32
    %dma_start3A_120 = arith.constant 0 : i32
    %dma_start3A_121 = tpu.memref_slice %arg10[%dma_start3A_119, %dma_start3A_120] : memref<80x125xi32, #tpu.memory_space<vmem>> -> memref<1x125xi32, #tpu.memory_space<vmem>>
    %dma_start3A_122 = tpu.memref_squeeze %dma_start3A_121 : memref<1x125xi32, #tpu.memory_space<vmem>> -> memref<125xi32, #tpu.memory_space<vmem>>
    %dma_start3A_123 = arith.constant 0 : i32
    %dma_start3A_124 = arith.constant 0 : i32
    %dma_start3A_125 = tpu.memref_slice %arg2[%dma_start3A_123, %dma_start3A_124] : memref<40000x64xf32, #tpu.memory_space<hbm>> -> memref<40000x64xf32, #tpu.memory_space<hbm>>
    tpu.enqueue_indirect_dma source(%dma_start3A_125 : memref<40000x64xf32, #tpu.memory_space<hbm>>) target(%arg13 : memref<125x64xf32, #tpu.memory_space<vmem>>) offsets(%dma_start3A_122 : memref<125xi32, #tpu.memory_space<vmem>>) semaphore(%arg21 : memref<!tpu.dma_semaphore, #tpu.memory_space<semaphore_mem>>)
    %dma_start3A_126 = arith.constant 2 : i32
    %dma_start3A_127 = arith.constant 0 : i32
    %dma_start3A_128 = tpu.memref_slice %arg10[%dma_start3A_126, %dma_start3A_127] : memref<80x125xi32, #tpu.memory_space<vmem>> -> memref<1x125xi32, #tpu.memory_space<vmem>>
    %dma_start3A_129 = tpu.memref_squeeze %dma_start3A_128 : memref<1x125xi32, #tpu.memory_space<vmem>> -> memref<125xi32, #tpu.memory_space<vmem>>
    %dma_start3A_130 = arith.constant 0 : i32
    %dma_start3A_131 = arith.constant 0 : i32
    %dma_start3A_132 = tpu.memref_slice %arg2[%dma_start3A_130, %dma_start3A_131] : memref<40000x64xf32, #tpu.memory_space<hbm>> -> memref<40000x64xf32, #tpu.memory_space<hbm>>
    tpu.enqueue_indirect_dma source(%dma_start3A_132 : memref<40000x64xf32, #tpu.memory_space<hbm>>) target(%arg14 : memref<125x64xf32, #tpu.memory_space<vmem>>) offsets(%dma_start3A_129 : memref<125xi32, #tpu.memory_space<vmem>>) semaphore(%arg22 : memref<!tpu.dma_semaphore, #tpu.memory_space<semaphore_mem>>)
    %dma_start3A_133 = arith.constant 3 : i32
    %dma_start3A_134 = arith.constant 0 : i32
    %dma_start3A_135 = tpu.memref_slice %arg10[%dma_start3A_133, %dma_start3A_134] : memref<80x125xi32, #tpu.memory_space<vmem>> -> memref<1x125xi32, #tpu.memory_space<vmem>>
    %dma_start3A_136 = tpu.memref_squeeze %dma_start3A_135 : memref<1x125xi32, #tpu.memory_space<vmem>> -> memref<125xi32, #tpu.memory_space<vmem>>
    %dma_start3A_137 = arith.constant 0 : i32
    %dma_start3A_138 = arith.constant 0 : i32
    %dma_start3A_139 = tpu.memref_slice %arg2[%dma_start3A_137, %dma_start3A_138] : memref<40000x64xf32, #tpu.memory_space<hbm>> -> memref<40000x64xf32, #tpu.memory_space<hbm>>
    tpu.enqueue_indirect_dma source(%dma_start3A_139 : memref<40000x64xf32, #tpu.memory_space<hbm>>) target(%arg15 : memref<125x64xf32, #tpu.memory_space<vmem>>) offsets(%dma_start3A_136 : memref<125xi32, #tpu.memory_space<vmem>>) semaphore(%arg23 : memref<!tpu.dma_semaphore, #tpu.memory_space<semaphore_mem>>)
    %dma_start3A_140 = arith.constant 4 : i32
    %dma_start3A_141 = arith.constant 0 : i32
    %dma_start3A_142 = tpu.memref_slice %arg10[%dma_start3A_140, %dma_start3A_141] : memref<80x125xi32, #tpu.memory_space<vmem>> -> memref<1x125xi32, #tpu.memory_space<vmem>>
    %dma_start3A_143 = tpu.memref_squeeze %dma_start3A_142 : memref<1x125xi32, #tpu.memory_space<vmem>> -> memref<125xi32, #tpu.memory_space<vmem>>
    %dma_start3A_144 = arith.constant 0 : i32
    %dma_start3A_145 = arith.constant 0 : i32
    %dma_start3A_146 = tpu.memref_slice %arg2[%dma_start3A_144, %dma_start3A_145] : memref<40000x64xf32, #tpu.memory_space<hbm>> -> memref<40000x64xf32, #tpu.memory_space<hbm>>
    tpu.enqueue_indirect_dma source(%dma_start3A_146 : memref<40000x64xf32, #tpu.memory_space<hbm>>) target(%arg16 : memref<125x64xf32, #tpu.memory_space<vmem>>) offsets(%dma_start3A_143 : memref<125xi32, #tpu.memory_space<vmem>>) semaphore(%arg24 : memref<!tpu.dma_semaphore, #tpu.memory_space<semaphore_mem>>)
    %mul3A_147 = arith.constant 625 : i32
    %mul3A_148 = arith.muli %arg1, %mul3A_147 : i32
    %mul3A_149 = arith.constant 625 : i32
    %mul3A_150 = arith.muli %arg1, %mul3A_149 : i32
    "tpu.region"() ({
      %run_scoped3A = tpu.sem_alloc : memref<!tpu.dma_semaphore, #tpu.memory_space<semaphore_mem>>
      %dma_start3A_224 = arith.constant 0 : i32
      %dma_start3A_225 = tpu.memref_slice %arg8[%arg0, %mul3A_150, %dma_start3A_224] : memref<2x10000x128xf32, #tpu.memory_space<hbm>> -> memref<1x625x64xf32, #tpu.memory_space<hbm>>
      %dma_start3A_226 = tpu.memref_squeeze %dma_start3A_225 : memref<1x625x64xf32, #tpu.memory_space<hbm>> -> memref<625x64xf32, #tpu.memory_space<hbm>>
      %dma_start3A_227 = arith.constant 0 : i32
      %dma_start3A_228 = tpu.memref_slice %arg18[%mul3A_148, %dma_start3A_227] : memref<10000x64xf32, #tpu.memory_space<vmem_shared>> -> memref<625x64xf32, #tpu.memory_space<vmem_shared>>
      tpu.enqueue_dma source(%dma_start3A_228 : memref<625x64xf32, #tpu.memory_space<vmem_shared>>) target(%dma_start3A_226 : memref<625x64xf32, #tpu.memory_space<hbm>>) target_semaphore(%run_scoped3A : memref<!tpu.dma_semaphore, #tpu.memory_space<semaphore_mem>>)
      %dma_wait3A_229 = arith.constant 0 : i32
      %dma_wait3A_230 = tpu.memref_slice %arg8[%arg0, %mul3A_150, %dma_wait3A_229] : memref<2x10000x128xf32, #tpu.memory_space<hbm>> -> memref<1x625x64xf32, #tpu.memory_space<hbm>>
      %dma_wait3A_231 = tpu.memref_squeeze %dma_wait3A_230 : memref<1x625x64xf32, #tpu.memory_space<hbm>> -> memref<625x64xf32, #tpu.memory_space<hbm>>
      %dma_wait3A_232 = arith.constant 0 : i32
      %dma_wait3A_233 = tpu.memref_slice %arg18[%mul3A_148, %dma_wait3A_232] : memref<10000x64xf32, #tpu.memory_space<vmem_shared>> -> memref<625x64xf32, #tpu.memory_space<vmem_shared>>
      tpu.wait_dma2 semaphore(%run_scoped3A : memref<!tpu.dma_semaphore, #tpu.memory_space<semaphore_mem>>) src(%dma_wait3A_233 : memref<625x64xf32, #tpu.memory_space<vmem_shared>>) dst(%dma_wait3A_231 : memref<625x64xf32, #tpu.memory_space<hbm>>)
      tpu.yield
    }) : () -> ()
    %mul3A_151 = arith.constant 625 : i32
    %mul3A_152 = arith.muli %arg1, %mul3A_151 : i32
    %add3A_153 = arith.constant 0 : i32
    %add3A_154 = arith.addi %mul3A_152, %add3A_153 : i32
    "tpu.region"() ({
      %run_scoped3A = tpu.sem_alloc : memref<!tpu.dma_semaphore, #tpu.memory_space<semaphore_mem>>
      %dma_start3A_224 = arith.constant 0 : i32
      %dma_start3A_225 = tpu.memref_slice %arg18[%add3A_154, %dma_start3A_224] : memref<10000x64xf32, #tpu.memory_space<vmem_shared>> -> memref<125x64xf32, #tpu.memory_space<vmem_shared>>
      tpu.enqueue_dma source(%arg5 : memref<125x64xf32, #tpu.memory_space<hbm>>) target(%dma_start3A_225 : memref<125x64xf32, #tpu.memory_space<vmem_shared>>) target_semaphore(%run_scoped3A : memref<!tpu.dma_semaphore, #tpu.memory_space<semaphore_mem>>)
      %dma_wait3A_226 = arith.constant 0 : i32
      %dma_wait3A_227 = tpu.memref_slice %arg18[%add3A_154, %dma_wait3A_226] : memref<10000x64xf32, #tpu.memory_space<vmem_shared>> -> memref<125x64xf32, #tpu.memory_space<vmem_shared>>
      tpu.wait_dma2 semaphore(%run_scoped3A : memref<!tpu.dma_semaphore, #tpu.memory_space<semaphore_mem>>) src(%arg5 : memref<125x64xf32, #tpu.memory_space<hbm>>) dst(%dma_wait3A_227 : memref<125x64xf32, #tpu.memory_space<vmem_shared>>)
      tpu.yield
    }) : () -> ()
    %mul3A_155 = arith.constant 625 : i32
    %mul3A_156 = arith.muli %arg1, %mul3A_155 : i32
    %add3A_157 = arith.constant 125 : i32
    %add3A_158 = arith.addi %mul3A_156, %add3A_157 : i32
    "tpu.region"() ({
      %run_scoped3A = tpu.sem_alloc : memref<!tpu.dma_semaphore, #tpu.memory_space<semaphore_mem>>
      %dma_start3A_224 = arith.constant 0 : i32
      %dma_start3A_225 = tpu.memref_slice %arg18[%add3A_158, %dma_start3A_224] : memref<10000x64xf32, #tpu.memory_space<vmem_shared>> -> memref<125x64xf32, #tpu.memory_space<vmem_shared>>
      tpu.enqueue_dma source(%arg5 : memref<125x64xf32, #tpu.memory_space<hbm>>) target(%dma_start3A_225 : memref<125x64xf32, #tpu.memory_space<vmem_shared>>) target_semaphore(%run_scoped3A : memref<!tpu.dma_semaphore, #tpu.memory_space<semaphore_mem>>)
      %dma_wait3A_226 = arith.constant 0 : i32
      %dma_wait3A_227 = tpu.memref_slice %arg18[%add3A_158, %dma_wait3A_226] : memref<10000x64xf32, #tpu.memory_space<vmem_shared>> -> memref<125x64xf32, #tpu.memory_space<vmem_shared>>
      tpu.wait_dma2 semaphore(%run_scoped3A : memref<!tpu.dma_semaphore, #tpu.memory_space<semaphore_mem>>) src(%arg5 : memref<125x64xf32, #tpu.memory_space<hbm>>) dst(%dma_wait3A_227 : memref<125x64xf32, #tpu.memory_space<vmem_shared>>)
      tpu.yield
    }) : () -> ()
    %mul3A_159 = arith.constant 625 : i32
    %mul3A_160 = arith.muli %arg1, %mul3A_159 : i32
    %add3A_161 = arith.constant 250 : i32
    %add3A_162 = arith.addi %mul3A_160, %add3A_161 : i32
    "tpu.region"() ({
      %run_scoped3A = tpu.sem_alloc : memref<!tpu.dma_semaphore, #tpu.memory_space<semaphore_mem>>
      %dma_start3A_224 = arith.constant 0 : i32
      %dma_start3A_225 = tpu.memref_slice %arg18[%add3A_162, %dma_start3A_224] : memref<10000x64xf32, #tpu.memory_space<vmem_shared>> -> memref<125x64xf32, #tpu.memory_space<vmem_shared>>
      tpu.enqueue_dma source(%arg5 : memref<125x64xf32, #tpu.memory_space<hbm>>) target(%dma_start3A_225 : memref<125x64xf32, #tpu.memory_space<vmem_shared>>) target_semaphore(%run_scoped3A : memref<!tpu.dma_semaphore, #tpu.memory_space<semaphore_mem>>)
      %dma_wait3A_226 = arith.constant 0 : i32
      %dma_wait3A_227 = tpu.memref_slice %arg18[%add3A_162, %dma_wait3A_226] : memref<10000x64xf32, #tpu.memory_space<vmem_shared>> -> memref<125x64xf32, #tpu.memory_space<vmem_shared>>
      tpu.wait_dma2 semaphore(%run_scoped3A : memref<!tpu.dma_semaphore, #tpu.memory_space<semaphore_mem>>) src(%arg5 : memref<125x64xf32, #tpu.memory_space<hbm>>) dst(%dma_wait3A_227 : memref<125x64xf32, #tpu.memory_space<vmem_shared>>)
      tpu.yield
    }) : () -> ()
    %mul3A_163 = arith.constant 625 : i32
    %mul3A_164 = arith.muli %arg1, %mul3A_163 : i32
    %add3A_165 = arith.constant 375 : i32
    %add3A_166 = arith.addi %mul3A_164, %add3A_165 : i32
    "tpu.region"() ({
      %run_scoped3A = tpu.sem_alloc : memref<!tpu.dma_semaphore, #tpu.memory_space<semaphore_mem>>
      %dma_start3A_224 = arith.constant 0 : i32
      %dma_start3A_225 = tpu.memref_slice %arg18[%add3A_166, %dma_start3A_224] : memref<10000x64xf32, #tpu.memory_space<vmem_shared>> -> memref<125x64xf32, #tpu.memory_space<vmem_shared>>
      tpu.enqueue_dma source(%arg5 : memref<125x64xf32, #tpu.memory_space<hbm>>) target(%dma_start3A_225 : memref<125x64xf32, #tpu.memory_space<vmem_shared>>) target_semaphore(%run_scoped3A : memref<!tpu.dma_semaphore, #tpu.memory_space<semaphore_mem>>)
      %dma_wait3A_226 = arith.constant 0 : i32
      %dma_wait3A_227 = tpu.memref_slice %arg18[%add3A_166, %dma_wait3A_226] : memref<10000x64xf32, #tpu.memory_space<vmem_shared>> -> memref<125x64xf32, #tpu.memory_space<vmem_shared>>
      tpu.wait_dma2 semaphore(%run_scoped3A : memref<!tpu.dma_semaphore, #tpu.memory_space<semaphore_mem>>) src(%arg5 : memref<125x64xf32, #tpu.memory_space<hbm>>) dst(%dma_wait3A_227 : memref<125x64xf32, #tpu.memory_space<vmem_shared>>)
      tpu.yield
    }) : () -> ()
    %mul3A_167 = arith.constant 625 : i32
    %mul3A_168 = arith.muli %arg1, %mul3A_167 : i32
    %add3A_169 = arith.constant 500 : i32
    %add3A_170 = arith.addi %mul3A_168, %add3A_169 : i32
    "tpu.region"() ({
      %run_scoped3A = tpu.sem_alloc : memref<!tpu.dma_semaphore, #tpu.memory_space<semaphore_mem>>
      %dma_start3A_224 = arith.constant 0 : i32
      %dma_start3A_225 = tpu.memref_slice %arg18[%add3A_170, %dma_start3A_224] : memref<10000x64xf32, #tpu.memory_space<vmem_shared>> -> memref<125x64xf32, #tpu.memory_space<vmem_shared>>
      tpu.enqueue_dma source(%arg5 : memref<125x64xf32, #tpu.memory_space<hbm>>) target(%dma_start3A_225 : memref<125x64xf32, #tpu.memory_space<vmem_shared>>) target_semaphore(%run_scoped3A : memref<!tpu.dma_semaphore, #tpu.memory_space<semaphore_mem>>)
      %dma_wait3A_226 = arith.constant 0 : i32
      %dma_wait3A_227 = tpu.memref_slice %arg18[%add3A_170, %dma_wait3A_226] : memref<10000x64xf32, #tpu.memory_space<vmem_shared>> -> memref<125x64xf32, #tpu.memory_space<vmem_shared>>
      tpu.wait_dma2 semaphore(%run_scoped3A : memref<!tpu.dma_semaphore, #tpu.memory_space<semaphore_mem>>) src(%arg5 : memref<125x64xf32, #tpu.memory_space<hbm>>) dst(%dma_wait3A_227 : memref<125x64xf32, #tpu.memory_space<vmem_shared>>)
      tpu.yield
    }) : () -> ()
    %barrier3A_171 = arith.constant 0 : index
    tpu.barrier barrier_id(%barrier3A_171)
    %scan3A_172 = arith.constant 0 : i32
    %scan3A_173 = arith.constant 16 : i32
    %scan3A_174 = arith.addi %scan3A_172, %scan3A_173 : i32
    %scan3A_175 = arith.constant 1 : i32
    scf.for %scan3A_224 = %scan3A_172 to %scan3A_174 step %scan3A_175  : i32 {
      %mul3A_225 = arith.constant 5 : i32
      %mul3A_226 = arith.muli %mul3A_225, %scan3A_224 : i32
      %add3A_227 = arith.constant 0 : i32
      %add3A_228 = arith.addi %mul3A_226, %add3A_227 : i32
      %dma_wait3A_229 = arith.constant 0 : i32
      %dma_wait3A_230 = tpu.memref_slice %arg10[%add3A_228, %dma_wait3A_229] : memref<80x125xi32, #tpu.memory_space<vmem>> -> memref<1x125xi32, #tpu.memory_space<vmem>>
      %dma_wait3A_231 = tpu.memref_squeeze %dma_wait3A_230 : memref<1x125xi32, #tpu.memory_space<vmem>> -> memref<125xi32, #tpu.memory_space<vmem>>
      %dma_wait3A_232 = arith.constant 0 : i32
      %dma_wait3A_233 = arith.constant 0 : i32
      %dma_wait3A_234 = tpu.memref_slice %arg2[%dma_wait3A_232, %dma_wait3A_233] : memref<40000x64xf32, #tpu.memory_space<hbm>> -> memref<40000x64xf32, #tpu.memory_space<hbm>>
      tpu.wait_indirect_dma semaphore(%arg20 : memref<!tpu.dma_semaphore, #tpu.memory_space<semaphore_mem>>) src(%dma_wait3A_234 : memref<40000x64xf32, #tpu.memory_space<hbm>>) dst(%arg12 : memref<125x64xf32, #tpu.memory_space<vmem>>)
      %dma_start3A_235 = arith.constant 0 : i32
      %dma_start3A_236 = tpu.memref_slice %arg11[%add3A_228, %dma_start3A_235] : memref<80x125xi32, #tpu.memory_space<vmem>> -> memref<1x125xi32, #tpu.memory_space<vmem>>
      %dma_start3A_237 = tpu.memref_squeeze %dma_start3A_236 : memref<1x125xi32, #tpu.memory_space<vmem>> -> memref<125xi32, #tpu.memory_space<vmem>>
      %dma_start3A_238 = arith.constant 0 : i32
      %dma_start3A_239 = arith.constant 0 : i32
      %dma_start3A_240 = tpu.memref_slice %arg18[%dma_start3A_238, %dma_start3A_239] : memref<10000x64xf32, #tpu.memory_space<vmem_shared>> -> memref<10000x64xf32, #tpu.memory_space<vmem_shared>>
      tpu.enqueue_indirect_dma source(%arg12 : memref<125x64xf32, #tpu.memory_space<vmem>>) target(%dma_start3A_240 : memref<10000x64xf32, #tpu.memory_space<vmem_shared>>) offsets(%dma_start3A_237 : memref<125xi32, #tpu.memory_space<vmem>>) semaphore(%arg25 : memref<!tpu.dma_semaphore, #tpu.memory_space<semaphore_mem>>) {add = true}
      %add3A_241 = arith.constant 1 : i32
      %add3A_242 = arith.addi %mul3A_226, %add3A_241 : i32
      %dma_wait3A_243 = arith.constant 0 : i32
      %dma_wait3A_244 = tpu.memref_slice %arg10[%add3A_242, %dma_wait3A_243] : memref<80x125xi32, #tpu.memory_space<vmem>> -> memref<1x125xi32, #tpu.memory_space<vmem>>
      %dma_wait3A_245 = tpu.memref_squeeze %dma_wait3A_244 : memref<1x125xi32, #tpu.memory_space<vmem>> -> memref<125xi32, #tpu.memory_space<vmem>>
      %dma_wait3A_246 = arith.constant 0 : i32
      %dma_wait3A_247 = arith.constant 0 : i32
      %dma_wait3A_248 = tpu.memref_slice %arg2[%dma_wait3A_246, %dma_wait3A_247] : memref<40000x64xf32, #tpu.memory_space<hbm>> -> memref<40000x64xf32, #tpu.memory_space<hbm>>
      tpu.wait_indirect_dma semaphore(%arg21 : memref<!tpu.dma_semaphore, #tpu.memory_space<semaphore_mem>>) src(%dma_wait3A_248 : memref<40000x64xf32, #tpu.memory_space<hbm>>) dst(%arg13 : memref<125x64xf32, #tpu.memory_space<vmem>>)
      %dma_start3A_249 = arith.constant 0 : i32
      %dma_start3A_250 = tpu.memref_slice %arg11[%add3A_242, %dma_start3A_249] : memref<80x125xi32, #tpu.memory_space<vmem>> -> memref<1x125xi32, #tpu.memory_space<vmem>>
      %dma_start3A_251 = tpu.memref_squeeze %dma_start3A_250 : memref<1x125xi32, #tpu.memory_space<vmem>> -> memref<125xi32, #tpu.memory_space<vmem>>
      %dma_start3A_252 = arith.constant 0 : i32
      %dma_start3A_253 = arith.constant 0 : i32
      %dma_start3A_254 = tpu.memref_slice %arg18[%dma_start3A_252, %dma_start3A_253] : memref<10000x64xf32, #tpu.memory_space<vmem_shared>> -> memref<10000x64xf32, #tpu.memory_space<vmem_shared>>
      tpu.enqueue_indirect_dma source(%arg13 : memref<125x64xf32, #tpu.memory_space<vmem>>) target(%dma_start3A_254 : memref<10000x64xf32, #tpu.memory_space<vmem_shared>>) offsets(%dma_start3A_251 : memref<125xi32, #tpu.memory_space<vmem>>) semaphore(%arg26 : memref<!tpu.dma_semaphore, #tpu.memory_space<semaphore_mem>>) {add = true}
      %add3A_255 = arith.constant 2 : i32
      %add3A_256 = arith.addi %mul3A_226, %add3A_255 : i32
      %dma_wait3A_257 = arith.constant 0 : i32
      %dma_wait3A_258 = tpu.memref_slice %arg10[%add3A_256, %dma_wait3A_257] : memref<80x125xi32, #tpu.memory_space<vmem>> -> memref<1x125xi32, #tpu.memory_space<vmem>>
      %dma_wait3A_259 = tpu.memref_squeeze %dma_wait3A_258 : memref<1x125xi32, #tpu.memory_space<vmem>> -> memref<125xi32, #tpu.memory_space<vmem>>
      %dma_wait3A_260 = arith.constant 0 : i32
      %dma_wait3A_261 = arith.constant 0 : i32
      %dma_wait3A_262 = tpu.memref_slice %arg2[%dma_wait3A_260, %dma_wait3A_261] : memref<40000x64xf32, #tpu.memory_space<hbm>> -> memref<40000x64xf32, #tpu.memory_space<hbm>>
      tpu.wait_indirect_dma semaphore(%arg22 : memref<!tpu.dma_semaphore, #tpu.memory_space<semaphore_mem>>) src(%dma_wait3A_262 : memref<40000x64xf32, #tpu.memory_space<hbm>>) dst(%arg14 : memref<125x64xf32, #tpu.memory_space<vmem>>)
      %dma_start3A_263 = arith.constant 0 : i32
      %dma_start3A_264 = tpu.memref_slice %arg11[%add3A_256, %dma_start3A_263] : memref<80x125xi32, #tpu.memory_space<vmem>> -> memref<1x125xi32, #tpu.memory_space<vmem>>
      %dma_start3A_265 = tpu.memref_squeeze %dma_start3A_264 : memref<1x125xi32, #tpu.memory_space<vmem>> -> memref<125xi32, #tpu.memory_space<vmem>>
      %dma_start3A_266 = arith.constant 0 : i32
      %dma_start3A_267 = arith.constant 0 : i32
      %dma_start3A_268 = tpu.memref_slice %arg18[%dma_start3A_266, %dma_start3A_267] : memref<10000x64xf32, #tpu.memory_space<vmem_shared>> -> memref<10000x64xf32, #tpu.memory_space<vmem_shared>>
      tpu.enqueue_indirect_dma source(%arg14 : memref<125x64xf32, #tpu.memory_space<vmem>>) target(%dma_start3A_268 : memref<10000x64xf32, #tpu.memory_space<vmem_shared>>) offsets(%dma_start3A_265 : memref<125xi32, #tpu.memory_space<vmem>>) semaphore(%arg27 : memref<!tpu.dma_semaphore, #tpu.memory_space<semaphore_mem>>) {add = true}
      %add3A_269 = arith.constant 3 : i32
      %add3A_270 = arith.addi %mul3A_226, %add3A_269 : i32
      %dma_wait3A_271 = arith.constant 0 : i32
      %dma_wait3A_272 = tpu.memref_slice %arg10[%add3A_270, %dma_wait3A_271] : memref<80x125xi32, #tpu.memory_space<vmem>> -> memref<1x125xi32, #tpu.memory_space<vmem>>
      %dma_wait3A_273 = tpu.memref_squeeze %dma_wait3A_272 : memref<1x125xi32, #tpu.memory_space<vmem>> -> memref<125xi32, #tpu.memory_space<vmem>>
      %dma_wait3A_274 = arith.constant 0 : i32
      %dma_wait3A_275 = arith.constant 0 : i32
      %dma_wait3A_276 = tpu.memref_slice %arg2[%dma_wait3A_274, %dma_wait3A_275] : memref<40000x64xf32, #tpu.memory_space<hbm>> -> memref<40000x64xf32, #tpu.memory_space<hbm>>
      tpu.wait_indirect_dma semaphore(%arg23 : memref<!tpu.dma_semaphore, #tpu.memory_space<semaphore_mem>>) src(%dma_wait3A_276 : memref<40000x64xf32, #tpu.memory_space<hbm>>) dst(%arg15 : memref<125x64xf32, #tpu.memory_space<vmem>>)
      %dma_start3A_277 = arith.constant 0 : i32
      %dma_start3A_278 = tpu.memref_slice %arg11[%add3A_270, %dma_start3A_277] : memref<80x125xi32, #tpu.memory_space<vmem>> -> memref<1x125xi32, #tpu.memory_space<vmem>>
      %dma_start3A_279 = tpu.memref_squeeze %dma_start3A_278 : memref<1x125xi32, #tpu.memory_space<vmem>> -> memref<125xi32, #tpu.memory_space<vmem>>
      %dma_start3A_280 = arith.constant 0 : i32
      %dma_start3A_281 = arith.constant 0 : i32
      %dma_start3A_282 = tpu.memref_slice %arg18[%dma_start3A_280, %dma_start3A_281] : memref<10000x64xf32, #tpu.memory_space<vmem_shared>> -> memref<10000x64xf32, #tpu.memory_space<vmem_shared>>
      tpu.enqueue_indirect_dma source(%arg15 : memref<125x64xf32, #tpu.memory_space<vmem>>) target(%dma_start3A_282 : memref<10000x64xf32, #tpu.memory_space<vmem_shared>>) offsets(%dma_start3A_279 : memref<125xi32, #tpu.memory_space<vmem>>) semaphore(%arg28 : memref<!tpu.dma_semaphore, #tpu.memory_space<semaphore_mem>>) {add = true}
      %add3A_283 = arith.constant 4 : i32
      %add3A_284 = arith.addi %mul3A_226, %add3A_283 : i32
      %dma_wait3A_285 = arith.constant 0 : i32
      %dma_wait3A_286 = tpu.memref_slice %arg10[%add3A_284, %dma_wait3A_285] : memref<80x125xi32, #tpu.memory_space<vmem>> -> memref<1x125xi32, #tpu.memory_space<vmem>>
      %dma_wait3A_287 = tpu.memref_squeeze %dma_wait3A_286 : memref<1x125xi32, #tpu.memory_space<vmem>> -> memref<125xi32, #tpu.memory_space<vmem>>
      %dma_wait3A_288 = arith.constant 0 : i32
      %dma_wait3A_289 = arith.constant 0 : i32
      %dma_wait3A_290 = tpu.memref_slice %arg2[%dma_wait3A_288, %dma_wait3A_289] : memref<40000x64xf32, #tpu.memory_space<hbm>> -> memref<40000x64xf32, #tpu.memory_space<hbm>>
      tpu.wait_indirect_dma semaphore(%arg24 : memref<!tpu.dma_semaphore, #tpu.memory_space<semaphore_mem>>) src(%dma_wait3A_290 : memref<40000x64xf32, #tpu.memory_space<hbm>>) dst(%arg16 : memref<125x64xf32, #tpu.memory_space<vmem>>)
      %dma_start3A_291 = arith.constant 0 : i32
      %dma_start3A_292 = tpu.memref_slice %arg11[%add3A_284, %dma_start3A_291] : memref<80x125xi32, #tpu.memory_space<vmem>> -> memref<1x125xi32, #tpu.memory_space<vmem>>
      %dma_start3A_293 = tpu.memref_squeeze %dma_start3A_292 : memref<1x125xi32, #tpu.memory_space<vmem>> -> memref<125xi32, #tpu.memory_space<vmem>>
      %dma_start3A_294 = arith.constant 0 : i32
      %dma_start3A_295 = arith.constant 0 : i32
      %dma_start3A_296 = tpu.memref_slice %arg18[%dma_start3A_294, %dma_start3A_295] : memref<10000x64xf32, #tpu.memory_space<vmem_shared>> -> memref<10000x64xf32, #tpu.memory_space<vmem_shared>>
      tpu.enqueue_indirect_dma source(%arg16 : memref<125x64xf32, #tpu.memory_space<vmem>>) target(%dma_start3A_296 : memref<10000x64xf32, #tpu.memory_space<vmem_shared>>) offsets(%dma_start3A_293 : memref<125xi32, #tpu.memory_space<vmem>>) semaphore(%arg29 : memref<!tpu.dma_semaphore, #tpu.memory_space<semaphore_mem>>) {add = true}
      %add3A_297 = arith.constant 1 : i32
      %add3A_298 = arith.addi %scan3A_224, %add3A_297 : i32
      %lt3A = arith.constant 16 : i32
      %lt3A_299 = arith.cmpi slt, %add3A_298, %lt3A : i32
      %convert_element_type3A_300 = arith.extui %lt3A_299 : i1 to i32
      %cond3A_301 = arith.constant 0 : i32
      %cond3A_302 = arith.cmpi ne, %convert_element_type3A_300, %cond3A_301 : i32
      scf.if %cond3A_302 {
        %add3A_303 = arith.constant 0 : i32
        %add3A_304 = arith.addi %mul3A_226, %add3A_303 : i32
        %dma_wait3A_305 = arith.constant 0 : i32
        %dma_wait3A_306 = tpu.memref_slice %arg11[%add3A_304, %dma_wait3A_305] : memref<80x125xi32, #tpu.memory_space<vmem>> -> memref<1x125xi32, #tpu.memory_space<vmem>>
        %dma_wait3A_307 = tpu.memref_squeeze %dma_wait3A_306 : memref<1x125xi32, #tpu.memory_space<vmem>> -> memref<125xi32, #tpu.memory_space<vmem>>
        %dma_wait3A_308 = arith.constant 0 : i32
        %dma_wait3A_309 = arith.constant 0 : i32
        %dma_wait3A_310 = tpu.memref_slice %arg18[%dma_wait3A_308, %dma_wait3A_309] : memref<10000x64xf32, #tpu.memory_space<vmem_shared>> -> memref<10000x64xf32, #tpu.memory_space<vmem_shared>>
        tpu.wait_indirect_dma semaphore(%arg25 : memref<!tpu.dma_semaphore, #tpu.memory_space<semaphore_mem>>) src(%arg12 : memref<125x64xf32, #tpu.memory_space<vmem>>) dst(%dma_wait3A_310 : memref<10000x64xf32, #tpu.memory_space<vmem_shared>>)
        %add3A_311 = arith.constant 5 : i32
        %add3A_312 = arith.addi %mul3A_226, %add3A_311 : i32
        %add3A_313 = arith.constant 0 : i32
        %add3A_314 = arith.addi %add3A_312, %add3A_313 : i32
        %dma_start3A_315 = arith.constant 0 : i32
        %dma_start3A_316 = tpu.memref_slice %arg10[%add3A_314, %dma_start3A_315] : memref<80x125xi32, #tpu.memory_space<vmem>> -> memref<1x125xi32, #tpu.memory_space<vmem>>
        %dma_start3A_317 = tpu.memref_squeeze %dma_start3A_316 : memref<1x125xi32, #tpu.memory_space<vmem>> -> memref<125xi32, #tpu.memory_space<vmem>>
        %dma_start3A_318 = arith.constant 0 : i32
        %dma_start3A_319 = arith.constant 0 : i32
        %dma_start3A_320 = tpu.memref_slice %arg2[%dma_start3A_318, %dma_start3A_319] : memref<40000x64xf32, #tpu.memory_space<hbm>> -> memref<40000x64xf32, #tpu.memory_space<hbm>>
        tpu.enqueue_indirect_dma source(%dma_start3A_320 : memref<40000x64xf32, #tpu.memory_space<hbm>>) target(%arg12 : memref<125x64xf32, #tpu.memory_space<vmem>>) offsets(%dma_start3A_317 : memref<125xi32, #tpu.memory_space<vmem>>) semaphore(%arg20 : memref<!tpu.dma_semaphore, #tpu.memory_space<semaphore_mem>>)
        %add3A_321 = arith.constant 1 : i32
        %add3A_322 = arith.addi %mul3A_226, %add3A_321 : i32
        %dma_wait3A_323 = arith.constant 0 : i32
        %dma_wait3A_324 = tpu.memref_slice %arg11[%add3A_322, %dma_wait3A_323] : memref<80x125xi32, #tpu.memory_space<vmem>> -> memref<1x125xi32, #tpu.memory_space<vmem>>
        %dma_wait3A_325 = tpu.memref_squeeze %dma_wait3A_324 : memref<1x125xi32, #tpu.memory_space<vmem>> -> memref<125xi32, #tpu.memory_space<vmem>>
        %dma_wait3A_326 = arith.constant 0 : i32
        %dma_wait3A_327 = arith.constant 0 : i32
        %dma_wait3A_328 = tpu.memref_slice %arg18[%dma_wait3A_326, %dma_wait3A_327] : memref<10000x64xf32, #tpu.memory_space<vmem_shared>> -> memref<10000x64xf32, #tpu.memory_space<vmem_shared>>
        tpu.wait_indirect_dma semaphore(%arg26 : memref<!tpu.dma_semaphore, #tpu.memory_space<semaphore_mem>>) src(%arg13 : memref<125x64xf32, #tpu.memory_space<vmem>>) dst(%dma_wait3A_328 : memref<10000x64xf32, #tpu.memory_space<vmem_shared>>)
        %add3A_329 = arith.constant 5 : i32
        %add3A_330 = arith.addi %mul3A_226, %add3A_329 : i32
        %add3A_331 = arith.constant 1 : i32
        %add3A_332 = arith.addi %add3A_330, %add3A_331 : i32
        %dma_start3A_333 = arith.constant 0 : i32
        %dma_start3A_334 = tpu.memref_slice %arg10[%add3A_332, %dma_start3A_333] : memref<80x125xi32, #tpu.memory_space<vmem>> -> memref<1x125xi32, #tpu.memory_space<vmem>>
        %dma_start3A_335 = tpu.memref_squeeze %dma_start3A_334 : memref<1x125xi32, #tpu.memory_space<vmem>> -> memref<125xi32, #tpu.memory_space<vmem>>
        %dma_start3A_336 = arith.constant 0 : i32
        %dma_start3A_337 = arith.constant 0 : i32
        %dma_start3A_338 = tpu.memref_slice %arg2[%dma_start3A_336, %dma_start3A_337] : memref<40000x64xf32, #tpu.memory_space<hbm>> -> memref<40000x64xf32, #tpu.memory_space<hbm>>
        tpu.enqueue_indirect_dma source(%dma_start3A_338 : memref<40000x64xf32, #tpu.memory_space<hbm>>) target(%arg13 : memref<125x64xf32, #tpu.memory_space<vmem>>) offsets(%dma_start3A_335 : memref<125xi32, #tpu.memory_space<vmem>>) semaphore(%arg21 : memref<!tpu.dma_semaphore, #tpu.memory_space<semaphore_mem>>)
        %add3A_339 = arith.constant 2 : i32
        %add3A_340 = arith.addi %mul3A_226, %add3A_339 : i32
        %dma_wait3A_341 = arith.constant 0 : i32
        %dma_wait3A_342 = tpu.memref_slice %arg11[%add3A_340, %dma_wait3A_341] : memref<80x125xi32, #tpu.memory_space<vmem>> -> memref<1x125xi32, #tpu.memory_space<vmem>>
        %dma_wait3A_343 = tpu.memref_squeeze %dma_wait3A_342 : memref<1x125xi32, #tpu.memory_space<vmem>> -> memref<125xi32, #tpu.memory_space<vmem>>
        %dma_wait3A_344 = arith.constant 0 : i32
        %dma_wait3A_345 = arith.constant 0 : i32
        %dma_wait3A_346 = tpu.memref_slice %arg18[%dma_wait3A_344, %dma_wait3A_345] : memref<10000x64xf32, #tpu.memory_space<vmem_shared>> -> memref<10000x64xf32, #tpu.memory_space<vmem_shared>>
        tpu.wait_indirect_dma semaphore(%arg27 : memref<!tpu.dma_semaphore, #tpu.memory_space<semaphore_mem>>) src(%arg14 : memref<125x64xf32, #tpu.memory_space<vmem>>) dst(%dma_wait3A_346 : memref<10000x64xf32, #tpu.memory_space<vmem_shared>>)
        %add3A_347 = arith.constant 5 : i32
        %add3A_348 = arith.addi %mul3A_226, %add3A_347 : i32
        %add3A_349 = arith.constant 2 : i32
        %add3A_350 = arith.addi %add3A_348, %add3A_349 : i32
        %dma_start3A_351 = arith.constant 0 : i32
        %dma_start3A_352 = tpu.memref_slice %arg10[%add3A_350, %dma_start3A_351] : memref<80x125xi32, #tpu.memory_space<vmem>> -> memref<1x125xi32, #tpu.memory_space<vmem>>
        %dma_start3A_353 = tpu.memref_squeeze %dma_start3A_352 : memref<1x125xi32, #tpu.memory_space<vmem>> -> memref<125xi32, #tpu.memory_space<vmem>>
        %dma_start3A_354 = arith.constant 0 : i32
        %dma_start3A_355 = arith.constant 0 : i32
        %dma_start3A_356 = tpu.memref_slice %arg2[%dma_start3A_354, %dma_start3A_355] : memref<40000x64xf32, #tpu.memory_space<hbm>> -> memref<40000x64xf32, #tpu.memory_space<hbm>>
        tpu.enqueue_indirect_dma source(%dma_start3A_356 : memref<40000x64xf32, #tpu.memory_space<hbm>>) target(%arg14 : memref<125x64xf32, #tpu.memory_space<vmem>>) offsets(%dma_start3A_353 : memref<125xi32, #tpu.memory_space<vmem>>) semaphore(%arg22 : memref<!tpu.dma_semaphore, #tpu.memory_space<semaphore_mem>>)
        %add3A_357 = arith.constant 3 : i32
        %add3A_358 = arith.addi %mul3A_226, %add3A_357 : i32
        %dma_wait3A_359 = arith.constant 0 : i32
        %dma_wait3A_360 = tpu.memref_slice %arg11[%add3A_358, %dma_wait3A_359] : memref<80x125xi32, #tpu.memory_space<vmem>> -> memref<1x125xi32, #tpu.memory_space<vmem>>
        %dma_wait3A_361 = tpu.memref_squeeze %dma_wait3A_360 : memref<1x125xi32, #tpu.memory_space<vmem>> -> memref<125xi32, #tpu.memory_space<vmem>>
        %dma_wait3A_362 = arith.constant 0 : i32
        %dma_wait3A_363 = arith.constant 0 : i32
        %dma_wait3A_364 = tpu.memref_slice %arg18[%dma_wait3A_362, %dma_wait3A_363] : memref<10000x64xf32, #tpu.memory_space<vmem_shared>> -> memref<10000x64xf32, #tpu.memory_space<vmem_shared>>
        tpu.wait_indirect_dma semaphore(%arg28 : memref<!tpu.dma_semaphore, #tpu.memory_space<semaphore_mem>>) src(%arg15 : memref<125x64xf32, #tpu.memory_space<vmem>>) dst(%dma_wait3A_364 : memref<10000x64xf32, #tpu.memory_space<vmem_shared>>)
        %add3A_365 = arith.constant 5 : i32
        %add3A_366 = arith.addi %mul3A_226, %add3A_365 : i32
        %add3A_367 = arith.constant 3 : i32
        %add3A_368 = arith.addi %add3A_366, %add3A_367 : i32
        %dma_start3A_369 = arith.constant 0 : i32
        %dma_start3A_370 = tpu.memref_slice %arg10[%add3A_368, %dma_start3A_369] : memref<80x125xi32, #tpu.memory_space<vmem>> -> memref<1x125xi32, #tpu.memory_space<vmem>>
        %dma_start3A_371 = tpu.memref_squeeze %dma_start3A_370 : memref<1x125xi32, #tpu.memory_space<vmem>> -> memref<125xi32, #tpu.memory_space<vmem>>
        %dma_start3A_372 = arith.constant 0 : i32
        %dma_start3A_373 = arith.constant 0 : i32
        %dma_start3A_374 = tpu.memref_slice %arg2[%dma_start3A_372, %dma_start3A_373] : memref<40000x64xf32, #tpu.memory_space<hbm>> -> memref<40000x64xf32, #tpu.memory_space<hbm>>
        tpu.enqueue_indirect_dma source(%dma_start3A_374 : memref<40000x64xf32, #tpu.memory_space<hbm>>) target(%arg15 : memref<125x64xf32, #tpu.memory_space<vmem>>) offsets(%dma_start3A_371 : memref<125xi32, #tpu.memory_space<vmem>>) semaphore(%arg23 : memref<!tpu.dma_semaphore, #tpu.memory_space<semaphore_mem>>)
        %add3A_375 = arith.constant 4 : i32
        %add3A_376 = arith.addi %mul3A_226, %add3A_375 : i32
        %dma_wait3A_377 = arith.constant 0 : i32
        %dma_wait3A_378 = tpu.memref_slice %arg11[%add3A_376, %dma_wait3A_377] : memref<80x125xi32, #tpu.memory_space<vmem>> -> memref<1x125xi32, #tpu.memory_space<vmem>>
        %dma_wait3A_379 = tpu.memref_squeeze %dma_wait3A_378 : memref<1x125xi32, #tpu.memory_space<vmem>> -> memref<125xi32, #tpu.memory_space<vmem>>
        %dma_wait3A_380 = arith.constant 0 : i32
        %dma_wait3A_381 = arith.constant 0 : i32
        %dma_wait3A_382 = tpu.memref_slice %arg18[%dma_wait3A_380, %dma_wait3A_381] : memref<10000x64xf32, #tpu.memory_space<vmem_shared>> -> memref<10000x64xf32, #tpu.memory_space<vmem_shared>>
        tpu.wait_indirect_dma semaphore(%arg29 : memref<!tpu.dma_semaphore, #tpu.memory_space<semaphore_mem>>) src(%arg16 : memref<125x64xf32, #tpu.memory_space<vmem>>) dst(%dma_wait3A_382 : memref<10000x64xf32, #tpu.memory_space<vmem_shared>>)
        %add3A_383 = arith.constant 5 : i32
        %add3A_384 = arith.addi %mul3A_226, %add3A_383 : i32
        %add3A_385 = arith.constant 4 : i32
        %add3A_386 = arith.addi %add3A_384, %add3A_385 : i32
        %dma_start3A_387 = arith.constant 0 : i32
        %dma_start3A_388 = tpu.memref_slice %arg10[%add3A_386, %dma_start3A_387] : memref<80x125xi32, #tpu.memory_space<vmem>> -> memref<1x125xi32, #tpu.memory_space<vmem>>
        %dma_start3A_389 = tpu.memref_squeeze %dma_start3A_388 : memref<1x125xi32, #tpu.memory_space<vmem>> -> memref<125xi32, #tpu.memory_space<vmem>>
        %dma_start3A_390 = arith.constant 0 : i32
        %dma_start3A_391 = arith.constant 0 : i32
        %dma_start3A_392 = tpu.memref_slice %arg2[%dma_start3A_390, %dma_start3A_391] : memref<40000x64xf32, #tpu.memory_space<hbm>> -> memref<40000x64xf32, #tpu.memory_space<hbm>>
        tpu.enqueue_indirect_dma source(%dma_start3A_392 : memref<40000x64xf32, #tpu.memory_space<hbm>>) target(%arg16 : memref<125x64xf32, #tpu.memory_space<vmem>>) offsets(%dma_start3A_389 : memref<125xi32, #tpu.memory_space<vmem>>) semaphore(%arg24 : memref<!tpu.dma_semaphore, #tpu.memory_space<semaphore_mem>>)
      } else {
      }
    }
    %scan3A_176 = arith.constant 16 : i32
    %dma_wait3A_177 = arith.constant 75 : i32
    %dma_wait3A_178 = arith.constant 0 : i32
    %dma_wait3A_179 = tpu.memref_slice %arg11[%dma_wait3A_177, %dma_wait3A_178] : memref<80x125xi32, #tpu.memory_space<vmem>> -> memref<1x125xi32, #tpu.memory_space<vmem>>
    %dma_wait3A_180 = tpu.memref_squeeze %dma_wait3A_179 : memref<1x125xi32, #tpu.memory_space<vmem>> -> memref<125xi32, #tpu.memory_space<vmem>>
    %dma_wait3A_181 = arith.constant 0 : i32
    %dma_wait3A_182 = arith.constant 0 : i32
    %dma_wait3A_183 = tpu.memref_slice %arg18[%dma_wait3A_181, %dma_wait3A_182] : memref<10000x64xf32, #tpu.memory_space<vmem_shared>> -> memref<10000x64xf32, #tpu.memory_space<vmem_shared>>
    tpu.wait_indirect_dma semaphore(%arg25 : memref<!tpu.dma_semaphore, #tpu.memory_space<semaphore_mem>>) src(%arg12 : memref<125x64xf32, #tpu.memory_space<vmem>>) dst(%dma_wait3A_183 : memref<10000x64xf32, #tpu.memory_space<vmem_shared>>)
    %dma_wait3A_184 = arith.constant 76 : i32
    %dma_wait3A_185 = arith.constant 0 : i32
    %dma_wait3A_186 = tpu.memref_slice %arg11[%dma_wait3A_184, %dma_wait3A_185] : memref<80x125xi32, #tpu.memory_space<vmem>> -> memref<1x125xi32, #tpu.memory_space<vmem>>
    %dma_wait3A_187 = tpu.memref_squeeze %dma_wait3A_186 : memref<1x125xi32, #tpu.memory_space<vmem>> -> memref<125xi32, #tpu.memory_space<vmem>>
    %dma_wait3A_188 = arith.constant 0 : i32
    %dma_wait3A_189 = arith.constant 0 : i32
    %dma_wait3A_190 = tpu.memref_slice %arg18[%dma_wait3A_188, %dma_wait3A_189] : memref<10000x64xf32, #tpu.memory_space<vmem_shared>> -> memref<10000x64xf32, #tpu.memory_space<vmem_shared>>
    tpu.wait_indirect_dma semaphore(%arg26 : memref<!tpu.dma_semaphore, #tpu.memory_space<semaphore_mem>>) src(%arg13 : memref<125x64xf32, #tpu.memory_space<vmem>>) dst(%dma_wait3A_190 : memref<10000x64xf32, #tpu.memory_space<vmem_shared>>)
    %dma_wait3A_191 = arith.constant 77 : i32
    %dma_wait3A_192 = arith.constant 0 : i32
    %dma_wait3A_193 = tpu.memref_slice %arg11[%dma_wait3A_191, %dma_wait3A_192] : memref<80x125xi32, #tpu.memory_space<vmem>> -> memref<1x125xi32, #tpu.memory_space<vmem>>
    %dma_wait3A_194 = tpu.memref_squeeze %dma_wait3A_193 : memref<1x125xi32, #tpu.memory_space<vmem>> -> memref<125xi32, #tpu.memory_space<vmem>>
    %dma_wait3A_195 = arith.constant 0 : i32
    %dma_wait3A_196 = arith.constant 0 : i32
    %dma_wait3A_197 = tpu.memref_slice %arg18[%dma_wait3A_195, %dma_wait3A_196] : memref<10000x64xf32, #tpu.memory_space<vmem_shared>> -> memref<10000x64xf32, #tpu.memory_space<vmem_shared>>
    tpu.wait_indirect_dma semaphore(%arg27 : memref<!tpu.dma_semaphore, #tpu.memory_space<semaphore_mem>>) src(%arg14 : memref<125x64xf32, #tpu.memory_space<vmem>>) dst(%dma_wait3A_197 : memref<10000x64xf32, #tpu.memory_space<vmem_shared>>)
    %dma_wait3A_198 = arith.constant 78 : i32
    %dma_wait3A_199 = arith.constant 0 : i32
    %dma_wait3A_200 = tpu.memref_slice %arg11[%dma_wait3A_198, %dma_wait3A_199] : memref<80x125xi32, #tpu.memory_space<vmem>> -> memref<1x125xi32, #tpu.memory_space<vmem>>
    %dma_wait3A_201 = tpu.memref_squeeze %dma_wait3A_200 : memref<1x125xi32, #tpu.memory_space<vmem>> -> memref<125xi32, #tpu.memory_space<vmem>>
    %dma_wait3A_202 = arith.constant 0 : i32
    %dma_wait3A_203 = arith.constant 0 : i32
    %dma_wait3A_204 = tpu.memref_slice %arg18[%dma_wait3A_202, %dma_wait3A_203] : memref<10000x64xf32, #tpu.memory_space<vmem_shared>> -> memref<10000x64xf32, #tpu.memory_space<vmem_shared>>
    tpu.wait_indirect_dma semaphore(%arg28 : memref<!tpu.dma_semaphore, #tpu.memory_space<semaphore_mem>>) src(%arg15 : memref<125x64xf32, #tpu.memory_space<vmem>>) dst(%dma_wait3A_204 : memref<10000x64xf32, #tpu.memory_space<vmem_shared>>)
    %dma_wait3A_205 = arith.constant 79 : i32
    %dma_wait3A_206 = arith.constant 0 : i32
    %dma_wait3A_207 = tpu.memref_slice %arg11[%dma_wait3A_205, %dma_wait3A_206] : memref<80x125xi32, #tpu.memory_space<vmem>> -> memref<1x125xi32, #tpu.memory_space<vmem>>
    %dma_wait3A_208 = tpu.memref_squeeze %dma_wait3A_207 : memref<1x125xi32, #tpu.memory_space<vmem>> -> memref<125xi32, #tpu.memory_space<vmem>>
    %dma_wait3A_209 = arith.constant 0 : i32
    %dma_wait3A_210 = arith.constant 0 : i32
    %dma_wait3A_211 = tpu.memref_slice %arg18[%dma_wait3A_209, %dma_wait3A_210] : memref<10000x64xf32, #tpu.memory_space<vmem_shared>> -> memref<10000x64xf32, #tpu.memory_space<vmem_shared>>
    tpu.wait_indirect_dma semaphore(%arg29 : memref<!tpu.dma_semaphore, #tpu.memory_space<semaphore_mem>>) src(%arg16 : memref<125x64xf32, #tpu.memory_space<vmem>>) dst(%dma_wait3A_211 : memref<10000x64xf32, #tpu.memory_space<vmem_shared>>)
    %barrier3A_212 = arith.constant 0 : index
    tpu.barrier barrier_id(%barrier3A_212)
    %mul3A_213 = arith.constant 625 : i32
    %mul3A_214 = arith.muli %arg1, %mul3A_213 : i32
    %mul3A_215 = arith.constant 625 : i32
    %mul3A_216 = arith.muli %arg1, %mul3A_215 : i32
    "tpu.region"() ({
      %run_scoped3A = tpu.sem_alloc : memref<!tpu.dma_semaphore, #tpu.memory_space<semaphore_mem>>
      %dma_start3A_224 = arith.constant 64 : i32
      %dma_start3A_225 = tpu.memref_slice %arg8[%arg0, %mul3A_216, %dma_start3A_224] : memref<2x10000x128xf32, #tpu.memory_space<hbm>> -> memref<1x625x64xf32, #tpu.memory_space<hbm>>
      %dma_start3A_226 = tpu.memref_squeeze %dma_start3A_225 : memref<1x625x64xf32, #tpu.memory_space<hbm>> -> memref<625x64xf32, #tpu.memory_space<hbm>>
      %dma_start3A_227 = arith.constant 0 : i32
      %dma_start3A_228 = tpu.memref_slice %arg18[%mul3A_214, %dma_start3A_227] : memref<10000x64xf32, #tpu.memory_space<vmem_shared>> -> memref<625x64xf32, #tpu.memory_space<vmem_shared>>
      tpu.enqueue_dma source(%dma_start3A_228 : memref<625x64xf32, #tpu.memory_space<vmem_shared>>) target(%dma_start3A_226 : memref<625x64xf32, #tpu.memory_space<hbm>>) target_semaphore(%run_scoped3A : memref<!tpu.dma_semaphore, #tpu.memory_space<semaphore_mem>>)
      %dma_wait3A_229 = arith.constant 64 : i32
      %dma_wait3A_230 = tpu.memref_slice %arg8[%arg0, %mul3A_216, %dma_wait3A_229] : memref<2x10000x128xf32, #tpu.memory_space<hbm>> -> memref<1x625x64xf32, #tpu.memory_space<hbm>>
      %dma_wait3A_231 = tpu.memref_squeeze %dma_wait3A_230 : memref<1x625x64xf32, #tpu.memory_space<hbm>> -> memref<625x64xf32, #tpu.memory_space<hbm>>
      %dma_wait3A_232 = arith.constant 0 : i32
      %dma_wait3A_233 = tpu.memref_slice %arg18[%mul3A_214, %dma_wait3A_232] : memref<10000x64xf32, #tpu.memory_space<vmem_shared>> -> memref<625x64xf32, #tpu.memory_space<vmem_shared>>
      tpu.wait_dma2 semaphore(%run_scoped3A : memref<!tpu.dma_semaphore, #tpu.memory_space<semaphore_mem>>) src(%dma_wait3A_233 : memref<625x64xf32, #tpu.memory_space<vmem_shared>>) dst(%dma_wait3A_231 : memref<625x64xf32, #tpu.memory_space<hbm>>)
      tpu.yield
    }) : () -> ()
    %eq3A_217 = arith.constant 0 : i32
    %eq3A_218 = arith.cmpi eq, %arg0, %eq3A_217 : i32
    %eq3A_219 = arith.constant 0 : i32
    %eq3A_220 = arith.cmpi eq, %arg1, %eq3A_219 : i32
    %and3A = arith.andi %eq3A_218, %eq3A_220 : i1
    %convert_element_type3A_221 = arith.extui %and3A : i1 to i32
    %cond3A_222 = arith.constant 0 : i32
    %cond3A_223 = arith.cmpi ne, %convert_element_type3A_221, %cond3A_222 : i32
    scf.if %cond3A_223 {
      "tpu.region"() ({
        %run_scoped3A = tpu.sem_alloc : memref<!tpu.dma_semaphore, #tpu.memory_space<semaphore_mem>>
        %dma_start3A_224 = arith.constant 0 : i32
        %dma_start3A_225 = arith.constant 0 : i32
        %dma_start3A_226 = tpu.memref_slice %arg19[%dma_start3A_224, %dma_start3A_225] : memref<10000x16xf32, #tpu.memory_space<vmem_shared>> -> memref<10000x16xf32, #tpu.memory_space<vmem_shared>>
        tpu.enqueue_dma source(%dma_start3A_226 : memref<10000x16xf32, #tpu.memory_space<vmem_shared>>) target(%arg9 : memref<10000x16xf32, #tpu.memory_space<hbm>>) target_semaphore(%run_scoped3A : memref<!tpu.dma_semaphore, #tpu.memory_space<semaphore_mem>>)
        %dma_wait3A_227 = arith.constant 0 : i32
        %dma_wait3A_228 = arith.constant 0 : i32
        %dma_wait3A_229 = tpu.memref_slice %arg19[%dma_wait3A_227, %dma_wait3A_228] : memref<10000x16xf32, #tpu.memory_space<vmem_shared>> -> memref<10000x16xf32, #tpu.memory_space<vmem_shared>>
        tpu.wait_dma2 semaphore(%run_scoped3A : memref<!tpu.dma_semaphore, #tpu.memory_space<semaphore_mem>>) src(%dma_wait3A_229 : memref<10000x16xf32, #tpu.memory_space<vmem_shared>>) dst(%arg9 : memref<10000x16xf32, #tpu.memory_space<hbm>>)
        tpu.yield
      }) : () -> ()
    } else {
    }
    return
  }
}

module attributes {stable_mosaic.version = 14 : i64} {
  func.func @tc_self1(%arg0: i32, %arg1: memref<2000x256xf32, #tpu.memory_space<vmem>>, %arg2: memref<256x256xf32, #tpu.memory_space<vmem>>, %arg3: memref<256xf32, #tpu.memory_space<vmem>>, %arg4: memref<2000x256xf32, #tpu.memory_space<vmem>>) attributes {dimension_semantics = [#tpu.dimension_semantics<arbitrary>], iteration_bounds = array<i64: 5>, scalar_prefetch = 0 : i64, scratch_operands = 0 : i64, tpu.core_type = #tpu.core_type<tc>, window_params = [{transform_indices = @transform_0, window_bounds = array<i64: 2000, 256>}, {pipeline_mode = #tpu.pipeline_mode<synchronous>, transform_indices = @transform_1, window_bounds = array<i64: 256, 256>}, {pipeline_mode = #tpu.pipeline_mode<synchronous>, transform_indices = @transform_2, window_bounds = array<i64: 256>}, {transform_indices = @transform_3, window_bounds = array<i64: 2000, 256>}]} {
    %get3A = arith.constant 0 : index
    %get3A_0 = arith.constant 0 : index
    %get3A_1 = vector.load %arg1[%get3A, %get3A_0] : memref<2000x256xf32, #tpu.memory_space<vmem>>, vector<2000x256xf32>
    %get3A_2 = arith.constant 0 : index
    %get3A_3 = arith.constant 0 : index
    %get3A_4 = vector.load %arg2[%get3A_2, %get3A_3] : memref<256x256xf32, #tpu.memory_space<vmem>>, vector<256x256xf32>
    %dot_general3A = arith.constant dense<0.000000e+00> : vector<2000x256xf32>
    %dot_general3A_5 = tpu.matmul %get3A_1, %get3A_4, %dot_general3A {dimension_numbers = #tpu.dot_dimension_numbers<[1], [0], [0], [1], [0, 0, 1, 1], [], []>, transpose_lhs_hint = false} : vector<2000x256xf32>, vector<256x256xf32>, vector<2000x256xf32> -> vector<2000x256xf32>
    %get3A_6 = arith.constant 0 : index
    %get3A_7 = vector.load %arg3[%get3A_6] : memref<256xf32, #tpu.memory_space<vmem>>, vector<256xf32>
    %broadcast_in_dim3A = vector.shape_cast %get3A_7 : vector<256xf32> to vector<1x256xf32>
    %add3A = vector.broadcast %broadcast_in_dim3A : vector<1x256xf32> to vector<2000x256xf32>
    %add3A_8 = arith.addf %dot_general3A_5, %add3A : vector<2000x256xf32>
    %swap3A = arith.constant 0 : index
    %swap3A_9 = arith.constant 0 : index
    %swap3A_10 = vector.load %arg4[%swap3A, %swap3A_9] : memref<2000x256xf32, #tpu.memory_space<vmem>>, vector<2000x256xf32>
    tpu.vector_store %arg4[%swap3A, %swap3A_9], %add3A_8 {strides = array<i32>} : memref<2000x256xf32, #tpu.memory_space<vmem>>, vector<2000x256xf32>,
    return
  }
  func.func @transform_0(%arg0: i32) -> (i32, i32) {
    %c0_i32 = arith.constant 0 : i32
    %c0_i32_0 = arith.constant 0 : i32
    return %arg0, %c0_i32 : i32, i32
  }
  func.func @transform_1(%arg0: i32) -> (i32, i32) {
    %c0_i32 = arith.constant 0 : i32
    %c0_i32_0 = arith.constant 0 : i32
    %c0_i32_1 = arith.constant 0 : i32
    return %c0_i32, %c0_i32_0 : i32, i32
  }
  func.func @transform_2(%arg0: i32) -> i32 {
    %c0_i32 = arith.constant 0 : i32
    %c0_i32_0 = arith.constant 0 : i32
    return %c0_i32 : i32
  }
  func.func @transform_3(%arg0: i32) -> (i32, i32) {
    %c0_i32 = arith.constant 0 : i32
    %c0_i32_0 = arith.constant 0 : i32
    return %arg0, %c0_i32 : i32, i32
  }
}

module attributes {stable_mosaic.version = 14 : i64} {
  func.func @tc_combine1(%arg0: i32, %arg1: memref<2000x256xf32, #tpu.memory_space<vmem>>, %arg2: memref<2x2000x128xf32, #tpu.memory_space<vmem>>, %arg3: memref<2000x16xf32, #tpu.memory_space<vmem>>, %arg4: memref<256x256xf32, #tpu.memory_space<vmem>>, %arg5: memref<2000x256xf32, #tpu.memory_space<vmem>>) attributes {dimension_semantics = [#tpu.dimension_semantics<arbitrary>], iteration_bounds = array<i64: 5>, scalar_prefetch = 0 : i64, scratch_operands = 0 : i64, tpu.core_type = #tpu.core_type<tc>, window_params = [{transform_indices = @transform_0, window_bounds = array<i64: 2000, 256>}, {transform_indices = @transform_1, window_bounds = array<i64: 2, 2000, 128>}, {transform_indices = @transform_2, window_bounds = array<i64: 2000, 16>}, {pipeline_mode = #tpu.pipeline_mode<synchronous>, transform_indices = @transform_3, window_bounds = array<i64: 256, 256>}, {transform_indices = @transform_4, window_bounds = array<i64: 2000, 256>}]} {
    %get3A = arith.constant 0 : index
    %get3A_0 = arith.constant 0 : index
    %get3A_1 = arith.constant 0 : index
    %get3A_2 = vector.load %arg2[%get3A, %get3A_0, %get3A_1] : memref<2x2000x128xf32, #tpu.memory_space<vmem>>, vector<1x2000x128xf32>
    %get3A_3 = vector.shape_cast %get3A_2 : vector<1x2000x128xf32> to vector<2000x128xf32>
    %slice3A = vector.extract_strided_slice %get3A_3 {offsets = [0, 0], sizes = [2000, 64], strides = [1, 1]} : vector<2000x128xf32> to vector<2000x64xf32>
    %get3A_4 = arith.constant 0 : index
    %get3A_5 = arith.constant 0 : index
    %get3A_6 = vector.load %arg4[%get3A_4, %get3A_5] : memref<256x256xf32, #tpu.memory_space<vmem>>, vector<64x256xf32>
    %dot_general3A = arith.constant dense<0.000000e+00> : vector<2000x256xf32>
    %dot_general3A_7 = tpu.matmul %slice3A, %get3A_6, %dot_general3A {dimension_numbers = #tpu.dot_dimension_numbers<[1], [0], [0], [1], [0, 0, 1, 1], [], []>, transpose_lhs_hint = false} : vector<2000x64xf32>, vector<64x256xf32>, vector<2000x256xf32> -> vector<2000x256xf32>
    %slice3A_8 = vector.extract_strided_slice %get3A_3 {offsets = [0, 64], sizes = [2000, 64], strides = [1, 1]} : vector<2000x128xf32> to vector<2000x64xf32>
    %get3A_9 = arith.constant 64 : index
    %get3A_10 = arith.constant 0 : index
    %get3A_11 = vector.load %arg4[%get3A_9, %get3A_10] : memref<256x256xf32, #tpu.memory_space<vmem>>, vector<64x256xf32>
    %dot_general3A_12 = arith.constant dense<0.000000e+00> : vector<2000x256xf32>
    %dot_general3A_13 = tpu.matmul %slice3A_8, %get3A_11, %dot_general3A_12 {dimension_numbers = #tpu.dot_dimension_numbers<[1], [0], [0], [1], [0, 0, 1, 1], [], []>, transpose_lhs_hint = false} : vector<2000x64xf32>, vector<64x256xf32>, vector<2000x256xf32> -> vector<2000x256xf32>
    %add3A = arith.addf %dot_general3A_7, %dot_general3A_13 : vector<2000x256xf32>
    %get3A_14 = arith.constant 1 : index
    %get3A_15 = arith.constant 0 : index
    %get3A_16 = arith.constant 0 : index
    %get3A_17 = vector.load %arg2[%get3A_14, %get3A_15, %get3A_16] : memref<2x2000x128xf32, #tpu.memory_space<vmem>>, vector<1x2000x128xf32>
    %get3A_18 = vector.shape_cast %get3A_17 : vector<1x2000x128xf32> to vector<2000x128xf32>
    %slice3A_19 = vector.extract_strided_slice %get3A_18 {offsets = [0, 0], sizes = [2000, 64], strides = [1, 1]} : vector<2000x128xf32> to vector<2000x64xf32>
    %get3A_20 = arith.constant 128 : index
    %get3A_21 = arith.constant 0 : index
    %get3A_22 = vector.load %arg4[%get3A_20, %get3A_21] : memref<256x256xf32, #tpu.memory_space<vmem>>, vector<64x256xf32>
    %dot_general3A_23 = arith.constant dense<0.000000e+00> : vector<2000x256xf32>
    %dot_general3A_24 = tpu.matmul %slice3A_19, %get3A_22, %dot_general3A_23 {dimension_numbers = #tpu.dot_dimension_numbers<[1], [0], [0], [1], [0, 0, 1, 1], [], []>, transpose_lhs_hint = false} : vector<2000x64xf32>, vector<64x256xf32>, vector<2000x256xf32> -> vector<2000x256xf32>
    %add3A_25 = arith.addf %add3A, %dot_general3A_24 : vector<2000x256xf32>
    %slice3A_26 = vector.extract_strided_slice %get3A_18 {offsets = [0, 64], sizes = [2000, 64], strides = [1, 1]} : vector<2000x128xf32> to vector<2000x64xf32>
    %get3A_27 = arith.constant 192 : index
    %get3A_28 = arith.constant 0 : index
    %get3A_29 = vector.load %arg4[%get3A_27, %get3A_28] : memref<256x256xf32, #tpu.memory_space<vmem>>, vector<64x256xf32>
    %dot_general3A_30 = arith.constant dense<0.000000e+00> : vector<2000x256xf32>
    %dot_general3A_31 = tpu.matmul %slice3A_26, %get3A_29, %dot_general3A_30 {dimension_numbers = #tpu.dot_dimension_numbers<[1], [0], [0], [1], [0, 0, 1, 1], [], []>, transpose_lhs_hint = false} : vector<2000x64xf32>, vector<64x256xf32>, vector<2000x256xf32> -> vector<2000x256xf32>
    %add3A_32 = arith.addf %add3A_25, %dot_general3A_31 : vector<2000x256xf32>
    %get3A_33 = arith.constant 0 : index
    %get3A_34 = arith.constant 0 : index
    %get3A_35 = vector.load %arg3[%get3A_33, %get3A_34] : memref<2000x16xf32, #tpu.memory_space<vmem>>, vector<2000x1xf32>
    %max3A = arith.constant 1.000000e+00 : f32
    %max3A_36 = vector.broadcast %max3A : f32 to vector<2000x1xf32>
    %max3A_37 = arith.maximumf %get3A_35, %max3A_36 : vector<2000x1xf32>
    %get3A_38 = arith.constant 0 : index
    %get3A_39 = arith.constant 0 : index
    %get3A_40 = vector.load %arg1[%get3A_38, %get3A_39] : memref<2000x256xf32, #tpu.memory_space<vmem>>, vector<2000x256xf32>
    %div3A = vector.broadcast %max3A_37 : vector<2000x1xf32> to vector<2000x256xf32>
    %div3A_41 = arith.divf %add3A_32, %div3A : vector<2000x256xf32>
    %add3A_42 = arith.addf %get3A_40, %div3A_41 : vector<2000x256xf32>
    %max3A_43 = arith.constant 0.000000e+00 : f32
    %max3A_44 = vector.broadcast %max3A_43 : f32 to vector<2000x256xf32>
    %max3A_45 = arith.maximumf %add3A_42, %max3A_44 : vector<2000x256xf32>
    %swap3A = arith.constant 0 : index
    %swap3A_46 = arith.constant 0 : index
    %swap3A_47 = vector.load %arg5[%swap3A, %swap3A_46] : memref<2000x256xf32, #tpu.memory_space<vmem>>, vector<2000x256xf32>
    tpu.vector_store %arg5[%swap3A, %swap3A_46], %max3A_45 {strides = array<i32>} : memref<2000x256xf32, #tpu.memory_space<vmem>>, vector<2000x256xf32>,
    return
  }
  func.func @transform_0(%arg0: i32) -> (i32, i32) {
    %c0_i32 = arith.constant 0 : i32
    %c0_i32_0 = arith.constant 0 : i32
    return %arg0, %c0_i32 : i32, i32
  }
  func.func @transform_1(%arg0: i32) -> (i32, i32, i32) {
    %c0_i32 = arith.constant 0 : i32
    %c0_i32_0 = arith.constant 0 : i32
    %c0_i32_1 = arith.constant 0 : i32
    return %c0_i32, %arg0, %c0_i32_0 : i32, i32, i32
  }
  func.func @transform_2(%arg0: i32) -> (i32, i32) {
    %c0_i32 = arith.constant 0 : i32
    %c0_i32_0 = arith.constant 0 : i32
    return %arg0, %c0_i32 : i32, i32
  }
  func.func @transform_3(%arg0: i32) -> (i32, i32) {
    %c0_i32 = arith.constant 0 : i32
    %c0_i32_0 = arith.constant 0 : i32
    %c0_i32_1 = arith.constant 0 : i32
    return %c0_i32, %c0_i32_0 : i32, i32
  }
  func.func @transform_4(%arg0: i32) -> (i32, i32) {
    %c0_i32 = arith.constant 0 : i32
    %c0_i32_0 = arith.constant 0 : i32
    return %arg0, %c0_i32 : i32, i32
  }
}

module attributes {stable_mosaic.version = 14 : i64} {
  func.func @tc_self2(%arg0: i32, %arg1: memref<2000x256xf32, #tpu.memory_space<vmem>>, %arg2: memref<256x256xf32, #tpu.memory_space<vmem>>, %arg3: memref<256xf32, #tpu.memory_space<vmem>>, %arg4: memref<2000x256xf32, #tpu.memory_space<vmem>>) attributes {dimension_semantics = [#tpu.dimension_semantics<arbitrary>], iteration_bounds = array<i64: 5>, scalar_prefetch = 0 : i64, scratch_operands = 0 : i64, tpu.core_type = #tpu.core_type<tc>, window_params = [{transform_indices = @transform_0, window_bounds = array<i64: 2000, 256>}, {pipeline_mode = #tpu.pipeline_mode<synchronous>, transform_indices = @transform_1, window_bounds = array<i64: 256, 256>}, {pipeline_mode = #tpu.pipeline_mode<synchronous>, transform_indices = @transform_2, window_bounds = array<i64: 256>}, {transform_indices = @transform_3, window_bounds = array<i64: 2000, 256>}]} {
    %get3A = arith.constant 0 : index
    %get3A_0 = arith.constant 0 : index
    %get3A_1 = vector.load %arg1[%get3A, %get3A_0] : memref<2000x256xf32, #tpu.memory_space<vmem>>, vector<2000x256xf32>
    %get3A_2 = arith.constant 0 : index
    %get3A_3 = arith.constant 0 : index
    %get3A_4 = vector.load %arg2[%get3A_2, %get3A_3] : memref<256x256xf32, #tpu.memory_space<vmem>>, vector<256x256xf32>
    %dot_general3A = arith.constant dense<0.000000e+00> : vector<2000x256xf32>
    %dot_general3A_5 = tpu.matmul %get3A_1, %get3A_4, %dot_general3A {dimension_numbers = #tpu.dot_dimension_numbers<[1], [0], [0], [1], [0, 0, 1, 1], [], []>, transpose_lhs_hint = false} : vector<2000x256xf32>, vector<256x256xf32>, vector<2000x256xf32> -> vector<2000x256xf32>
    %get3A_6 = arith.constant 0 : index
    %get3A_7 = vector.load %arg3[%get3A_6] : memref<256xf32, #tpu.memory_space<vmem>>, vector<256xf32>
    %broadcast_in_dim3A = vector.shape_cast %get3A_7 : vector<256xf32> to vector<1x256xf32>
    %add3A = vector.broadcast %broadcast_in_dim3A : vector<1x256xf32> to vector<2000x256xf32>
    %add3A_8 = arith.addf %dot_general3A_5, %add3A : vector<2000x256xf32>
    %swap3A = arith.constant 0 : index
    %swap3A_9 = arith.constant 0 : index
    %swap3A_10 = vector.load %arg4[%swap3A, %swap3A_9] : memref<2000x256xf32, #tpu.memory_space<vmem>>, vector<2000x256xf32>
    tpu.vector_store %arg4[%swap3A, %swap3A_9], %add3A_8 {strides = array<i32>} : memref<2000x256xf32, #tpu.memory_space<vmem>>, vector<2000x256xf32>,
    return
  }
  func.func @transform_0(%arg0: i32) -> (i32, i32) {
    %c0_i32 = arith.constant 0 : i32
    %c0_i32_0 = arith.constant 0 : i32
    return %arg0, %c0_i32 : i32, i32
  }
  func.func @transform_1(%arg0: i32) -> (i32, i32) {
    %c0_i32 = arith.constant 0 : i32
    %c0_i32_0 = arith.constant 0 : i32
    %c0_i32_1 = arith.constant 0 : i32
    return %c0_i32, %c0_i32_0 : i32, i32
  }
  func.func @transform_2(%arg0: i32) -> i32 {
    %c0_i32 = arith.constant 0 : i32
    %c0_i32_0 = arith.constant 0 : i32
    return %c0_i32 : i32
  }
  func.func @transform_3(%arg0: i32) -> (i32, i32) {
    %c0_i32 = arith.constant 0 : i32
    %c0_i32_0 = arith.constant 0 : i32
    return %arg0, %c0_i32 : i32, i32
  }
}

module attributes {stable_mosaic.version = 14 : i64} {
  func.func @tc_combine2(%arg0: i32, %arg1: memref<2000x256xf32, #tpu.memory_space<vmem>>, %arg2: memref<2x2000x128xf32, #tpu.memory_space<vmem>>, %arg3: memref<2000x16xf32, #tpu.memory_space<vmem>>, %arg4: memref<256x256xf32, #tpu.memory_space<vmem>>, %arg5: memref<2000x256xf32, #tpu.memory_space<vmem>>) attributes {dimension_semantics = [#tpu.dimension_semantics<arbitrary>], iteration_bounds = array<i64: 5>, scalar_prefetch = 0 : i64, scratch_operands = 0 : i64, tpu.core_type = #tpu.core_type<tc>, window_params = [{transform_indices = @transform_0, window_bounds = array<i64: 2000, 256>}, {transform_indices = @transform_1, window_bounds = array<i64: 2, 2000, 128>}, {transform_indices = @transform_2, window_bounds = array<i64: 2000, 16>}, {pipeline_mode = #tpu.pipeline_mode<synchronous>, transform_indices = @transform_3, window_bounds = array<i64: 256, 256>}, {transform_indices = @transform_4, window_bounds = array<i64: 2000, 256>}]} {
    %get3A = arith.constant 0 : index
    %get3A_0 = arith.constant 0 : index
    %get3A_1 = arith.constant 0 : index
    %get3A_2 = vector.load %arg2[%get3A, %get3A_0, %get3A_1] : memref<2x2000x128xf32, #tpu.memory_space<vmem>>, vector<1x2000x128xf32>
    %get3A_3 = vector.shape_cast %get3A_2 : vector<1x2000x128xf32> to vector<2000x128xf32>
    %slice3A = vector.extract_strided_slice %get3A_3 {offsets = [0, 0], sizes = [2000, 64], strides = [1, 1]} : vector<2000x128xf32> to vector<2000x64xf32>
    %get3A_4 = arith.constant 0 : index
    %get3A_5 = arith.constant 0 : index
    %get3A_6 = vector.load %arg4[%get3A_4, %get3A_5] : memref<256x256xf32, #tpu.memory_space<vmem>>, vector<64x256xf32>
    %dot_general3A = arith.constant dense<0.000000e+00> : vector<2000x256xf32>
    %dot_general3A_7 = tpu.matmul %slice3A, %get3A_6, %dot_general3A {dimension_numbers = #tpu.dot_dimension_numbers<[1], [0], [0], [1], [0, 0, 1, 1], [], []>, transpose_lhs_hint = false} : vector<2000x64xf32>, vector<64x256xf32>, vector<2000x256xf32> -> vector<2000x256xf32>
    %slice3A_8 = vector.extract_strided_slice %get3A_3 {offsets = [0, 64], sizes = [2000, 64], strides = [1, 1]} : vector<2000x128xf32> to vector<2000x64xf32>
    %get3A_9 = arith.constant 64 : index
    %get3A_10 = arith.constant 0 : index
    %get3A_11 = vector.load %arg4[%get3A_9, %get3A_10] : memref<256x256xf32, #tpu.memory_space<vmem>>, vector<64x256xf32>
    %dot_general3A_12 = arith.constant dense<0.000000e+00> : vector<2000x256xf32>
    %dot_general3A_13 = tpu.matmul %slice3A_8, %get3A_11, %dot_general3A_12 {dimension_numbers = #tpu.dot_dimension_numbers<[1], [0], [0], [1], [0, 0, 1, 1], [], []>, transpose_lhs_hint = false} : vector<2000x64xf32>, vector<64x256xf32>, vector<2000x256xf32> -> vector<2000x256xf32>
    %add3A = arith.addf %dot_general3A_7, %dot_general3A_13 : vector<2000x256xf32>
    %get3A_14 = arith.constant 1 : index
    %get3A_15 = arith.constant 0 : index
    %get3A_16 = arith.constant 0 : index
    %get3A_17 = vector.load %arg2[%get3A_14, %get3A_15, %get3A_16] : memref<2x2000x128xf32, #tpu.memory_space<vmem>>, vector<1x2000x128xf32>
    %get3A_18 = vector.shape_cast %get3A_17 : vector<1x2000x128xf32> to vector<2000x128xf32>
    %slice3A_19 = vector.extract_strided_slice %get3A_18 {offsets = [0, 0], sizes = [2000, 64], strides = [1, 1]} : vector<2000x128xf32> to vector<2000x64xf32>
    %get3A_20 = arith.constant 128 : index
    %get3A_21 = arith.constant 0 : index
    %get3A_22 = vector.load %arg4[%get3A_20, %get3A_21] : memref<256x256xf32, #tpu.memory_space<vmem>>, vector<64x256xf32>
    %dot_general3A_23 = arith.constant dense<0.000000e+00> : vector<2000x256xf32>
    %dot_general3A_24 = tpu.matmul %slice3A_19, %get3A_22, %dot_general3A_23 {dimension_numbers = #tpu.dot_dimension_numbers<[1], [0], [0], [1], [0, 0, 1, 1], [], []>, transpose_lhs_hint = false} : vector<2000x64xf32>, vector<64x256xf32>, vector<2000x256xf32> -> vector<2000x256xf32>
    %add3A_25 = arith.addf %add3A, %dot_general3A_24 : vector<2000x256xf32>
    %slice3A_26 = vector.extract_strided_slice %get3A_18 {offsets = [0, 64], sizes = [2000, 64], strides = [1, 1]} : vector<2000x128xf32> to vector<2000x64xf32>
    %get3A_27 = arith.constant 192 : index
    %get3A_28 = arith.constant 0 : index
    %get3A_29 = vector.load %arg4[%get3A_27, %get3A_28] : memref<256x256xf32, #tpu.memory_space<vmem>>, vector<64x256xf32>
    %dot_general3A_30 = arith.constant dense<0.000000e+00> : vector<2000x256xf32>
    %dot_general3A_31 = tpu.matmul %slice3A_26, %get3A_29, %dot_general3A_30 {dimension_numbers = #tpu.dot_dimension_numbers<[1], [0], [0], [1], [0, 0, 1, 1], [], []>, transpose_lhs_hint = false} : vector<2000x64xf32>, vector<64x256xf32>, vector<2000x256xf32> -> vector<2000x256xf32>
    %add3A_32 = arith.addf %add3A_25, %dot_general3A_31 : vector<2000x256xf32>
    %get3A_33 = arith.constant 0 : index
    %get3A_34 = arith.constant 0 : index
    %get3A_35 = vector.load %arg3[%get3A_33, %get3A_34] : memref<2000x16xf32, #tpu.memory_space<vmem>>, vector<2000x1xf32>
    %max3A = arith.constant 1.000000e+00 : f32
    %max3A_36 = vector.broadcast %max3A : f32 to vector<2000x1xf32>
    %max3A_37 = arith.maximumf %get3A_35, %max3A_36 : vector<2000x1xf32>
    %get3A_38 = arith.constant 0 : index
    %get3A_39 = arith.constant 0 : index
    %get3A_40 = vector.load %arg1[%get3A_38, %get3A_39] : memref<2000x256xf32, #tpu.memory_space<vmem>>, vector<2000x256xf32>
    %div3A = vector.broadcast %max3A_37 : vector<2000x1xf32> to vector<2000x256xf32>
    %div3A_41 = arith.divf %add3A_32, %div3A : vector<2000x256xf32>
    %add3A_42 = arith.addf %get3A_40, %div3A_41 : vector<2000x256xf32>
    %reduce_max3A = arith.constant dense<0xFF800000> : vector<2000xf32>
    %reduce_max3A_43 = vector.multi_reduction <maximumf>, %add3A_42, %reduce_max3A [1] : vector<2000x256xf32> to vector<2000xf32>
    %broadcast_in_dim3A = vector.shape_cast %reduce_max3A_43 : vector<2000xf32> to vector<2000x1xf32>
    %sub3A = vector.broadcast %broadcast_in_dim3A : vector<2000x1xf32> to vector<2000x256xf32>
    %sub3A_44 = arith.subf %add3A_42, %sub3A : vector<2000x256xf32>
    %exp3A = math.exp %sub3A_44 : vector<2000x256xf32>
    %reduce_sum3A = arith.constant dense<0.000000e+00> : vector<2000xf32>
    %reduce_sum3A_45 = vector.multi_reduction <add>, %exp3A, %reduce_sum3A [1] : vector<2000x256xf32> to vector<2000xf32>
    %broadcast_in_dim3A_46 = vector.shape_cast %reduce_sum3A_45 : vector<2000xf32> to vector<2000x1xf32>
    %log3A = math.log %broadcast_in_dim3A_46 : vector<2000x1xf32>
    %sub3A_47 = vector.broadcast %log3A : vector<2000x1xf32> to vector<2000x256xf32>
    %sub3A_48 = arith.subf %sub3A_44, %sub3A_47 : vector<2000x256xf32>
    %swap3A = arith.constant 0 : index
    %swap3A_49 = arith.constant 0 : index
    %swap3A_50 = vector.load %arg5[%swap3A, %swap3A_49] : memref<2000x256xf32, #tpu.memory_space<vmem>>, vector<2000x256xf32>
    tpu.vector_store %arg5[%swap3A, %swap3A_49], %sub3A_48 {strides = array<i32>} : memref<2000x256xf32, #tpu.memory_space<vmem>>, vector<2000x256xf32>,
    return
  }
  func.func @transform_0(%arg0: i32) -> (i32, i32) {
    %c0_i32 = arith.constant 0 : i32
    %c0_i32_0 = arith.constant 0 : i32
    return %arg0, %c0_i32 : i32, i32
  }
  func.func @transform_1(%arg0: i32) -> (i32, i32, i32) {
    %c0_i32 = arith.constant 0 : i32
    %c0_i32_0 = arith.constant 0 : i32
    %c0_i32_1 = arith.constant 0 : i32
    return %c0_i32, %arg0, %c0_i32_0 : i32, i32, i32
  }
  func.func @transform_2(%arg0: i32) -> (i32, i32) {
    %c0_i32 = arith.constant 0 : i32
    %c0_i32_0 = arith.constant 0 : i32
    return %arg0, %c0_i32 : i32, i32
  }
  func.func @transform_3(%arg0: i32) -> (i32, i32) {
    %c0_i32 = arith.constant 0 : i32
    %c0_i32_0 = arith.constant 0 : i32
    %c0_i32_1 = arith.constant 0 : i32
    return %c0_i32, %c0_i32_0 : i32, i32
  }
  func.func @transform_4(%arg0: i32) -> (i32, i32) {
    %c0_i32 = arith.constant 0 : i32
    %c0_i32_0 = arith.constant 0 : i32
    return %arg0, %c0_i32 : i32, i32
  }
}

</mosaic_0001>

<sc_bundles>
// kernel: sc_agg.3.cloned.1.call-start
scs
__scs_entry_jumppad:
0x0: {  	(pc) =	sbr.rel $0x88, $3  }
0x1: {  	(tag) =	ssettag $0x0;
	lr =	simm.s32 $0x1  }
0x2: {  	[smem:$0x3F99] =	sst lr;
	_ =	strace $0xD0000000  }
0x3: {  	_ = 	snop  }
0x4: {  	_ = 	snop  }
0x5: {  	_ = 	snop  }
0x6: {  	_ = 	snop  }
0x7: {  	_ = 	snop  }
__scs_overlays_trampoline_lowered:
0x8: {  	[smem:$0x3FA8] =	sst s0  }
0x9: {  	[smem:$0x3FA9] =	sst s1  }
0xa: {  	[smem:$0x3FAA] =	sst s2  }
0xb: {  	[smem:$0x3FAB] =	sst s3  }
0xc: {  	[smem:$0x3FAC] =	sst s4  }
0xd: {  	[smem:$0x3FAD] =	sst s5  }
0xe: {  	[smem:$0x3FAE] =	sst s6  }
0xf: {  	[smem:$0x3FAF] =	sst s7  }
0x10: {  	[smem:$0x3FB0] =	sst s8  }
0x11: {  	[smem:$0x3FB1] =	sst s9;
	s0 =	simm.s32 @!p0 $0x0  }
0x12: {  	s1 =	sld [smem:$0x3F97];
	s0 =	simm.s32 @p0 $0x1  }
0x13: {  	[smem:$0x3FB2] =	sst s0;
	s0 =	simm.s32 @!p1 $0x0  }
0x14: {  	s2 =	sld [smem:$0x3F96];
	s0 =	simm.s32 @p1 $0x1  }
0x15: {  	[smem:$0x3FB3] =	sst s0;
	s0 =	simm.s32 @!p2 $0x0  }
0x16: {  	s3 =	sld [smem:$0x3FDB];
	s0 =	simm.s32 @p2 $0x1  }
0x17: {  	s4 =	simm.s32 $0x1BF5;
	[smem:$0x3FB5] =	sst s0  }
0x18: {  	s0 =	sld [smem:$0x3F98];
	_ =	swait.ge [sflag:s4], $0x0  }
0x19: {  	s7 =	sld [smem:$0x3F99]  }
0x1a: {  	s8 =	sadd.s32 $0xFFFFE003, lr  }
0x1b: {  	s9 =	sadd.s32 $0xFFFFFEF7, lr;
	s5 =	simm.s32 $0xFFFFFFFF;
	p2 =	slt.u32 s8, $0xFFFFF086  }
0x1c: {  	p1 =	slt.u32 s9, $0xF7A;
	s5 =	simm.s32 @!p2 $0x0  }
0x1d: {  	s5 =	simm.s32 @p1 $0x1;
	p0 =	seq.s32 s7, s2  }
0x1e: {  	s7 =	smul.u32 @!p0 $0xF7A, s2;
	p2 =	seq.s32 @!p0 s5, $0x0  }
0x1f: {  	s9 =	smul.u32 $0xF7A, s1;
	s8 =	simm.s32 @!p0 $0x1BF5;
	p2 =	por !p2, p0  }
0x20: {  	[sflag:s8] =	ssyncset.s32 @!p0 $0xFFFFF086;
	s6 =	sadd.s32 @!p0 s3, s7;
	s7 =	simm.s32 @!p0 $0x108  }
0x21: {  	s3 =	sadd.s32 s3, s9;
	s6 =	sadd.s32 @!p0 $0x88, s6;
	s7 =	simm.s32 @p2 $0x1082  }
0x22: {  	[simem:s7], [sflag:s8] =	dma.local @!p0 [hbm:s6], $0xF7A  }
0x23: {  	s9 =	sor.u32 $0xD0000000, s2;
	s6 =	simm.s32 $0x108;
	_ =	swait.ge @!p0 [sflag:s8], $0x0  }
0x24: {  	s3 =	sadd.s32 $0x88, s3;
	s6 =	simm.s32 @!p1 $0x1082;
	[sflag:s4] =	ssyncset.s32 $0xFFFFF086  }
0x25: {  	[simem:s6], [sflag:s4] =	dma.local [hbm:s3], $0xF7A  }
0x26: {  	[smem:$0x3F99] =	sst s1;
	(tag) =	ssettag s2;
	_ =	strace s9  }
0x27: {  	s1 =	sld [smem:$0x3FA9]  }
0x28: {  	s2 =	sld [smem:$0x3FAA]  }
0x29: {  	s4 =	sld [smem:$0x3FAC]  }
0x2a: {  	p0 =	seq.s32 s5, $0x0;
	s5 =	sld [smem:$0x3FAD]  }
0x2b: {  	s6 =	sld [smem:$0x3FAE]  }
0x2c: {  	s7 =	sld [smem:$0x3FAF]  }
0x2d: {  	s3 =	simm.s32 $0x108;
	s8 =	sld [smem:$0x3FB0]  }
0x2e: {  	s3 =	simm.s32 @!p0 $0x1082;
	s9 =	sld [smem:$0x3FB1]  }
0x2f: {  	lr =	sadd.s32 s0, s3;
	s0 =	sld [smem:$0x3FA8]  }
0x30: {  	s3 =	sld [smem:$0x3FAB]  }
0x31: {  	[smem:$0x3FB4] =	sst s10  }
0x32: {  	s10 =	sld [smem:$0x3FB2];
	_ =	sdelay $0x3  }
0x33: {  	p0 =	seq.s32 s10, $0x1;
	s10 =	sld [smem:$0x3FB4];
	_ =	sdelay $0x3  }
0x34: {  	[smem:$0x3FB4] =	sst s10  }
0x35: {  	s10 =	sld [smem:$0x3FB3];
	_ =	sdelay $0x3  }
0x36: {  	p1 =	seq.s32 s10, $0x1;
	s10 =	sld [smem:$0x3FB4];
	_ =	sdelay $0x3  }
0x37: {  	[smem:$0x3FB4] =	sst s10  }
0x38: {  	s10 =	sld [smem:$0x3FB5]  }
0x39: {  	_ = 	snop;
	(pc) =	sbr.ind lr, $3  }
0x3a: {  	_ = 	snop  }
0x3b: {  	_ = 	snop  }
0x3c: {  	p2 =	seq.s32 s10, $0x1;
	s10 =	sld [smem:$0x3FB4]  }
0x3d: {  	_ =	shalt  }
0x3e: {  	_ =	shalt  }
0x3f: {  	_ =	shalt  }
0x40: {  	_ =	shalt  }
0x41: {  	_ =	shalt  }
0x42: {  	_ =	shalt  }
0x43: {  	_ =	shalt  }
0x44: {  	_ =	shalt  }
0x45: {  	_ =	shalt  }
0x46: {  	_ =	shalt  }
0x47: {  	_ =	shalt  }
0x48: {  	_ =	shalt  }
0x49: {  	_ =	shalt  }
0x4a: {  	_ =	shalt  }
0x4b: {  	_ =	shalt  }
0x4c: {  	_ =	shalt  }
0x4d: {  	_ =	shalt  }
0x4e: {  	_ =	shalt  }
0x4f: {  	_ =	shalt  }
0x50: {  	_ =	shalt  }
0x51: {  	_ =	shalt  }
0x52: {  	_ =	shalt  }
0x53: {  	_ =	shalt  }
0x54: {  	_ =	shalt  }
0x55: {  	_ =	shalt  }
0x56: {  	_ =	shalt  }
0x57: {  	_ =	shalt  }
0x58: {  	_ =	shalt  }
0x59: {  	_ =	shalt  }
0x5a: {  	_ =	shalt  }
0x5b: {  	_ =	shalt  }
0x5c: {  	_ =	shalt  }
0x5d: {  	_ =	shalt  }
0x5e: {  	_ =	shalt  }
0x5f: {  	_ =	shalt  }
0x60: {  	_ =	shalt  }
0x61: {  	_ =	shalt  }
0x62: {  	_ =	shalt  }
0x63: {  	_ =	shalt  }
0x64: {  	_ =	shalt  }
0x65: {  	_ =	shalt  }
0x66: {  	_ =	shalt  }
0x67: {  	_ =	shalt  }
0x68: {  	_ =	shalt  }
0x69: {  	_ =	shalt  }
0x6a: {  	_ =	shalt  }
0x6b: {  	_ =	shalt  }
0x6c: {  	_ =	shalt  }
0x6d: {  	_ =	shalt  }
0x6e: {  	_ =	shalt  }
0x6f: {  	_ =	shalt  }
0x70: {  	_ =	shalt  }
0x71: {  	_ =	shalt  }
0x72: {  	_ =	shalt  }
0x73: {  	_ =	shalt  }
0x74: {  	_ =	shalt  }
0x75: {  	_ =	shalt  }
0x76: {  	_ =	shalt  }
0x77: {  	_ =	shalt  }
0x78: {  	_ =	shalt  }
0x79: {  	_ =	shalt  }
0x7a: {  	_ =	shalt  }
0x7b: {  	_ =	shalt  }
0x7c: {  	_ =	shalt  }
0x7d: {  	_ =	shalt  }
0x7e: {  	_ =	shalt  }
0x7f: {  	_ =	shalt  }
0x80: {  	_ =	shalt  }
0x81: {  	_ =	shalt  }
0x82: {  	_ =	shalt  }
0x83: {  	_ =	shalt  }
0x84: {  	_ =	shalt  }
0x85: {  	_ =	shalt  }
0x86: {  	_ =	shalt  }
0x87: {  	_ =	shalt  }
.Lfunc_end0:
.L_simem_size_0:
called_computation.1_lowered:
.L_overlay_start_0:
0x88: {  	s2 =	sld [smem:$0x3FD9]  }
0x89: {  	s3 =	sld [smem:$0x3FFE];
	_ =	sdelay $0x1  }
0x8a: {  	s1 =	srdreg.scid  }
0x8b: {  	s0 =	sand.u32 $0x1, s1  }
0x8c: {  	s16 =	sshll.u32 s0, $0xA;
	s2 =	sadd.s32 s3, s2  }
0x8d: {  	s2 =	sadd.s32 s2, s16  }
0x8e: {  	[smem:$0x3FC0] =	sst s2  }
0x8f: {  	_ = 	snop  }
0x90: {  	(tm) =	ssettm $0x1  }
0x91: {  	s17 =	sld [smem:$0x3FFB];
	_ =	sdelay $0x3  }
0x92: {  	_ =	strace s17  }
0x93: {  	s2 =	sld [smem:$0x3FFC];
	_ =	sdelay $0x3  }
0x94: {  	_ =	strace s2  }
0x95: {  	s2 =	sld [smem:$0x3FFD];
	_ =	sdelay $0x3  }
0x96: {  	_ =	strace s2  }
0x97: {  	_ =	strace $0x8FFFFFFF  }
0x98: {  	s18 =	sld [smem:$0x3FDB];
	_ =	sdelay $0x1  }
0x99: {  	s19 =	simm.s32 $_scs_section_size  }
0x9a: {  	s4 =	simm.s32 $_size__tile_overlayer_lowered;
	s5 =	simm.s32 $_tile_overlayer_lowered  }
0x9b: {  	s22 =	simm.s32 $0x1BFF;
	s21 =	sshll.u32 s5, $0x1;
	s2 =	sadd.s32 s19, s18  }
0x9c: {  	s6 =	simm.s32 $0x0;
	s20 =	sshll.u32 s4, $0x1;
	s4 =	sadd.s32 s21, s2  }
0x9d: {  	[timem:s6], [sflag:s22] =	dma.local [hbm:s4], s20  }
0x9e: {  	_ =	swait.ge [sflag:s22], s20  }
0x9f: {  	s3 =	ssub.s32 $0x0, s20;
	[sflag:s22] =	ssyncset.done $0x0  }
0xa0: {  	[sflag:s22] =	ssyncadd.s32 s3;
	_ =	sdelay $0x1  }
0xa1: {  	s23 =	simm.s32 $0x1B8B  }
0xa2: {  	_ =	swait.ge [sflag:s23], $0x1  }
0xa3: {  	[sflag:s23] =	ssyncset.done $0x0  }
0xa4: {  	s25 =	simm.s32 $0x1B8E;
	s24 =	sld [smem:$0x3FFE];
	[sflag:s23] =	ssyncadd.s32 $0xFFFFFFFF  }
0xa5: {  	s26 =	simm.s32 $execute0_lowered;
	[smem:$0x3FD2] =	sst s25  }
0xa6: {  	s4 =	sshll.u32 s26, $0x1;
	_ =	strace $0x80000049;
	[dreg:$0x1] =	wrdreg $0xFFFFFFFF  }
0xa7: {  	s28 =	simm.s32 $_size_execute0_lowered;
	s2 =	sadd.s32 s2, s4;
	[dreg:$0x0] =	wrdreg $0x0  }
0xa8: {  	s4 =	sshll.u32 s28, $0x1;
	[dreg:$0x2] =	wrdreg s2  }
0xa9: {  	[dreg:$0x3] =	wrdreg s4  }
0xaa: {  	[dreg:$0x4] =	wrdreg $0xC0  }
0xab: {  	_ =	task [dreg:s6], $0x5FFFF  }
0xac: {  	[dreg:$0x1] =	wrdreg $0xFFFFFFFF  }
0xad: {  	[dreg:$0x0] =	wrdreg $0x60  }
0xae: {  	[dreg:$0x2] =	wrdreg s24  }
0xaf: {  	[dreg:$0x3] =	wrdreg $0xEC400  }
0xb0: {  	[dreg:$0x4] =	wrdreg $0x9  }
0xb1: {  	_ =	task.clear_ibuf [dreg:s6], $0x5FFFF;
	_ =	strace $0x90000049  }
0xb2: {  	s29 =	simm.s32 $0x9;
	_ =	strace $0x8000004B  }
0xb3: {  	_ =	swait.ge [sflag:s29], $0x1  }
0xb4: {  	[sflag:s29] =	ssyncadd.s32 $0xFFFFFFFF  }
0xb5: {  	_ =	strace $0x9000004B  }
0xb6: {  	_ =	sfence  }
0xb7: {  	s30 =	sld [smem:$0x0];
	_ =	sdelay $0x2  }
0xb8: {  	s31 =	sshll.u32 s1, $0xD;
	s1 =	sshrl.u32 s1, $0x2  }
0xb9: {  	s3 =	sand.u32 $0x4000, s31;
	s1 =	sadd.s32 s1, s30  }
0xba: {  	s0 =	sor.u32 s3, s0;
	s1 =	sshll.u32 s1, $0x11  }
0xbb: {  	s0 =	sor.u32 s1, s0  }
0xbc: {  	s0 =	sadd.s32 $0x8F2B, s0  }
0xbd: {  	[sflag:s0] =	ssyncadd.remote.s32 $0x1  }
0xbe: {  	_ =	sfence.sel $0xFFFF  }
0xbf: {  	[dreg:$0x0] =	wrdreg $0xFFFFFFFF;
	(pc) =	sbr.abs _section_cstart, $3  }
0xc0: {  	[dreg:$0x1] =	wrdreg $0xFFFFFFFF  }
0xc1: {  	_ =	task.clear_ibuf [dreg:s6], $0x2FFFF;
	_ =	strace $0x9FFFFFFF  }
0xc2: {  	(tm) =	ssettm $0x7FFFFFFF  }
0xc3: {  	_ =	shalt  }
tec
execute0_lowered:
.L_overlay_start_1:
0x0: {  	(tag) =	ssettag $0x1  }
0x1: {  	s0 =	srdreg.scid;
	s6 =	rddreg [dreg:$0x0]  }
0x2: {  	s10 =	stileid.u32;
	s2 =	rddreg [dreg:$0x1];
	s3 =	simm.s32 $0x0  }
0x3: {  	s18 =	simm.s32 $0xB;
	s15 =	simm.s32 $0x80;
	s29 =	simm.s32 $0xCD00  }
0x4: {  	s30 =	simm.s32 $0x1;
	s31 =	simm.s32 $0x2;
	s17 =	simm.s32 $0x4  }
0x5: {  	s11 =	simm.s32 $0xA;
	s16 =	simm.s32 $0x0;
	s5 =	smul.u32 $0x500, s10  }
0x6: {  	s0 =	sand.u32 $0x1, s0;
	[smem:$0x7FF] =	sst s3;
	s8 =	smul.u32 $0x13880, s10  }
0x7: {  	s4 =	sadd.s32 $0x1AA00, s6;
	s1 =	sshll.u32 s0, $0x5;
	s7 =	smul.u32 $0x138800, s0  }
0x8: {  	_ =	strace $0x8000004A;
	s0 =	ssub.s32 $0x2, s0;
	s1 =	sor.u32 s10, s1  }
0x9: {  	s9 =	sadd.s32 s5, s6;
	s10 =	smul.u32 $0x27100, s10;
	s5 =	sadd.s32 $0x68E00, s6  }
0xa: {  	s19 =	sshrl.u32 s0, $0x1;
	s1 =	smul.u32 $0x500, s1;
	s7 =	sadd.s32 s8, s7  }
0xb: {  	s0 =	ssub.s32 s0, s19;
	s21 =	sadd.s32 $0x1A00, s9;
	s19 =	simm.s32 $0x7D  }
0xc: {  	s10 =	sshrl.u32 s10, $0x2;
	[dreg:$0x4] =	wrdreg s21;
	s0 =	smax.u32 s0, $0x1  }
0xd: {  	s1 =	sadd.s32 s1, s6;
	s20 =	sadd.s32 s10, s2;
	[dreg:$0xd] =	wrdreg s0  }
0xe: {  	s8 =	simm.s32 $0x7;
	s22 =	sadd.s32 $0x6A00, s1;
	[dreg:$0x3] =	wrdreg s20  }
0xf: {  	s9 =	simm.s32 $0x8;
	s23 =	sadd.s32 $0x1F40, s20;
	[dreg:$0x5] =	wrdreg s22  }
0x10: {  	s7 =	sshrl.u32 s7, $0x3;
	s24 =	sadd.s32 $0x3E80, s20;
	[dreg:$0x6] =	wrdreg s23  }
0x11: {  	s7 =	sadd.s32 s7, s6;
	s25 =	sadd.s32 $0x5DC0, s20;
	[dreg:$0x7] =	wrdreg s24  }
0x12: {  	s0 =	simm.s32 $0x5;
	s6 =	sadd.s32 $0x7D00, s20;
	[dreg:$0x8] =	wrdreg s25  }
0x13: {  	s10 =	simm.s32 $0x9;
	s1 =	sadd.s32 $0xBA00, s1;
	[dreg:$0x9] =	wrdreg s6  }
0x14: {  	s26 =	sadd.s32 $0x69800, s7;
	s28 =	sadd.s32 $0x69808, s7;
	[dreg:$0xa] =	wrdreg s1  }
0x15: {  	s20 =	simm.s32 $0x5000;
	s7 =	simm.s32 $0x6;
	[dreg:$0xb] =	wrdreg s26  }
0x16: {  	[dreg:$0xc] =	wrdreg s28;
	s22 =	simm.s32 $0x6F40;
	s23 =	simm.s32 $0x100  }
0x17: {  	s24 =	simm.s32 $0x8E80;
	s26 =	simm.s32 $0xADC0;
	s1 =	simm.s32 $0x3  }
.LBB2_1:
0x18: {  	s6 =	rddreg [dreg:$0x4];
	s12 =	simm.s32 $0x2800;
	s3 =	simm.s32 $0x0  }
0x19: {  	[tilespmem:s12], [sflag:$0xB] =	stream.linear.gather [hbm4b:s6+s3], $0x2800, $0x38;
	[tilespmem:$0x18880] =	vst v63  }
0x1a: {  	_ =	swait.ge [sflag:s18], $0x2800  }
0x1b: {  	[sflag:s18] =	ssyncset.done $0x0  }
0x1c: {  	s21 =	rddreg [dreg:$0x5];
	[sflag:s18] =	ssyncadd.s32 $0xFFFFD800  }
0x1d: {  	[tilespmem:s3], [sflag:$0xB] =	stream.linear.gather [hbm4b:s21+s3], $0x2800, $0x38;
	[tilespmem:$0x18880] =	vst v63  }
0x1e: {  	_ =	swait.ge [sflag:s18], $0x2800  }
0x1f: {  	[sflag:s18] =	ssyncset.done $0x0  }
0x20: {  	[sflag:s18] =	ssyncadd.s32 $0xFFFFD800  }
0x21: {  	[tilespmem:s20], [sflag:$0x1] =	stream.indirect.gather [hbm4b:s4+s19], $0x40, s3, s19, $0xb8;
	[tilespmem:$0x18880] =	vst v63  }
0x22: {  	_ = 	snop  }
0x23: {  	[tilespmem:s22], [sflag:$0x2] =	stream.indirect.gather [hbm4b:s4+s19], $0x40, s15, s19, $0xb8;
	[tilespmem:$0x18880] =	vst v63  }
0x24: {  	_ = 	snop  }
0x25: {  	[tilespmem:s24], [sflag:$0x3] =	stream.indirect.gather [hbm4b:s4+s19], $0x40, s23, s19, $0xb8;
	[tilespmem:$0x18880] =	vst v63  }
0x26: {  	s3 =	stileid.u32;
	s23 =	simm.s32 $0x180  }
0x27: {  	[tilespmem:s26], [sflag:$0x4] =	stream.indirect.gather [hbm4b:s4+s19], $0x40, s23, s19, $0xb8;
	[tilespmem:$0x18880] =	vst v63  }
0x28: {  	s25 =	simm.s32 $0x200;
	s13 =	rddreg [dreg:$0x3];
	s6 =	sshll.u32 s3, $0x6  }
0x29: {  	[tilespmem:s29], [sflag:$0x5] =	stream.indirect.gather [hbm4b:s4+s19], $0x40, s25, s19, $0xb8;
	[tilespmem:$0x18880] =	vst v63  }
0x2a: {  	s28 =	sshrl.u32 s13, $0x3;
	s25 =	sor.u32 $0x1C0B, s6  }
0x2b: {  	[spmem:s28], [sflag:s25] =	dma.local [hbm:s5], $0x3E8  }
0x2c: {  	_ =	swait.ge [sflag:s18], $0x3E8  }
0x2d: {  	[sflag:s18] =	ssyncset.done $0x0;
	s14 =	rddreg [dreg:$0x6]  }
0x2e: {  	[sflag:s18] =	ssyncadd.s32 $0xFFFFFC18;
	s12 =	sshrl.u32 s14, $0x3  }
0x2f: {  	[spmem:s12], [sflag:s25] =	dma.local [hbm:s5], $0x3E8  }
0x30: {  	_ =	swait.ge [sflag:s18], $0x3E8  }
0x31: {  	[sflag:s18] =	ssyncset.done $0x0;
	s15 =	rddreg [dreg:$0x7]  }
0x32: {  	[sflag:s18] =	ssyncadd.s32 $0xFFFFFC18;
	s13 =	sshrl.u32 s15, $0x3  }
0x33: {  	[spmem:s13], [sflag:s25] =	dma.local [hbm:s5], $0x3E8  }
0x34: {  	_ =	swait.ge [sflag:s18], $0x3E8  }
0x35: {  	[sflag:s18] =	ssyncset.done $0x0;
	s21 =	rddreg [dreg:$0x8]  }
0x36: {  	[sflag:s18] =	ssyncadd.s32 $0xFFFFFC18;
	s21 =	sshrl.u32 s21, $0x3  }
0x37: {  	[spmem:s21], [sflag:s25] =	dma.local [hbm:s5], $0x3E8  }
0x38: {  	_ =	swait.ge [sflag:s18], $0x3E8  }
0x39: {  	[sflag:s18] =	ssyncset.done $0x0;
	s23 =	rddreg [dreg:$0x9]  }
0x3a: {  	[sflag:s18] =	ssyncadd.s32 $0xFFFFFC18;
	s14 =	sshrl.u32 s23, $0x3  }
0x3b: {  	[spmem:s14], [sflag:s25] =	dma.local [hbm:s5], $0x3E8  }
0x3c: {  	_ =	swait.ge [sflag:s18], $0x3E8  }
0x3d: {  	[sflag:s18] =	ssyncset.done $0x0  }
0x3e: {  	[sflag:s18] =	ssyncadd.s32 $0xFFFFFC18  }
0x3f: {  	[bflag:$0x0] =	sbarrier.arrive $0xFFFF  }
0x40: {  	_ =	swait.ge [sflag:s30], $0x1F40  }
0x41: {  	[sflag:s30] =	ssyncset.done $0x0  }
0x42: {  	s3 =	simm.s32 $0x2800;
	[sflag:s30] =	ssyncadd.s32 $0xFFFFE0C0  }
0x43: {  	[spmem:s2] =	stream.indirect.scatter.add.f32 [tilespmem:s20], [sflag:$0x6], $0x40, s3, s19, $0xb8;
	[tilespmem:$0x18880] =	vst v63  }
0x44: {  	_ =	swait.ge [sflag:s31], $0x1F40  }
0x45: {  	[sflag:s31] =	ssyncset.done $0x0  }
0x46: {  	s6 =	simm.s32 $0x2880;
	[sflag:s31] =	ssyncadd.s32 $0xFFFFE0C0  }
0x47: {  	[spmem:s2] =	stream.indirect.scatter.add.f32 [tilespmem:s22], [sflag:$0x7], $0x40, s6, s19, $0xb8;
	[tilespmem:$0x18880] =	vst v63  }
0x48: {  	_ =	swait.ge [sflag:s1], $0x1F40  }
0x49: {  	[sflag:s1] =	ssyncset.done $0x0  }
0x4a: {  	s23 =	simm.s32 $0x2900;
	[sflag:s1] =	ssyncadd.s32 $0xFFFFE0C0  }
0x4b: {  	[spmem:s2] =	stream.indirect.scatter.add.f32 [tilespmem:s24], [sflag:$0x8], $0x40, s23, s19, $0xb8;
	[tilespmem:$0x18880] =	vst v63  }
0x4c: {  	_ =	swait.ge [sflag:s17], $0x1F40  }
0x4d: {  	[sflag:s17] =	ssyncset.done $0x0  }
0x4e: {  	s3 =	simm.s32 $0x2980;
	[sflag:s17] =	ssyncadd.s32 $0xFFFFE0C0  }
0x4f: {  	[spmem:s2] =	stream.indirect.scatter.add.f32 [tilespmem:s26], [sflag:$0x9], $0x40, s3, s19, $0xb8;
	[tilespmem:$0x18880] =	vst v63  }
0x50: {  	_ =	swait.ge [sflag:s0], $0x1F40  }
0x51: {  	[sflag:s0] =	ssyncset.done $0x0  }
0x52: {  	s6 =	simm.s32 $0x2A00;
	[sflag:s0] =	ssyncadd.s32 $0xFFFFE0C0  }
0x53: {  	[spmem:s2] =	stream.indirect.scatter.add.f32 [tilespmem:s29], [sflag:$0xA], $0x40, s6, s19, $0xb8;
	[tilespmem:$0x18880] =	vst v63  }
0x54: {  	_ =	swait.ge [sflag:s7], $0x1F40  }
0x55: {  	[sflag:s7] =	ssyncset.done $0x0  }
0x56: {  	s23 =	simm.s32 $0x280;
	[sflag:s7] =	ssyncadd.s32 $0xFFFFE0C0  }
0x57: {  	[tilespmem:s20], [sflag:$0x1] =	stream.indirect.gather [hbm4b:s4+s19], $0x40, s23, s19, $0xb8;
	[tilespmem:$0x18880] =	vst v63  }
0x58: {  	_ =	swait.ge [sflag:s8], $0x1F40  }
0x59: {  	[sflag:s8] =	ssyncset.done $0x0  }
0x5a: {  	s3 =	simm.s32 $0x300;
	[sflag:s8] =	ssyncadd.s32 $0xFFFFE0C0  }
0x5b: {  	[tilespmem:s22], [sflag:$0x2] =	stream.indirect.gather [hbm4b:s4+s19], $0x40, s3, s19, $0xb8;
	[tilespmem:$0x18880] =	vst v63  }
0x5c: {  	_ =	swait.ge [sflag:s9], $0x1F40  }
0x5d: {  	[sflag:s9] =	ssyncset.done $0x0  }
0x5e: {  	s6 =	simm.s32 $0x380;
	[sflag:s9] =	ssyncadd.s32 $0xFFFFE0C0  }
0x5f: {  	[tilespmem:s24], [sflag:$0x3] =	stream.indirect.gather [hbm4b:s4+s19], $0x40, s6, s19, $0xb8;
	[tilespmem:$0x18880] =	vst v63  }
0x60: {  	_ =	swait.ge [sflag:s10], $0x1F40  }
0x61: {  	[sflag:s10] =	ssyncset.done $0x0  }
0x62: {  	s23 =	simm.s32 $0x400;
	[sflag:s10] =	ssyncadd.s32 $0xFFFFE0C0  }
0x63: {  	[tilespmem:s26], [sflag:$0x4] =	stream.indirect.gather [hbm4b:s4+s19], $0x40, s23, s19, $0xb8;
	[tilespmem:$0x18880] =	vst v63  }
0x64: {  	_ =	swait.ge [sflag:s11], $0x1F40  }
0x65: {  	[sflag:s11] =	ssyncset.done $0x0  }
0x66: {  	s15 =	simm.s32 $0xA00;
	s23 =	simm.s32 $0x480;
	[sflag:s11] =	ssyncadd.s32 $0xFFFFE0C0  }
.LBB2_2:
0x67: {  	[tilespmem:s29], [sflag:$0x5] =	stream.indirect.gather [hbm4b:s4+s19], $0x40, s23, s19, $0xb8;
	[tilespmem:$0x18880] =	vst v63  }
0x68: {  	s23 =	smov.u32 s15  }
0x69: {  	p0 =	sne.s32 s15, $0x8C00;
	s15 =	sadd.s32 $0xA00, s15;
	_ =	swait.ge [sflag:s30], $0x1F40  }
0x6a: {  	s23 =	sshra.s32 s23, $0x2;
	[sflag:s30] =	ssyncset.done $0x0  }
0x6b: {  	s6 =	sadd.s32 $0x2800, s23;
	[sflag:s30] =	ssyncadd.s32 $0xFFFFE0C0  }
0x6c: {  	[spmem:s2] =	stream.indirect.scatter.add.f32 [tilespmem:s20], [sflag:$0x6], $0x40, s6, s19, $0xb8;
	[tilespmem:$0x18880] =	vst v63  }
0x6d: {  	_ =	swait.ge [sflag:s31], $0x1F40  }
0x6e: {  	[sflag:s31] =	ssyncset.done $0x0  }
0x6f: {  	s6 =	sadd.s32 $0x2880, s23;
	[sflag:s31] =	ssyncadd.s32 $0xFFFFE0C0  }
0x70: {  	[spmem:s2] =	stream.indirect.scatter.add.f32 [tilespmem:s22], [sflag:$0x7], $0x40, s6, s19, $0xb8;
	[tilespmem:$0x18880] =	vst v63  }
0x71: {  	_ =	swait.ge [sflag:s1], $0x1F40  }
0x72: {  	[sflag:s1] =	ssyncset.done $0x0  }
0x73: {  	s6 =	sadd.s32 $0x2900, s23;
	[sflag:s1] =	ssyncadd.s32 $0xFFFFE0C0  }
0x74: {  	[spmem:s2] =	stream.indirect.scatter.add.f32 [tilespmem:s24], [sflag:$0x8], $0x40, s6, s19, $0xb8;
	[tilespmem:$0x18880] =	vst v63  }
0x75: {  	_ =	swait.ge [sflag:s17], $0x1F40  }
0x76: {  	[sflag:s17] =	ssyncset.done $0x0  }
0x77: {  	s6 =	sadd.s32 $0x2980, s23;
	[sflag:s17] =	ssyncadd.s32 $0xFFFFE0C0  }
0x78: {  	[spmem:s2] =	stream.indirect.scatter.add.f32 [tilespmem:s26], [sflag:$0x9], $0x40, s6, s19, $0xb8;
	[tilespmem:$0x18880] =	vst v63  }
0x79: {  	_ =	swait.ge [sflag:s0], $0x1F40  }
0x7a: {  	[sflag:s0] =	ssyncset.done $0x0  }
0x7b: {  	s6 =	sadd.s32 $0x2A00, s23;
	[sflag:s0] =	ssyncadd.s32 $0xFFFFE0C0  }
0x7c: {  	[spmem:s2] =	stream.indirect.scatter.add.f32 [tilespmem:s29], [sflag:$0xA], $0x40, s6, s19, $0xb8;
	[tilespmem:$0x18880] =	vst v63  }
0x7d: {  	_ =	swait.ge [sflag:s7], $0x1F40  }
0x7e: {  	[sflag:s7] =	ssyncset.done $0x0  }
0x7f: {  	s6 =	sadd.s32 $0x280, s23;
	[sflag:s7] =	ssyncadd.s32 $0xFFFFE0C0  }
0x80: {  	[tilespmem:s20], [sflag:$0x1] =	stream.indirect.gather [hbm4b:s4+s19], $0x40, s6, s19, $0xb8;
	[tilespmem:$0x18880] =	vst v63  }
0x81: {  	_ =	swait.ge [sflag:s8], $0x1F40  }
0x82: {  	[sflag:s8] =	ssyncset.done $0x0  }
0x83: {  	s6 =	sadd.s32 $0x300, s23;
	[sflag:s8] =	ssyncadd.s32 $0xFFFFE0C0  }
0x84: {  	[tilespmem:s22], [sflag:$0x2] =	stream.indirect.gather [hbm4b:s4+s19], $0x40, s6, s19, $0xb8;
	[tilespmem:$0x18880] =	vst v63  }
0x85: {  	_ =	swait.ge [sflag:s9], $0x1F40  }
0x86: {  	[sflag:s9] =	ssyncset.done $0x0  }
0x87: {  	s6 =	sadd.s32 $0x380, s23;
	[sflag:s9] =	ssyncadd.s32 $0xFFFFE0C0  }
0x88: {  	[tilespmem:s24], [sflag:$0x3] =	stream.indirect.gather [hbm4b:s4+s19], $0x40, s6, s19, $0xb8;
	[tilespmem:$0x18880] =	vst v63  }
0x89: {  	_ =	swait.ge [sflag:s10], $0x1F40  }
0x8a: {  	[sflag:s10] =	ssyncset.done $0x0  }
.Ltmp0:
0x8b: {  	s6 =	sadd.s32 $0x400, s23;
	[sflag:s10] =	ssyncadd.s32 $0xFFFFE0C0;
	(pc) =	sbr.rel @p0 .LBB2_2-.Ltmp0, $4  }
0x8c: {  	[tilespmem:s26], [sflag:$0x4] =	stream.indirect.gather [hbm4b:s4+s19], $0x40, s6, s19, $0xb8;
	[tilespmem:$0x18880] =	vst v63  }
0x8d: {  	_ =	swait.ge [sflag:s11], $0x1F40  }
0x8e: {  	[sflag:s11] =	ssyncset.done $0x0  }
0x8f: {  	s23 =	sadd.s32 $0x480, s23;
	[sflag:s11] =	ssyncadd.s32 $0xFFFFE0C0  }
0x90: {  	[tilespmem:s29], [sflag:$0x5] =	stream.indirect.gather [hbm4b:s4+s19], $0x40, s23, s19, $0xb8;
	[tilespmem:$0x18880] =	vst v63  }
0x91: {  	_ =	swait.ge [sflag:s30], $0x1F40  }
0x92: {  	[sflag:s30] =	ssyncset.done $0x0  }
0x93: {  	s6 =	simm.s32 $0x4D80;
	[sflag:s30] =	ssyncadd.s32 $0xFFFFE0C0  }
0x94: {  	[spmem:s2] =	stream.indirect.scatter.add.f32 [tilespmem:s20], [sflag:$0x6], $0x40, s6, s19, $0xb8;
	[tilespmem:$0x18880] =	vst v63  }
0x95: {  	_ =	swait.ge [sflag:s31], $0x1F40  }
0x96: {  	[sflag:s31] =	ssyncset.done $0x0  }
0x97: {  	s15 =	simm.s32 $0x4E00;
	[sflag:s31] =	ssyncadd.s32 $0xFFFFE0C0  }
0x98: {  	[spmem:s2] =	stream.indirect.scatter.add.f32 [tilespmem:s22], [sflag:$0x7], $0x40, s15, s19, $0xb8;
	[tilespmem:$0x18880] =	vst v63  }
0x99: {  	_ =	swait.ge [sflag:s1], $0x1F40  }
0x9a: {  	[sflag:s1] =	ssyncset.done $0x0  }
0x9b: {  	s23 =	simm.s32 $0x4E80;
	[sflag:s1] =	ssyncadd.s32 $0xFFFFE0C0  }
0x9c: {  	[spmem:s2] =	stream.indirect.scatter.add.f32 [tilespmem:s24], [sflag:$0x8], $0x40, s23, s19, $0xb8;
	[tilespmem:$0x18880] =	vst v63  }
0x9d: {  	_ =	swait.ge [sflag:s17], $0x1F40  }
0x9e: {  	[sflag:s17] =	ssyncset.done $0x0  }
0x9f: {  	s3 =	simm.s32 $0x4F00;
	[sflag:s17] =	ssyncadd.s32 $0xFFFFE0C0  }
0xa0: {  	[spmem:s2] =	stream.indirect.scatter.add.f32 [tilespmem:s26], [sflag:$0x9], $0x40, s3, s19, $0xb8;
	[tilespmem:$0x18880] =	vst v63  }
0xa1: {  	_ =	swait.ge [sflag:s0], $0x1F40  }
0xa2: {  	[sflag:s0] =	ssyncset.done $0x0  }
0xa3: {  	s15 =	simm.s32 $0x4F80;
	[sflag:s0] =	ssyncadd.s32 $0xFFFFE0C0  }
0xa4: {  	[spmem:s2] =	stream.indirect.scatter.add.f32 [tilespmem:s29], [sflag:$0xA], $0x40, s15, s19, $0xb8;
	[tilespmem:$0x18880] =	vst v63  }
0xa5: {  	_ =	swait.ge [sflag:s7], $0x1F40  }
0xa6: {  	[sflag:s7] =	ssyncset.done $0x0  }
0xa7: {  	[sflag:s7] =	ssyncadd.s32 $0xFFFFE0C0  }
0xa8: {  	_ =	swait.ge [sflag:s8], $0x1F40  }
0xa9: {  	[sflag:s8] =	ssyncset.done $0x0  }
0xaa: {  	[sflag:s8] =	ssyncadd.s32 $0xFFFFE0C0  }
0xab: {  	_ =	swait.ge [sflag:s9], $0x1F40  }
0xac: {  	[sflag:s9] =	ssyncset.done $0x0  }
0xad: {  	[sflag:s9] =	ssyncadd.s32 $0xFFFFE0C0  }
0xae: {  	_ =	swait.ge [sflag:s10], $0x1F40  }
0xaf: {  	[sflag:s10] =	ssyncset.done $0x0  }
0xb0: {  	[sflag:s10] =	ssyncadd.s32 $0xFFFFE0C0  }
0xb1: {  	_ =	swait.ge [sflag:s11], $0x1F40  }
0xb2: {  	[sflag:s11] =	ssyncset.done $0x0  }
0xb3: {  	[sflag:s11] =	ssyncadd.s32 $0xFFFFE0C0  }
0xb4: {  	[bflag:$0x0] =	sbarrier.arrive $0xFFFF  }
0xb5: {  	s23 =	simm.s32 $0x0;
	s15 =	rddreg [dreg:$0xa]  }
0xb6: {  	[tilespmem:s23], [sflag:$0xB] =	stream.linear.gather [hbm4b:s15+s23], $0x2800, $0x38;
	[tilespmem:$0x18880] =	vst v63  }
0xb7: {  	_ =	swait.ge [sflag:s18], $0x2800  }
0xb8: {  	[sflag:s18] =	ssyncset.done $0x0  }
0xb9: {  	[sflag:s18] =	ssyncadd.s32 $0xFFFFD800  }
0xba: {  	[tilespmem:s20], [sflag:$0x1] =	stream.indirect.gather [hbm4b:s4+s19], $0x40, s23, s19, $0xb8;
	[tilespmem:$0x18880] =	vst v63  }
0xbb: {  	s15 =	simm.s32 $0x80  }
0xbc: {  	[tilespmem:s22], [sflag:$0x2] =	stream.indirect.gather [hbm4b:s4+s19], $0x40, s15, s19, $0xb8;
	[tilespmem:$0x18880] =	vst v63  }
0xbd: {  	s23 =	simm.s32 $0x100  }
0xbe: {  	[tilespmem:s24], [sflag:$0x3] =	stream.indirect.gather [hbm4b:s4+s19], $0x40, s23, s19, $0xb8;
	[tilespmem:$0x18880] =	vst v63  }
0xbf: {  	s3 =	simm.s32 $0x180  }
0xc0: {  	[tilespmem:s26], [sflag:$0x4] =	stream.indirect.gather [hbm4b:s4+s19], $0x40, s3, s19, $0xb8;
	[tilespmem:$0x18880] =	vst v63  }
0xc1: {  	s3 =	simm.s32 $0x200  }
0xc2: {  	[tilespmem:s29], [sflag:$0x5] =	stream.indirect.gather [hbm4b:s4+s19], $0x40, s3, s19, $0xb8;
	[tilespmem:$0x18880] =	vst v63  }
0xc3: {  	s6 =	rddreg [dreg:$0xb];
	s3 =	simm.s32 $0x10  }
0xc4: {  	[hbm:s6@s3], [sflag:s25] =	dma.strided [spmem:s28@s9], $0x1388, s30, $0x8   }
0xc5: {  	_ =	swait.ge [sflag:s18], $0x1388  }
0xc6: {  	[sflag:s18] =	ssyncset.done $0x0  }
0xc7: {  	[sflag:s18] =	ssyncadd.s32 $0xFFFFEC78  }
0xc8: {  	[spmem:s28], [sflag:s25] =	dma.local [hbm:s5], $0x3E8  }
0xc9: {  	_ =	swait.ge [sflag:s18], $0x3E8  }
0xca: {  	[sflag:s18] =	ssyncset.done $0x0  }
0xcb: {  	[sflag:s18] =	ssyncadd.s32 $0xFFFFFC18  }
0xcc: {  	[spmem:s12], [sflag:s25] =	dma.local [hbm:s5], $0x3E8  }
0xcd: {  	_ =	swait.ge [sflag:s18], $0x3E8  }
0xce: {  	[sflag:s18] =	ssyncset.done $0x0  }
0xcf: {  	[sflag:s18] =	ssyncadd.s32 $0xFFFFFC18  }
0xd0: {  	[spmem:s13], [sflag:s25] =	dma.local [hbm:s5], $0x3E8  }
0xd1: {  	_ =	swait.ge [sflag:s18], $0x3E8  }
0xd2: {  	[sflag:s18] =	ssyncset.done $0x0  }
0xd3: {  	[sflag:s18] =	ssyncadd.s32 $0xFFFFFC18  }
0xd4: {  	[spmem:s21], [sflag:s25] =	dma.local [hbm:s5], $0x3E8  }
0xd5: {  	_ =	swait.ge [sflag:s18], $0x3E8  }
0xd6: {  	[sflag:s18] =	ssyncset.done $0x0  }
0xd7: {  	[sflag:s18] =	ssyncadd.s32 $0xFFFFFC18  }
0xd8: {  	[spmem:s14], [sflag:s25] =	dma.local [hbm:s5], $0x3E8  }
0xd9: {  	_ =	swait.ge [sflag:s18], $0x3E8  }
0xda: {  	[sflag:s18] =	ssyncset.done $0x0  }
0xdb: {  	[sflag:s18] =	ssyncadd.s32 $0xFFFFFC18  }
0xdc: {  	[bflag:$0x0] =	sbarrier.arrive $0xFFFF  }
0xdd: {  	_ =	swait.ge [sflag:s30], $0x1F40  }
0xde: {  	[sflag:s30] =	ssyncset.done $0x0  }
0xdf: {  	s12 =	simm.s32 $0x2800;
	[sflag:s30] =	ssyncadd.s32 $0xFFFFE0C0  }
0xe0: {  	[spmem:s2] =	stream.indirect.scatter.add.f32 [tilespmem:s20], [sflag:$0x6], $0x40, s12, s19, $0xb8;
	[tilespmem:$0x18880] =	vst v63  }
0xe1: {  	_ =	swait.ge [sflag:s31], $0x1F40  }
0xe2: {  	[sflag:s31] =	ssyncset.done $0x0  }
0xe3: {  	s13 =	simm.s32 $0x2880;
	[sflag:s31] =	ssyncadd.s32 $0xFFFFE0C0  }
0xe4: {  	[spmem:s2] =	stream.indirect.scatter.add.f32 [tilespmem:s22], [sflag:$0x7], $0x40, s13, s19, $0xb8;
	[tilespmem:$0x18880] =	vst v63  }
0xe5: {  	_ =	swait.ge [sflag:s1], $0x1F40  }
0xe6: {  	[sflag:s1] =	ssyncset.done $0x0  }
0xe7: {  	s14 =	simm.s32 $0x2900;
	[sflag:s1] =	ssyncadd.s32 $0xFFFFE0C0  }
0xe8: {  	[spmem:s2] =	stream.indirect.scatter.add.f32 [tilespmem:s24], [sflag:$0x8], $0x40, s14, s19, $0xb8;
	[tilespmem:$0x18880] =	vst v63  }
0xe9: {  	_ =	swait.ge [sflag:s17], $0x1F40  }
0xea: {  	[sflag:s17] =	ssyncset.done $0x0  }
0xeb: {  	s21 =	simm.s32 $0x2980;
	[sflag:s17] =	ssyncadd.s32 $0xFFFFE0C0  }
0xec: {  	[spmem:s2] =	stream.indirect.scatter.add.f32 [tilespmem:s26], [sflag:$0x9], $0x40, s21, s19, $0xb8;
	[tilespmem:$0x18880] =	vst v63  }
0xed: {  	_ =	swait.ge [sflag:s0], $0x1F40  }
0xee: {  	[sflag:s0] =	ssyncset.done $0x0  }
0xef: {  	s3 =	simm.s32 $0x2A00;
	[sflag:s0] =	ssyncadd.s32 $0xFFFFE0C0  }
0xf0: {  	[spmem:s2] =	stream.indirect.scatter.add.f32 [tilespmem:s29], [sflag:$0xA], $0x40, s3, s19, $0xb8;
	[tilespmem:$0x18880] =	vst v63  }
0xf1: {  	_ =	swait.ge [sflag:s7], $0x1F40  }
0xf2: {  	[sflag:s7] =	ssyncset.done $0x0  }
0xf3: {  	s12 =	simm.s32 $0x280;
	[sflag:s7] =	ssyncadd.s32 $0xFFFFE0C0  }
0xf4: {  	[tilespmem:s20], [sflag:$0x1] =	stream.indirect.gather [hbm4b:s4+s19], $0x40, s12, s19, $0xb8;
	[tilespmem:$0x18880] =	vst v63  }
0xf5: {  	_ =	swait.ge [sflag:s8], $0x1F40  }
0xf6: {  	[sflag:s8] =	ssyncset.done $0x0  }
0xf7: {  	s13 =	simm.s32 $0x300;
	[sflag:s8] =	ssyncadd.s32 $0xFFFFE0C0  }
0xf8: {  	[tilespmem:s22], [sflag:$0x2] =	stream.indirect.gather [hbm4b:s4+s19], $0x40, s13, s19, $0xb8;
	[tilespmem:$0x18880] =	vst v63  }
0xf9: {  	_ =	swait.ge [sflag:s9], $0x1F40  }
0xfa: {  	[sflag:s9] =	ssyncset.done $0x0  }
0xfb: {  	s14 =	simm.s32 $0x380;
	[sflag:s9] =	ssyncadd.s32 $0xFFFFE0C0  }
0xfc: {  	[tilespmem:s24], [sflag:$0x3] =	stream.indirect.gather [hbm4b:s4+s19], $0x40, s14, s19, $0xb8;
	[tilespmem:$0x18880] =	vst v63  }
0xfd: {  	_ =	swait.ge [sflag:s10], $0x1F40  }
0xfe: {  	[sflag:s10] =	ssyncset.done $0x0  }
0xff: {  	s21 =	simm.s32 $0x400;
	[sflag:s10] =	ssyncadd.s32 $0xFFFFE0C0  }
0x100: {  	[tilespmem:s26], [sflag:$0x4] =	stream.indirect.gather [hbm4b:s4+s19], $0x40, s21, s19, $0xb8;
	[tilespmem:$0x18880] =	vst v63  }
0x101: {  	_ =	swait.ge [sflag:s11], $0x1F40  }
0x102: {  	[sflag:s11] =	ssyncset.done $0x0  }
0x103: {  	s12 =	simm.s32 $0xA00;
	s13 =	simm.s32 $0x480;
	[sflag:s11] =	ssyncadd.s32 $0xFFFFE0C0  }
.LBB2_4:
0x104: {  	[tilespmem:s29], [sflag:$0x5] =	stream.indirect.gather [hbm4b:s4+s19], $0x40, s13, s19, $0xb8;
	[tilespmem:$0x18880] =	vst v63  }
0x105: {  	s6 =	smov.u32 s12  }
0x106: {  	p0 =	sne.s32 s12, $0x8C00;
	s12 =	sadd.s32 $0xA00, s12;
	_ =	swait.ge [sflag:s30], $0x1F40  }
0x107: {  	s13 =	sshra.s32 s6, $0x2;
	[sflag:s30] =	ssyncset.done $0x0  }
0x108: {  	s6 =	sadd.s32 $0x2800, s13;
	[sflag:s30] =	ssyncadd.s32 $0xFFFFE0C0  }
0x109: {  	[spmem:s2] =	stream.indirect.scatter.add.f32 [tilespmem:s20], [sflag:$0x6], $0x40, s6, s19, $0xb8;
	[tilespmem:$0x18880] =	vst v63  }
0x10a: {  	_ =	swait.ge [sflag:s31], $0x1F40  }
0x10b: {  	[sflag:s31] =	ssyncset.done $0x0  }
0x10c: {  	s6 =	sadd.s32 $0x2880, s13;
	[sflag:s31] =	ssyncadd.s32 $0xFFFFE0C0  }
0x10d: {  	[spmem:s2] =	stream.indirect.scatter.add.f32 [tilespmem:s22], [sflag:$0x7], $0x40, s6, s19, $0xb8;
	[tilespmem:$0x18880] =	vst v63  }
0x10e: {  	_ =	swait.ge [sflag:s1], $0x1F40  }
0x10f: {  	[sflag:s1] =	ssyncset.done $0x0  }
0x110: {  	s6 =	sadd.s32 $0x2900, s13;
	[sflag:s1] =	ssyncadd.s32 $0xFFFFE0C0  }
0x111: {  	[spmem:s2] =	stream.indirect.scatter.add.f32 [tilespmem:s24], [sflag:$0x8], $0x40, s6, s19, $0xb8;
	[tilespmem:$0x18880] =	vst v63  }
0x112: {  	_ =	swait.ge [sflag:s17], $0x1F40  }
0x113: {  	[sflag:s17] =	ssyncset.done $0x0  }
0x114: {  	s6 =	sadd.s32 $0x2980, s13;
	[sflag:s17] =	ssyncadd.s32 $0xFFFFE0C0  }
0x115: {  	[spmem:s2] =	stream.indirect.scatter.add.f32 [tilespmem:s26], [sflag:$0x9], $0x40, s6, s19, $0xb8;
	[tilespmem:$0x18880] =	vst v63  }
0x116: {  	_ =	swait.ge [sflag:s0], $0x1F40  }
0x117: {  	[sflag:s0] =	ssyncset.done $0x0  }
0x118: {  	s6 =	sadd.s32 $0x2A00, s13;
	[sflag:s0] =	ssyncadd.s32 $0xFFFFE0C0  }
0x119: {  	[spmem:s2] =	stream.indirect.scatter.add.f32 [tilespmem:s29], [sflag:$0xA], $0x40, s6, s19, $0xb8;
	[tilespmem:$0x18880] =	vst v63  }
0x11a: {  	_ =	swait.ge [sflag:s7], $0x1F40  }
0x11b: {  	[sflag:s7] =	ssyncset.done $0x0  }
0x11c: {  	s6 =	sadd.s32 $0x280, s13;
	[sflag:s7] =	ssyncadd.s32 $0xFFFFE0C0  }
0x11d: {  	[tilespmem:s20], [sflag:$0x1] =	stream.indirect.gather [hbm4b:s4+s19], $0x40, s6, s19, $0xb8;
	[tilespmem:$0x18880] =	vst v63  }
0x11e: {  	_ =	swait.ge [sflag:s8], $0x1F40  }
0x11f: {  	[sflag:s8] =	ssyncset.done $0x0  }
0x120: {  	s6 =	sadd.s32 $0x300, s13;
	[sflag:s8] =	ssyncadd.s32 $0xFFFFE0C0  }
0x121: {  	[tilespmem:s22], [sflag:$0x2] =	stream.indirect.gather [hbm4b:s4+s19], $0x40, s6, s19, $0xb8;
	[tilespmem:$0x18880] =	vst v63  }
0x122: {  	_ =	swait.ge [sflag:s9], $0x1F40  }
0x123: {  	[sflag:s9] =	ssyncset.done $0x0  }
0x124: {  	s6 =	sadd.s32 $0x380, s13;
	[sflag:s9] =	ssyncadd.s32 $0xFFFFE0C0  }
0x125: {  	[tilespmem:s24], [sflag:$0x3] =	stream.indirect.gather [hbm4b:s4+s19], $0x40, s6, s19, $0xb8;
	[tilespmem:$0x18880] =	vst v63  }
0x126: {  	_ =	swait.ge [sflag:s10], $0x1F40  }
0x127: {  	[sflag:s10] =	ssyncset.done $0x0  }
.Ltmp1:
0x128: {  	s6 =	sadd.s32 $0x400, s13;
	[sflag:s10] =	ssyncadd.s32 $0xFFFFE0C0;
	(pc) =	sbr.rel @p0 .LBB2_4-.Ltmp1, $4  }
0x129: {  	[tilespmem:s26], [sflag:$0x4] =	stream.indirect.gather [hbm4b:s4+s19], $0x40, s6, s19, $0xb8;
	[tilespmem:$0x18880] =	vst v63  }
0x12a: {  	_ =	swait.ge [sflag:s11], $0x1F40  }
0x12b: {  	[sflag:s11] =	ssyncset.done $0x0  }
0x12c: {  	s13 =	sadd.s32 $0x480, s13;
	[sflag:s11] =	ssyncadd.s32 $0xFFFFE0C0  }
0x12d: {  	[tilespmem:s29], [sflag:$0x5] =	stream.indirect.gather [hbm4b:s4+s19], $0x40, s13, s19, $0xb8;
	[tilespmem:$0x18880] =	vst v63  }
0x12e: {  	_ =	swait.ge [sflag:s30], $0x1F40  }
0x12f: {  	[sflag:s30] =	ssyncset.done $0x0  }
0x130: {  	s6 =	simm.s32 $0x4D80;
	[sflag:s30] =	ssyncadd.s32 $0xFFFFE0C0  }
0x131: {  	[spmem:s2] =	stream.indirect.scatter.add.f32 [tilespmem:s20], [sflag:$0x6], $0x40, s6, s19, $0xb8;
	[tilespmem:$0x18880] =	vst v63  }
0x132: {  	_ =	swait.ge [sflag:s31], $0x1F40  }
0x133: {  	[sflag:s31] =	ssyncset.done $0x0  }
0x134: {  	s3 =	simm.s32 $0x4E00;
	[sflag:s31] =	ssyncadd.s32 $0xFFFFE0C0  }
0x135: {  	[spmem:s2] =	stream.indirect.scatter.add.f32 [tilespmem:s22], [sflag:$0x7], $0x40, s3, s19, $0xb8;
	[tilespmem:$0x18880] =	vst v63  }
0x136: {  	_ =	swait.ge [sflag:s1], $0x1F40  }
0x137: {  	[sflag:s1] =	ssyncset.done $0x0  }
0x138: {  	s12 =	simm.s32 $0x4E80;
	[sflag:s1] =	ssyncadd.s32 $0xFFFFE0C0  }
0x139: {  	[spmem:s2] =	stream.indirect.scatter.add.f32 [tilespmem:s24], [sflag:$0x8], $0x40, s12, s19, $0xb8;
	[tilespmem:$0x18880] =	vst v63  }
0x13a: {  	_ =	swait.ge [sflag:s17], $0x1F40  }
0x13b: {  	[sflag:s17] =	ssyncset.done $0x0  }
0x13c: {  	s13 =	simm.s32 $0x4F00;
	[sflag:s17] =	ssyncadd.s32 $0xFFFFE0C0  }
0x13d: {  	[spmem:s2] =	stream.indirect.scatter.add.f32 [tilespmem:s26], [sflag:$0x9], $0x40, s13, s19, $0xb8;
	[tilespmem:$0x18880] =	vst v63  }
0x13e: {  	_ =	swait.ge [sflag:s0], $0x1F40  }
0x13f: {  	[sflag:s0] =	ssyncset.done $0x0  }
0x140: {  	s14 =	simm.s32 $0x4F80;
	[sflag:s0] =	ssyncadd.s32 $0xFFFFE0C0  }
0x141: {  	[spmem:s2] =	stream.indirect.scatter.add.f32 [tilespmem:s29], [sflag:$0xA], $0x40, s14, s19, $0xb8;
	[tilespmem:$0x18880] =	vst v63  }
0x142: {  	_ =	swait.ge [sflag:s7], $0x1F40  }
0x143: {  	[sflag:s7] =	ssyncset.done $0x0  }
0x144: {  	[sflag:s7] =	ssyncadd.s32 $0xFFFFE0C0  }
0x145: {  	_ =	swait.ge [sflag:s8], $0x1F40  }
0x146: {  	[sflag:s8] =	ssyncset.done $0x0  }
0x147: {  	[sflag:s8] =	ssyncadd.s32 $0xFFFFE0C0  }
0x148: {  	_ =	swait.ge [sflag:s9], $0x1F40  }
0x149: {  	[sflag:s9] =	ssyncset.done $0x0  }
0x14a: {  	[sflag:s9] =	ssyncadd.s32 $0xFFFFE0C0  }
0x14b: {  	_ =	swait.ge [sflag:s10], $0x1F40  }
0x14c: {  	[sflag:s10] =	ssyncset.done $0x0  }
0x14d: {  	[sflag:s10] =	ssyncadd.s32 $0xFFFFE0C0  }
0x14e: {  	_ =	swait.ge [sflag:s11], $0x1F40  }
0x14f: {  	[sflag:s11] =	ssyncset.done $0x0  }
0x150: {  	[sflag:s11] =	ssyncadd.s32 $0xFFFFE0C0  }
0x151: {  	[bflag:$0x0] =	sbarrier.arrive $0xFFFF  }
0x152: {  	s3 =	simm.s32 $0x10;
	s21 =	rddreg [dreg:$0xc]  }
0x153: {  	[hbm:s21@s3], [sflag:s25] =	dma.strided [spmem:s28@s9], $0x1388, s30, $0x8   }
0x154: {  	_ =	swait.ge [sflag:s18], $0x1388  }
0x155: {  	s16 =	sadd.s32 $0x1, s16;
	s28 =	rddreg [dreg:$0xd]  }
0x156: {  	p0 =	sne.s32 s16, s28  }
.Ltmp2:
0x157: {  	_ = 	snop;
	(pc) =	sbr.rel @p0 .LBB2_1-.Ltmp2, $3  }
0x158: {  	_ =	sdelay $0x1  }
0x159: {  	[sflag:s18] =	ssyncset.done $0x0  }
0x15a: {  	[sflag:s18] =	ssyncadd.s32 $0xFFFFEC78  }
0x15b: {  	_ =	sfence.sel $0x180000  }
0x15c: {  	[bflag:$0x0] =	sbarrier.arrive $0xFFFF  }
0x15d: {  	_ =	strace $0x9000004A  }
0x15e: {  	s0 =	stileid.u32;
	[bflag:$0x2] =	sbarrier.arrive $0xFFFF  }
0x15f: {  	p0 =	sne.s32 s0, $0x0;
	s0 =	rddreg [dreg:$0x2]  }
0x160: {  	s0 =	sadd.s32 @!p0 $0x100000, s0  }
0x161: {  	[sflag:s0] =	ssyncadd.tile.s32 @!p0 $0x1;
	_ =	shalt  }
.Lfunc_end2:
_tile_overlayer_lowered:
.L_overlay_start_2:
0x162: {  	(tag) =	ssettag $0x2  }
0x163: {  	s0 =	rddreg [dreg:$0x0];
	s2 =	stileid.u32  }
0x164: {  	s1 =	rddreg [dreg:$0x1];
	p0 =	sne.s32 s2, $0x0  }
0x165: {  	s3 =	rddreg [dreg:$0x2];
	[bflag:$0x3] =	sbarrier.arrive $0xFFFF;
	s2 =	simm.s32 @!p0 $0x1C0B  }
0x166: {  	[timem:s3], [sflag:s2] =	dma.local @!p0 [hbm:s0], s1  }
0x167: {  	s0 =	simm.s32 @!p0 $0xB  }
0x168: {  	_ =	swait.ge @!p0 [sflag:s0], s1  }
0x169: {  	s1 =	ssub.s32 @!p0 $0x0, s1;
	[sflag:s0] =	ssyncset.done @!p0 $0x0  }
0x16a: {  	[sflag:s0] =	ssyncadd.s32 @!p0 s1  }
0x16b: {  	[bflag:$0x3] =	sbarrier.arrive $0xFFFF  }
0x16c: {  	_ =	shalt  }

// kernel: sc_agg_deg.3.cloned.1.call-start
scs
__scs_entry_jumppad:
0x0: {  	(pc) =	sbr.rel $0x88, $3  }
0x1: {  	(tag) =	ssettag $0x0;
	lr =	simm.s32 $0x1  }
0x2: {  	[smem:$0x3F99] =	sst lr;
	_ =	strace $0xD0000000  }
0x3: {  	_ = 	snop  }
0x4: {  	_ = 	snop  }
0x5: {  	_ = 	snop  }
0x6: {  	_ = 	snop  }
0x7: {  	_ = 	snop  }
__scs_overlays_trampoline_lowered:
0x8: {  	[smem:$0x3FA8] =	sst s0  }
0x9: {  	[smem:$0x3FA9] =	sst s1  }
0xa: {  	[smem:$0x3FAA] =	sst s2  }
0xb: {  	[smem:$0x3FAB] =	sst s3  }
0xc: {  	[smem:$0x3FAC] =	sst s4  }
0xd: {  	[smem:$0x3FAD] =	sst s5  }
0xe: {  	[smem:$0x3FAE] =	sst s6  }
0xf: {  	[smem:$0x3FAF] =	sst s7  }
0x10: {  	[smem:$0x3FB0] =	sst s8  }
0x11: {  	[smem:$0x3FB1] =	sst s9;
	s0 =	simm.s32 @!p0 $0x0  }
0x12: {  	s1 =	sld [smem:$0x3F97];
	s0 =	simm.s32 @p0 $0x1  }
0x13: {  	[smem:$0x3FB2] =	sst s0;
	s0 =	simm.s32 @!p1 $0x0  }
0x14: {  	s2 =	sld [smem:$0x3F96];
	s0 =	simm.s32 @p1 $0x1  }
0x15: {  	[smem:$0x3FB3] =	sst s0;
	s0 =	simm.s32 @!p2 $0x0  }
0x16: {  	s3 =	sld [smem:$0x3FDB];
	s0 =	simm.s32 @p2 $0x1  }
0x17: {  	s4 =	simm.s32 $0x1BF5;
	[smem:$0x3FB5] =	sst s0  }
0x18: {  	s0 =	sld [smem:$0x3F98];
	_ =	swait.ge [sflag:s4], $0x0  }
0x19: {  	s7 =	sld [smem:$0x3F99]  }
0x1a: {  	s8 =	sadd.s32 $0xFFFFE003, lr  }
0x1b: {  	s9 =	sadd.s32 $0xFFFFFEF7, lr;
	s5 =	simm.s32 $0xFFFFFFFF;
	p2 =	slt.u32 s8, $0xFFFFF086  }
0x1c: {  	p1 =	slt.u32 s9, $0xF7A;
	s5 =	simm.s32 @!p2 $0x0  }
0x1d: {  	s5 =	simm.s32 @p1 $0x1;
	p0 =	seq.s32 s7, s2  }
0x1e: {  	s7 =	smul.u32 @!p0 $0xF7A, s2;
	p2 =	seq.s32 @!p0 s5, $0x0  }
0x1f: {  	s9 =	smul.u32 $0xF7A, s1;
	s8 =	simm.s32 @!p0 $0x1BF5;
	p2 =	por !p2, p0  }
0x20: {  	[sflag:s8] =	ssyncset.s32 @!p0 $0xFFFFF086;
	s6 =	sadd.s32 @!p0 s3, s7;
	s7 =	simm.s32 @!p0 $0x108  }
0x21: {  	s3 =	sadd.s32 s3, s9;
	s6 =	sadd.s32 @!p0 $0x88, s6;
	s7 =	simm.s32 @p2 $0x1082  }
0x22: {  	[simem:s7], [sflag:s8] =	dma.local @!p0 [hbm:s6], $0xF7A  }
0x23: {  	s9 =	sor.u32 $0xD0000000, s2;
	s6 =	simm.s32 $0x108;
	_ =	swait.ge @!p0 [sflag:s8], $0x0  }
0x24: {  	s3 =	sadd.s32 $0x88, s3;
	s6 =	simm.s32 @!p1 $0x1082;
	[sflag:s4] =	ssyncset.s32 $0xFFFFF086  }
0x25: {  	[simem:s6], [sflag:s4] =	dma.local [hbm:s3], $0xF7A  }
0x26: {  	[smem:$0x3F99] =	sst s1;
	(tag) =	ssettag s2;
	_ =	strace s9  }
0x27: {  	s1 =	sld [smem:$0x3FA9]  }
0x28: {  	s2 =	sld [smem:$0x3FAA]  }
0x29: {  	s4 =	sld [smem:$0x3FAC]  }
0x2a: {  	p0 =	seq.s32 s5, $0x0;
	s5 =	sld [smem:$0x3FAD]  }
0x2b: {  	s6 =	sld [smem:$0x3FAE]  }
0x2c: {  	s7 =	sld [smem:$0x3FAF]  }
0x2d: {  	s3 =	simm.s32 $0x108;
	s8 =	sld [smem:$0x3FB0]  }
0x2e: {  	s3 =	simm.s32 @!p0 $0x1082;
	s9 =	sld [smem:$0x3FB1]  }
0x2f: {  	lr =	sadd.s32 s0, s3;
	s0 =	sld [smem:$0x3FA8]  }
0x30: {  	s3 =	sld [smem:$0x3FAB]  }
0x31: {  	[smem:$0x3FB4] =	sst s10  }
0x32: {  	s10 =	sld [smem:$0x3FB2];
	_ =	sdelay $0x3  }
0x33: {  	p0 =	seq.s32 s10, $0x1;
	s10 =	sld [smem:$0x3FB4];
	_ =	sdelay $0x3  }
0x34: {  	[smem:$0x3FB4] =	sst s10  }
0x35: {  	s10 =	sld [smem:$0x3FB3];
	_ =	sdelay $0x3  }
0x36: {  	p1 =	seq.s32 s10, $0x1;
	s10 =	sld [smem:$0x3FB4];
	_ =	sdelay $0x3  }
0x37: {  	[smem:$0x3FB4] =	sst s10  }
0x38: {  	s10 =	sld [smem:$0x3FB5]  }
0x39: {  	_ = 	snop;
	(pc) =	sbr.ind lr, $3  }
0x3a: {  	_ = 	snop  }
0x3b: {  	_ = 	snop  }
0x3c: {  	p2 =	seq.s32 s10, $0x1;
	s10 =	sld [smem:$0x3FB4]  }
0x3d: {  	_ =	shalt  }
0x3e: {  	_ =	shalt  }
0x3f: {  	_ =	shalt  }
0x40: {  	_ =	shalt  }
0x41: {  	_ =	shalt  }
0x42: {  	_ =	shalt  }
0x43: {  	_ =	shalt  }
0x44: {  	_ =	shalt  }
0x45: {  	_ =	shalt  }
0x46: {  	_ =	shalt  }
0x47: {  	_ =	shalt  }
0x48: {  	_ =	shalt  }
0x49: {  	_ =	shalt  }
0x4a: {  	_ =	shalt  }
0x4b: {  	_ =	shalt  }
0x4c: {  	_ =	shalt  }
0x4d: {  	_ =	shalt  }
0x4e: {  	_ =	shalt  }
0x4f: {  	_ =	shalt  }
0x50: {  	_ =	shalt  }
0x51: {  	_ =	shalt  }
0x52: {  	_ =	shalt  }
0x53: {  	_ =	shalt  }
0x54: {  	_ =	shalt  }
0x55: {  	_ =	shalt  }
0x56: {  	_ =	shalt  }
0x57: {  	_ =	shalt  }
0x58: {  	_ =	shalt  }
0x59: {  	_ =	shalt  }
0x5a: {  	_ =	shalt  }
0x5b: {  	_ =	shalt  }
0x5c: {  	_ =	shalt  }
0x5d: {  	_ =	shalt  }
0x5e: {  	_ =	shalt  }
0x5f: {  	_ =	shalt  }
0x60: {  	_ =	shalt  }
0x61: {  	_ =	shalt  }
0x62: {  	_ =	shalt  }
0x63: {  	_ =	shalt  }
0x64: {  	_ =	shalt  }
0x65: {  	_ =	shalt  }
0x66: {  	_ =	shalt  }
0x67: {  	_ =	shalt  }
0x68: {  	_ =	shalt  }
0x69: {  	_ =	shalt  }
0x6a: {  	_ =	shalt  }
0x6b: {  	_ =	shalt  }
0x6c: {  	_ =	shalt  }
0x6d: {  	_ =	shalt  }
0x6e: {  	_ =	shalt  }
0x6f: {  	_ =	shalt  }
0x70: {  	_ =	shalt  }
0x71: {  	_ =	shalt  }
0x72: {  	_ =	shalt  }
0x73: {  	_ =	shalt  }
0x74: {  	_ =	shalt  }
0x75: {  	_ =	shalt  }
0x76: {  	_ =	shalt  }
0x77: {  	_ =	shalt  }
0x78: {  	_ =	shalt  }
0x79: {  	_ =	shalt  }
0x7a: {  	_ =	shalt  }
0x7b: {  	_ =	shalt  }
0x7c: {  	_ =	shalt  }
0x7d: {  	_ =	shalt  }
0x7e: {  	_ =	shalt  }
0x7f: {  	_ =	shalt  }
0x80: {  	_ =	shalt  }
0x81: {  	_ =	shalt  }
0x82: {  	_ =	shalt  }
0x83: {  	_ =	shalt  }
0x84: {  	_ =	shalt  }
0x85: {  	_ =	shalt  }
0x86: {  	_ =	shalt  }
0x87: {  	_ =	shalt  }
.Lfunc_end0:
.L_simem_size_0:
called_computation_lowered:
.L_overlay_start_0:
0x88: {  	s2 =	sld [smem:$0x3FD9]  }
0x89: {  	s3 =	sld [smem:$0x3FFE];
	_ =	sdelay $0x1  }
0x8a: {  	s1 =	srdreg.scid  }
0x8b: {  	s0 =	sand.u32 $0x1, s1  }
0x8c: {  	s16 =	sshll.u32 s0, $0xA;
	s2 =	sadd.s32 s3, s2  }
0x8d: {  	s2 =	sadd.s32 s2, s16  }
0x8e: {  	[smem:$0x3FC0] =	sst s2  }
0x8f: {  	_ = 	snop  }
0x90: {  	(tm) =	ssettm $0x1  }
0x91: {  	s17 =	sld [smem:$0x3FFB];
	_ =	sdelay $0x3  }
0x92: {  	_ =	strace s17  }
0x93: {  	s2 =	sld [smem:$0x3FFC];
	_ =	sdelay $0x3  }
0x94: {  	_ =	strace s2  }
0x95: {  	s2 =	sld [smem:$0x3FFD];
	_ =	sdelay $0x3  }
0x96: {  	_ =	strace s2  }
0x97: {  	_ =	strace $0x8FFFFFFF  }
0x98: {  	s18 =	sld [smem:$0x3FDB];
	_ =	sdelay $0x1  }
0x99: {  	s19 =	simm.s32 $_scs_section_size  }
0x9a: {  	s4 =	simm.s32 $_size__tile_overlayer_lowered;
	s5 =	simm.s32 $_tile_overlayer_lowered  }
0x9b: {  	s22 =	simm.s32 $0x1BFF;
	s21 =	sshll.u32 s5, $0x1;
	s2 =	sadd.s32 s19, s18  }
0x9c: {  	s6 =	simm.s32 $0x0;
	s20 =	sshll.u32 s4, $0x1;
	s4 =	sadd.s32 s21, s2  }
0x9d: {  	[timem:s6], [sflag:s22] =	dma.local [hbm:s4], s20  }
0x9e: {  	_ =	swait.ge [sflag:s22], s20  }
0x9f: {  	s3 =	ssub.s32 $0x0, s20;
	[sflag:s22] =	ssyncset.done $0x0  }
0xa0: {  	[sflag:s22] =	ssyncadd.s32 s3;
	_ =	sdelay $0x1  }
0xa1: {  	s23 =	simm.s32 $0x1B8B  }
0xa2: {  	_ =	swait.ge [sflag:s23], $0x1  }
0xa3: {  	[sflag:s23] =	ssyncset.done $0x0  }
0xa4: {  	s25 =	simm.s32 $0x1B8E;
	s24 =	sld [smem:$0x3FFE];
	[sflag:s23] =	ssyncadd.s32 $0xFFFFFFFF  }
0xa5: {  	s26 =	simm.s32 $execute0_lowered;
	[smem:$0x3FD2] =	sst s25  }
0xa6: {  	s4 =	sshll.u32 s26, $0x1;
	_ =	strace $0x80000046;
	[dreg:$0x1] =	wrdreg $0xFFFFFFFF  }
0xa7: {  	s28 =	simm.s32 $_size_execute0_lowered;
	s2 =	sadd.s32 s2, s4;
	[dreg:$0x0] =	wrdreg $0x0  }
0xa8: {  	s4 =	sshll.u32 s28, $0x1;
	[dreg:$0x2] =	wrdreg s2  }
0xa9: {  	[dreg:$0x3] =	wrdreg s4  }
0xaa: {  	[dreg:$0x4] =	wrdreg $0xC0  }
0xab: {  	_ =	task [dreg:s6], $0x5FFFF  }
0xac: {  	[dreg:$0x1] =	wrdreg $0xFFFFFFFF  }
0xad: {  	[dreg:$0x0] =	wrdreg $0x60  }
0xae: {  	[dreg:$0x2] =	wrdreg s24  }
0xaf: {  	[dreg:$0x3] =	wrdreg $0x190500  }
0xb0: {  	[dreg:$0x4] =	wrdreg $0xF4100  }
0xb1: {  	[dreg:$0x5] =	wrdreg $0x9  }
0xb2: {  	_ =	task.clear_ibuf [dreg:s6], $0x6FFFF;
	_ =	strace $0x90000046  }
0xb3: {  	s29 =	simm.s32 $0x9;
	_ =	strace $0x80000048  }
0xb4: {  	_ =	swait.ge [sflag:s29], $0x1  }
0xb5: {  	[sflag:s29] =	ssyncadd.s32 $0xFFFFFFFF  }
0xb6: {  	_ =	strace $0x90000048  }
0xb7: {  	_ =	sfence  }
0xb8: {  	s30 =	sld [smem:$0x0];
	_ =	sdelay $0x2  }
0xb9: {  	s31 =	sshll.u32 s1, $0xD;
	s1 =	sshrl.u32 s1, $0x2  }
0xba: {  	s3 =	sand.u32 $0x4000, s31;
	s1 =	sadd.s32 s1, s30  }
0xbb: {  	s0 =	sor.u32 s3, s0;
	s1 =	sshll.u32 s1, $0x11  }
0xbc: {  	s0 =	sor.u32 s1, s0  }
0xbd: {  	s0 =	sadd.s32 $0x8F2B, s0  }
0xbe: {  	[sflag:s0] =	ssyncadd.remote.s32 $0x1  }
0xbf: {  	_ =	sfence.sel $0xFFFF  }
0xc0: {  	[dreg:$0x0] =	wrdreg $0xFFFFFFFF;
	(pc) =	sbr.abs _section_cstart, $3  }
0xc1: {  	[dreg:$0x1] =	wrdreg $0xFFFFFFFF  }
0xc2: {  	_ =	task.clear_ibuf [dreg:s6], $0x2FFFF;
	_ =	strace $0x9FFFFFFF  }
0xc3: {  	(tm) =	ssettm $0x7FFFFFFF  }
tec
execute0_lowered:
.L_overlay_start_1:
0x0: {  	(tag) =	ssettag $0x1  }
0x1: {  	s0 =	srdreg.scid  }
0x2: {  	s1 =	rddreg [dreg:$0x0];
	s13 =	stileid.u32  }
0x3: {  	s2 =	rddreg [dreg:$0x1];
	s5 =	simm.s32 $0x0;
	s29 =	simm.s32 $0x6F40  }
0x4: {  	s31 =	simm.s32 $0x8E80;
	s30 =	simm.s32 $0x180;
	s6 =	smul.u32 $0x500, s13  }
0x5: {  	s0 =	sand.u32 $0x1, s0;
	[smem:$0x7FF] =	sst s5;
	s8 =	smul.u32 $0x13880, s13  }
0x6: {  	s5 =	sadd.s32 $0x1AA00, s1;
	s10 =	sadd.s32 $0x69200, s1;
	s16 =	smul.u32 $0x27100, s13  }
0x7: {  	s14 =	sadd.s32 $0x68C00, s1;
	s12 =	smul.u32 $0x9C40, s13;
	s3 =	sshll.u32 s0, $0x5  }
0x8: {  	s7 =	smul.u32 $0x138800, s0;
	s15 =	ssub.s32 $0x2, s0;
	s28 =	sor.u32 s13, s0  }
0x9: {  	p0 =	sne.s32 s0, $0x0;
	s4 =	sor.u32 s13, s3;
	s3 =	rddreg [dreg:$0x2]  }
0xa: {  	_ =	strace $0x80000047;
	s9 =	sadd.s32 s6, s1;
	[dreg:$0x4] =	wrdreg s10  }
0xb: {  	s6 =	sadd.s32 $0x68E00, s1;
	[dreg:$0x5] =	wrdreg s14;
	s11 =	sshrl.u32 s15, $0x1  }
0xc: {  	s18 =	sshrl.u32 s16, $0x2;
	s19 =	sshrl.u32 s12, $0x2;
	s0 =	sshll.u32 @!p0 s13, $0x6  }
0xd: {  	p1 =	sne.s32 s28, $0x0;
	s12 =	simm.s32 $0x3;
	s13 =	simm.s32 $0x4  }
0xe: {  	s14 =	simm.s32 $0x5;
	s16 =	simm.s32 $0x8;
	s4 =	smul.u32 $0x500, s4  }
0xf: {  	s7 =	sadd.s32 s8, s7;
	s17 =	ssub.s32 s15, s11;
	s9 =	sadd.s32 $0x1A00, s9  }
0x10: {  	s10 =	sadd.s32 s18, s3;
	s8 =	sadd.s32 s19, s2;
	s0 =	sor.u32 @!p0 $0x1C0C, s0  }
0x11: {  	s15 =	simm.s32 $0x7;
	s18 =	simm.s32 $0xA;
	[dreg:$0x7] =	wrdreg s9  }
0x12: {  	s7 =	sshrl.u32 s7, $0x3;
	s21 =	sadd.s32 $0x1F40, s10;
	[dreg:$0x8] =	wrdreg s10  }
0x13: {  	s22 =	sadd.s32 $0x3E80, s10;
	s23 =	sadd.s32 $0x5DC0, s10;
	[dreg:$0x12] =	wrdreg s0  }
0x14: {  	s24 =	sadd.s32 $0x7D00, s10;
	s0 =	sshrl.u32 @!p0 s8, $0x3;
	[dreg:$0xa] =	wrdreg s21  }
0x15: {  	s8 =	simm.s32 $0xCD00;
	s9 =	simm.s32 $0x1;
	[dreg:$0xb] =	wrdreg s22  }
0x16: {  	s10 =	simm.s32 $0x2;
	s4 =	sadd.s32 s4, s1;
	[dreg:$0xc] =	wrdreg s23  }
0x17: {  	s7 =	sadd.s32 s7, s1;
	s1 =	sadd.s32 $0x69800, s1;
	[dreg:$0xd] =	wrdreg s24  }
0x18: {  	s22 =	simm.s32 $0xC;
	[dreg:$0x13] =	wrdreg s0;
	s23 =	simm.s32 $0x80  }
0x19: {  	s24 =	simm.s32 $0x100;
	[dreg:$0x6] =	wrdreg s1;
	s20 =	sadd.s32 $0x6A00, s4  }
0x1a: {  	s0 =	simm.s32 $0xADC0;
	s4 =	sadd.s32 $0xBA00, s4;
	[dreg:$0x9] =	wrdreg s20  }
0x1b: {  	s21 =	simm.s32 $0x6;
	s25 =	sadd.s32 $0x6E800, s7;
	[dreg:$0xe] =	wrdreg s4  }
0x1c: {  	s26 =	sadd.s32 $0x6E808, s7;
	s1 =	smax.u32 s17, $0x1;
	[dreg:$0xf] =	wrdreg s25  }
0x1d: {  	s17 =	simm.s32 $0x9;
	s7 =	simm.s32 $0x0;
	[dreg:$0x10] =	wrdreg s26  }
0x1e: {  	[dreg:$0x11] =	wrdreg s1;
	s25 =	simm.s32 $0x7D;
	s26 =	simm.s32 $0x5000  }
.LBB2_1:
0x1f: {  	[dreg:$0x14] =	wrdreg s7  }
0x20: {  	s7 =	simm.s32 $0x0;
	s1 =	rddreg [dreg:$0x7];
	s20 =	simm.s32 $0x2800  }
0x21: {  	[tilespmem:s20], [sflag:$0xC] =	stream.linear.gather [hbm4b:s1+s7], $0x2800, $0x38;
	[tilespmem:$0x1B760] =	vst v63  }
0x22: {  	_ =	swait.ge [sflag:s22], $0x2800  }
0x23: {  	s1 =	rddreg [dreg:$0x4]  }
0x24: {  	[sflag:s22] =	ssyncset.done $0x0;
	s4 =	rddreg [dreg:$0x12]  }
0x25: {  	s11 =	rddreg [dreg:$0x13];
	[sflag:s22] =	ssyncadd.s32 $0xFFFFD800  }
0x26: {  	[spmem:s11], [sflag:s4] =	dma.local @!p0 [hbm:s1], $0x4E2  }
0x27: {  	s1 =	simm.s32 @!p0 $0xC  }
0x28: {  	_ =	swait.ge @!p0 [sflag:s1], $0x4E2  }
0x29: {  	s19 =	simm.s32 @!p0 $0xEC40;
	[sflag:s1] =	ssyncset.done @!p0 $0x0  }
0x2a: {  	s4 =	simm.s32 @!p0 $0x0;
	s11 =	rddreg [dreg:$0x5];
	[sflag:s1] =	ssyncadd.s32 @!p0 $0xFFFFFB1E  }
0x2b: {  	[tilespmem:s19], [sflag:$0xC] =	stream.linear.gather @!p0 [hbm4b:s11+s4], $0x7D0, $0x38;
	[tilespmem:$0x1B760] =	vst v63  }
0x2c: {  	_ =	swait.ge @!p0 [sflag:s1], $0x7D0  }
0x2d: {  	[sflag:s1] =	ssyncset.done @!p0 $0x0  }
0x2e: {  	s11 =	rddreg [dreg:$0x9];
	[sflag:s1] =	ssyncadd.s32 @!p0 $0xFFFFF830  }
0x2f: {  	[tilespmem:s7], [sflag:$0xC] =	stream.linear.gather [hbm4b:s11+s7], $0x2800, $0x38;
	[tilespmem:$0x1B760] =	vst v63  }
0x30: {  	_ =	swait.ge [sflag:s22], $0x2800  }
0x31: {  	[sflag:s22] =	ssyncset.done $0x0  }
0x32: {  	[sflag:s22] =	ssyncadd.s32 $0xFFFFD800  }
0x33: {  	[tilespmem:s26], [sflag:$0x1] =	stream.indirect.gather [hbm4b:s5+s25], $0x40, s7, s25, $0xb8;
	[tilespmem:$0x1B760] =	vst v63  }
0x34: {  	s7 =	stileid.u32  }
0x35: {  	[tilespmem:s29], [sflag:$0x2] =	stream.indirect.gather [hbm4b:s5+s25], $0x40, s23, s25, $0xb8;
	[tilespmem:$0x1B760] =	vst v63  }
0x36: {  	s11 =	rddreg [dreg:$0x8];
	s1 =	sshll.u32 s7, $0x6  }
0x37: {  	[tilespmem:s31], [sflag:$0x3] =	stream.indirect.gather [hbm4b:s5+s25], $0x40, s24, s25, $0xb8;
	[tilespmem:$0x1B760] =	vst v63  }
0x38: {  	s28 =	sor.u32 $0x1C0C, s1;
	s1 =	sshrl.u32 s11, $0x3  }
0x39: {  	[tilespmem:s0], [sflag:$0x4] =	stream.indirect.gather [hbm4b:s5+s25], $0x40, s30, s25, $0xb8;
	[tilespmem:$0x1B760] =	vst v63  }
0x3a: {  	s4 =	simm.s32 $0x200;
	[dreg:$0x15] =	wrdreg s1  }
0x3b: {  	[tilespmem:s8], [sflag:$0x5] =	stream.indirect.gather [hbm4b:s5+s25], $0x40, s4, s25, $0xb8;
	[tilespmem:$0x1B760] =	vst v63  }
0x3c: {  	[spmem:s1], [sflag:s28] =	dma.local [hbm:s6], $0x3E8  }
0x3d: {  	_ =	swait.ge [sflag:s22], $0x3E8  }
0x3e: {  	s23 =	rddreg [dreg:$0xa]  }
0x3f: {  	[sflag:s22] =	ssyncset.done $0x0;
	s1 =	sshrl.u32 s23, $0x3  }
0x40: {  	[sflag:s22] =	ssyncadd.s32 $0xFFFFFC18;
	[dreg:$0x16] =	wrdreg s1  }
0x41: {  	[spmem:s1], [sflag:s28] =	dma.local [hbm:s6], $0x3E8  }
0x42: {  	_ =	swait.ge [sflag:s22], $0x3E8  }
0x43: {  	s24 =	rddreg [dreg:$0xb]  }
0x44: {  	[sflag:s22] =	ssyncset.done $0x0;
	s1 =	sshrl.u32 s24, $0x3  }
0x45: {  	[sflag:s22] =	ssyncadd.s32 $0xFFFFFC18;
	[dreg:$0x17] =	wrdreg s1  }
0x46: {  	[spmem:s1], [sflag:s28] =	dma.local [hbm:s6], $0x3E8  }
0x47: {  	_ =	swait.ge [sflag:s22], $0x3E8  }
0x48: {  	s4 =	rddreg [dreg:$0xc]  }
0x49: {  	[sflag:s22] =	ssyncset.done $0x0;
	s1 =	sshrl.u32 s4, $0x3  }
0x4a: {  	[sflag:s22] =	ssyncadd.s32 $0xFFFFFC18;
	[dreg:$0x18] =	wrdreg s1  }
0x4b: {  	[spmem:s1], [sflag:s28] =	dma.local [hbm:s6], $0x3E8  }
0x4c: {  	_ =	swait.ge [sflag:s22], $0x3E8  }
0x4d: {  	s7 =	rddreg [dreg:$0xd]  }
0x4e: {  	[sflag:s22] =	ssyncset.done $0x0;
	s1 =	sshrl.u32 s7, $0x3  }
0x4f: {  	[sflag:s22] =	ssyncadd.s32 $0xFFFFFC18;
	[dreg:$0x19] =	wrdreg s1  }
0x50: {  	[spmem:s1], [sflag:s28] =	dma.local [hbm:s6], $0x3E8  }
0x51: {  	_ =	swait.ge [sflag:s22], $0x3E8  }
0x52: {  	[sflag:s22] =	ssyncset.done $0x0  }
0x53: {  	[sflag:s22] =	ssyncadd.s32 $0xFFFFFC18  }
0x54: {  	[bflag:$0x0] =	sbarrier.arrive $0xFFFF  }
0x55: {  	_ =	swait.ge [sflag:s9], $0x1F40  }
0x56: {  	[sflag:s9] =	ssyncset.done $0x0  }
0x57: {  	[sflag:s9] =	ssyncadd.s32 $0xFFFFE0C0  }
0x58: {  	[spmem:s3] =	stream.indirect.scatter.add.f32 [tilespmem:s26], [sflag:$0x6], $0x40, s20, s25, $0xb8;
	[tilespmem:$0x1B760] =	vst v63  }
0x59: {  	_ =	swait.ge [sflag:s10], $0x1F40  }
0x5a: {  	[sflag:s10] =	ssyncset.done $0x0  }
0x5b: {  	s11 =	simm.s32 $0x2880;
	[sflag:s10] =	ssyncadd.s32 $0xFFFFE0C0  }
0x5c: {  	[spmem:s3] =	stream.indirect.scatter.add.f32 [tilespmem:s29], [sflag:$0x7], $0x40, s11, s25, $0xb8;
	[tilespmem:$0x1B760] =	vst v63  }
0x5d: {  	_ =	swait.ge [sflag:s12], $0x1F40  }
0x5e: {  	[sflag:s12] =	ssyncset.done $0x0  }
0x5f: {  	s20 =	simm.s32 $0x2900;
	[sflag:s12] =	ssyncadd.s32 $0xFFFFE0C0  }
0x60: {  	[spmem:s3] =	stream.indirect.scatter.add.f32 [tilespmem:s31], [sflag:$0x8], $0x40, s20, s25, $0xb8;
	[tilespmem:$0x1B760] =	vst v63  }
0x61: {  	_ =	swait.ge [sflag:s13], $0x1F40  }
0x62: {  	[sflag:s13] =	ssyncset.done $0x0  }
0x63: {  	s23 =	simm.s32 $0x2980;
	[sflag:s13] =	ssyncadd.s32 $0xFFFFE0C0  }
0x64: {  	[spmem:s3] =	stream.indirect.scatter.add.f32 [tilespmem:s0], [sflag:$0x9], $0x40, s23, s25, $0xb8;
	[tilespmem:$0x1B760] =	vst v63  }
0x65: {  	_ =	swait.ge [sflag:s14], $0x1F40  }
0x66: {  	[sflag:s14] =	ssyncset.done $0x0  }
0x67: {  	s24 =	simm.s32 $0x2A00;
	[sflag:s14] =	ssyncadd.s32 $0xFFFFE0C0  }
0x68: {  	[spmem:s3] =	stream.indirect.scatter.add.f32 [tilespmem:s8], [sflag:$0xA], $0x40, s24, s25, $0xb8;
	[tilespmem:$0x1B760] =	vst v63  }
0x69: {  	s4 =	simm.s32 @!p0 $0x2800;
	s11 =	simm.s32 @!p0 $0x7D  }
0x6a: {  	[spmem:s2] =	stream.indirect.scatter.add.f32 @!p0 [tilespmem:s19], [sflag:$0xB], $0x10, s4, s11, $0xb8;
	[tilespmem:$0x1B760] =	vst v63  }
0x6b: {  	s4 =	simm.s32 @!p0 $0x2880  }
0x6c: {  	[spmem:s2] =	stream.indirect.scatter.add.f32 @!p0 [tilespmem:s19], [sflag:$0xB], $0x10, s4, s11, $0xb8;
	[tilespmem:$0x1B760] =	vst v63  }
0x6d: {  	s4 =	simm.s32 @!p0 $0x2900  }
0x6e: {  	[spmem:s2] =	stream.indirect.scatter.add.f32 @!p0 [tilespmem:s19], [sflag:$0xB], $0x10, s4, s11, $0xb8;
	[tilespmem:$0x1B760] =	vst v63  }
0x6f: {  	s4 =	simm.s32 @!p0 $0x2980  }
0x70: {  	[spmem:s2] =	stream.indirect.scatter.add.f32 @!p0 [tilespmem:s19], [sflag:$0xB], $0x10, s4, s11, $0xb8;
	[tilespmem:$0x1B760] =	vst v63  }
0x71: {  	s4 =	simm.s32 @!p0 $0x2A00  }
0x72: {  	[spmem:s2] =	stream.indirect.scatter.add.f32 @!p0 [tilespmem:s19], [sflag:$0xB], $0x10, s4, s11, $0xb8;
	[tilespmem:$0x1B760] =	vst v63  }
0x73: {  	_ =	swait.ge [sflag:s21], $0x1F40  }
0x74: {  	[sflag:s21] =	ssyncset.done $0x0  }
0x75: {  	s4 =	simm.s32 $0x280;
	[sflag:s21] =	ssyncadd.s32 $0xFFFFE0C0  }
0x76: {  	[tilespmem:s26], [sflag:$0x1] =	stream.indirect.gather [hbm4b:s5+s25], $0x40, s4, s25, $0xb8;
	[tilespmem:$0x1B760] =	vst v63  }
0x77: {  	_ =	swait.ge [sflag:s15], $0x1F40  }
0x78: {  	[sflag:s15] =	ssyncset.done $0x0  }
0x79: {  	s7 =	simm.s32 $0x300;
	[sflag:s15] =	ssyncadd.s32 $0xFFFFE0C0  }
0x7a: {  	[tilespmem:s29], [sflag:$0x2] =	stream.indirect.gather [hbm4b:s5+s25], $0x40, s7, s25, $0xb8;
	[tilespmem:$0x1B760] =	vst v63  }
0x7b: {  	_ =	swait.ge [sflag:s16], $0x1F40  }
0x7c: {  	[sflag:s16] =	ssyncset.done $0x0  }
0x7d: {  	s20 =	simm.s32 $0x380;
	[sflag:s16] =	ssyncadd.s32 $0xFFFFE0C0  }
0x7e: {  	[tilespmem:s31], [sflag:$0x3] =	stream.indirect.gather [hbm4b:s5+s25], $0x40, s20, s25, $0xb8;
	[tilespmem:$0x1B760] =	vst v63  }
0x7f: {  	_ =	swait.ge [sflag:s17], $0x1F40  }
0x80: {  	[sflag:s17] =	ssyncset.done $0x0  }
0x81: {  	s23 =	simm.s32 $0x400;
	[sflag:s17] =	ssyncadd.s32 $0xFFFFE0C0  }
0x82: {  	[tilespmem:s0], [sflag:$0x4] =	stream.indirect.gather [hbm4b:s5+s25], $0x40, s23, s25, $0xb8;
	[tilespmem:$0x1B760] =	vst v63  }
0x83: {  	_ =	swait.ge [sflag:s18], $0x1F40  }
0x84: {  	[sflag:s18] =	ssyncset.done $0x0  }
0x85: {  	s30 =	simm.s32 $0x0;
	s24 =	simm.s32 $0x480;
	[sflag:s18] =	ssyncadd.s32 $0xFFFFE0C0  }
0x86: {  	[tilespmem:s8], [sflag:$0x5] =	stream.indirect.gather [hbm4b:s5+s25], $0x40, s24, s25, $0xb8;
	[tilespmem:$0x1B760] =	vst v63  }
.LBB2_2:
0x87: {  	_ =	swait.ge [sflag:s9], $0x1F40  }
0x88: {  	s4 =	sshra.s32 s30, $0x2;
	[sflag:s9] =	ssyncset.done $0x0  }
0x89: {  	s23 =	sadd.s32 $0x2A80, s4;
	[sflag:s9] =	ssyncadd.s32 $0xFFFFE0C0  }
0x8a: {  	[spmem:s3] =	stream.indirect.scatter.add.f32 [tilespmem:s26], [sflag:$0x6], $0x40, s23, s25, $0xb8;
	[tilespmem:$0x1B760] =	vst v63  }
0x8b: {  	_ =	swait.ge [sflag:s10], $0x1F40  }
0x8c: {  	[sflag:s10] =	ssyncset.done $0x0  }
0x8d: {  	s24 =	sadd.s32 $0x2B00, s4;
	[sflag:s10] =	ssyncadd.s32 $0xFFFFE0C0  }
0x8e: {  	[spmem:s3] =	stream.indirect.scatter.add.f32 [tilespmem:s29], [sflag:$0x7], $0x40, s24, s25, $0xb8;
	[tilespmem:$0x1B760] =	vst v63  }
0x8f: {  	_ =	swait.ge [sflag:s12], $0x1F40  }
0x90: {  	[sflag:s12] =	ssyncset.done $0x0  }
0x91: {  	s1 =	sadd.s32 $0x2B80, s4;
	[sflag:s12] =	ssyncadd.s32 $0xFFFFE0C0  }
0x92: {  	[spmem:s3] =	stream.indirect.scatter.add.f32 [tilespmem:s31], [sflag:$0x8], $0x40, s1, s25, $0xb8;
	[tilespmem:$0x1B760] =	vst v63  }
0x93: {  	_ =	swait.ge [sflag:s13], $0x1F40  }
0x94: {  	[sflag:s13] =	ssyncset.done $0x0  }
0x95: {  	s7 =	sadd.s32 $0x2C00, s4;
	[sflag:s13] =	ssyncadd.s32 $0xFFFFE0C0  }
0x96: {  	[spmem:s3] =	stream.indirect.scatter.add.f32 [tilespmem:s0], [sflag:$0x9], $0x40, s7, s25, $0xb8;
	[tilespmem:$0x1B760] =	vst v63  }
0x97: {  	_ =	swait.ge [sflag:s14], $0x1F40  }
0x98: {  	[sflag:s14] =	ssyncset.done $0x0  }
0x99: {  	s20 =	sadd.s32 $0x2C80, s4;
	s4 =	simm.s32 @!p0 $0xB;
	[sflag:s14] =	ssyncadd.s32 $0xFFFFE0C0  }
0x9a: {  	[spmem:s3] =	stream.indirect.scatter.add.f32 [tilespmem:s8], [sflag:$0xA], $0x40, s20, s25, $0xb8;
	[tilespmem:$0x1B760] =	vst v63  }
0x9b: {  	_ =	swait.ge @!p0 [sflag:s4], $0x7D0  }
0x9c: {  	[sflag:s4] =	ssyncset.done @!p0 $0x0  }
0x9d: {  	[sflag:s4] =	ssyncadd.s32 @!p0 $0xFFFFF830  }
0x9e: {  	_ =	swait.ge @!p0 [sflag:s4], $0x7D0  }
0x9f: {  	[sflag:s4] =	ssyncset.done @!p0 $0x0  }
0xa0: {  	[sflag:s4] =	ssyncadd.s32 @!p0 $0xFFFFF830  }
0xa1: {  	_ =	swait.ge @!p0 [sflag:s4], $0x7D0  }
0xa2: {  	[sflag:s4] =	ssyncset.done @!p0 $0x0  }
0xa3: {  	[sflag:s4] =	ssyncadd.s32 @!p0 $0xFFFFF830  }
0xa4: {  	_ =	swait.ge @!p0 [sflag:s4], $0x7D0  }
0xa5: {  	[sflag:s4] =	ssyncset.done @!p0 $0x0  }
0xa6: {  	[sflag:s4] =	ssyncadd.s32 @!p0 $0xFFFFF830  }
0xa7: {  	_ =	swait.ge @!p0 [sflag:s4], $0x7D0  }
0xa8: {  	[sflag:s4] =	ssyncset.done @!p0 $0x0  }
0xa9: {  	[sflag:s4] =	ssyncadd.s32 @!p0 $0xFFFFF830  }
0xaa: {  	[spmem:s2] =	stream.indirect.scatter.add.f32 @!p0 [tilespmem:s19], [sflag:$0xB], $0x10, s23, s11, $0xb8;
	[tilespmem:$0x1B760] =	vst v63  }
0xab: {  	_ = 	snop  }
0xac: {  	[spmem:s2] =	stream.indirect.scatter.add.f32 @!p0 [tilespmem:s19], [sflag:$0xB], $0x10, s24, s11, $0xb8;
	[tilespmem:$0x1B760] =	vst v63  }
0xad: {  	_ = 	snop  }
0xae: {  	[spmem:s2] =	stream.indirect.scatter.add.f32 @!p0 [tilespmem:s19], [sflag:$0xB], $0x10, s1, s11, $0xb8;
	[tilespmem:$0x1B760] =	vst v63  }
0xaf: {  	p2 =	seq.s32 s30, $0x8C00  }
0xb0: {  	[spmem:s2] =	stream.indirect.scatter.add.f32 @!p0 [tilespmem:s19], [sflag:$0xB], $0x10, s7, s11, $0xb8;
	[tilespmem:$0x1B760] =	vst v63  }
0xb1: {  	s1 =	simm.s32 @!p2 $0x6  }
0xb2: {  	[spmem:s2] =	stream.indirect.scatter.add.f32 @!p0 [tilespmem:s19], [sflag:$0xB], $0x10, s20, s11, $0xb8;
	[tilespmem:$0x1B760] =	vst v63  }
0xb3: {  	_ =	swait.ge @!p2 [sflag:s1], $0x1F40  }
0xb4: {  	[sflag:s1] =	ssyncset.done @!p2 $0x0  }
0xb5: {  	[sflag:s1] =	ssyncadd.s32 @!p2 $0xFFFFE0C0;
	s1 =	sshra.s32 @!p2 s30, $0x2  }
0xb6: {  	s23 =	simm.s32 @!p2 $0x5000;
	s20 =	simm.s32 @!p2 $0x7D;
	s7 =	sadd.s32 @!p2 $0x500, s1  }
0xb7: {  	[tilespmem:s23], [sflag:$0x1] =	stream.indirect.gather @!p2 [hbm4b:s5+s20], $0x40, s7, s20, $0xb8;
	[tilespmem:$0x1B760] =	vst v63  }
0xb8: {  	s7 =	simm.s32 @!p2 $0x7  }
0xb9: {  	_ =	swait.ge @!p2 [sflag:s7], $0x1F40  }
0xba: {  	[sflag:s7] =	ssyncset.done @!p2 $0x0  }
0xbb: {  	s23 =	simm.s32 @!p2 $0x6F40;
	[sflag:s7] =	ssyncadd.s32 @!p2 $0xFFFFE0C0;
	s7 =	sadd.s32 @!p2 $0x580, s1  }
0xbc: {  	[tilespmem:s23], [sflag:$0x2] =	stream.indirect.gather @!p2 [hbm4b:s5+s20], $0x40, s7, s20, $0xb8;
	[tilespmem:$0x1B760] =	vst v63  }
0xbd: {  	s7 =	simm.s32 @!p2 $0x8  }
0xbe: {  	_ =	swait.ge @!p2 [sflag:s7], $0x1F40  }
0xbf: {  	[sflag:s7] =	ssyncset.done @!p2 $0x0  }
0xc0: {  	s23 =	simm.s32 @!p2 $0x8E80;
	[sflag:s7] =	ssyncadd.s32 @!p2 $0xFFFFE0C0;
	s7 =	sadd.s32 @!p2 $0x600, s1  }
0xc1: {  	[tilespmem:s23], [sflag:$0x3] =	stream.indirect.gather @!p2 [hbm4b:s5+s20], $0x40, s7, s20, $0xb8;
	[tilespmem:$0x1B760] =	vst v63  }
0xc2: {  	s7 =	simm.s32 @!p2 $0x9  }
0xc3: {  	_ =	swait.ge @!p2 [sflag:s7], $0x1F40  }
0xc4: {  	[sflag:s7] =	ssyncset.done @!p2 $0x0  }
0xc5: {  	s23 =	simm.s32 @!p2 $0xADC0;
	[sflag:s7] =	ssyncadd.s32 @!p2 $0xFFFFE0C0;
	s7 =	sadd.s32 @!p2 $0x680, s1  }
0xc6: {  	[tilespmem:s23], [sflag:$0x4] =	stream.indirect.gather @!p2 [hbm4b:s5+s20], $0x40, s7, s20, $0xb8;
	[tilespmem:$0x1B760] =	vst v63  }
0xc7: {  	s7 =	simm.s32 @!p2 $0xA  }
0xc8: {  	s30 =	sadd.s32 @!p2 $0xA00, s30;
	_ =	swait.ge @!p2 [sflag:s7], $0x1F40  }
0xc9: {  	p3 =	sne.s32 @!p2 s30, $0x9600;
	[sflag:s7] =	ssyncset.done @!p2 $0x0  }
0xca: {  	s1 =	sadd.s32 @!p2 $0x700, s1;
	[sflag:s7] =	ssyncadd.s32 @!p2 $0xFFFFE0C0;
	s7 =	simm.s32 @!p2 $0xCD00  }
0xcb: {  	[tilespmem:s7], [sflag:$0x5] =	stream.indirect.gather @!p2 [hbm4b:s5+s20], $0x40, s1, s20, $0xb8;
	[tilespmem:$0x1B760] =	vst v63  }
0xcc: {  	p2 =	por p2, !p3  }
.Ltmp0:
0xcd: {  	_ = 	snop;
	(pc) =	sbr.rel @!p2 .LBB2_2-.Ltmp0, $1  }
0xce: {  	_ =	sdelay $0x3  }
0xcf: {  	_ =	swait.ge [sflag:s21], $0x1F40  }
0xd0: {  	[sflag:s21] =	ssyncset.done $0x0  }
0xd1: {  	[sflag:s21] =	ssyncadd.s32 $0xFFFFE0C0  }
0xd2: {  	_ =	swait.ge [sflag:s15], $0x1F40  }
0xd3: {  	[sflag:s15] =	ssyncset.done $0x0  }
0xd4: {  	[sflag:s15] =	ssyncadd.s32 $0xFFFFE0C0  }
0xd5: {  	_ =	swait.ge [sflag:s16], $0x1F40  }
0xd6: {  	[sflag:s16] =	ssyncset.done $0x0  }
0xd7: {  	[sflag:s16] =	ssyncadd.s32 $0xFFFFE0C0  }
0xd8: {  	_ =	swait.ge [sflag:s17], $0x1F40  }
0xd9: {  	[sflag:s17] =	ssyncset.done $0x0  }
0xda: {  	[sflag:s17] =	ssyncadd.s32 $0xFFFFE0C0  }
0xdb: {  	_ =	swait.ge [sflag:s18], $0x1F40  }
0xdc: {  	[sflag:s18] =	ssyncset.done $0x0  }
0xdd: {  	[sflag:s18] =	ssyncadd.s32 $0xFFFFE0C0  }
0xde: {  	_ =	swait.ge @!p0 [sflag:s4], $0x7D0  }
0xdf: {  	[sflag:s4] =	ssyncset.done @!p0 $0x0  }
0xe0: {  	[sflag:s4] =	ssyncadd.s32 @!p0 $0xFFFFF830  }
0xe1: {  	_ =	swait.ge @!p0 [sflag:s4], $0x7D0  }
0xe2: {  	[sflag:s4] =	ssyncset.done @!p0 $0x0  }
0xe3: {  	[sflag:s4] =	ssyncadd.s32 @!p0 $0xFFFFF830  }
0xe4: {  	_ =	swait.ge @!p0 [sflag:s4], $0x7D0  }
0xe5: {  	[sflag:s4] =	ssyncset.done @!p0 $0x0  }
0xe6: {  	[sflag:s4] =	ssyncadd.s32 @!p0 $0xFFFFF830  }
0xe7: {  	_ =	swait.ge @!p0 [sflag:s4], $0x7D0  }
0xe8: {  	[sflag:s4] =	ssyncset.done @!p0 $0x0  }
0xe9: {  	[sflag:s4] =	ssyncadd.s32 @!p0 $0xFFFFF830  }
0xea: {  	_ =	swait.ge @!p0 [sflag:s4], $0x7D0  }
0xeb: {  	[sflag:s4] =	ssyncset.done @!p0 $0x0  }
0xec: {  	[sflag:s4] =	ssyncadd.s32 @!p0 $0xFFFFF830  }
0xed: {  	[bflag:$0x0] =	sbarrier.arrive $0xFFFF  }
0xee: {  	s1 =	simm.s32 $0x0;
	s24 =	rddreg [dreg:$0xe]  }
0xef: {  	[tilespmem:s1], [sflag:$0xC] =	stream.linear.gather [hbm4b:s24+s1], $0x2800, $0x38;
	[tilespmem:$0x1B760] =	vst v63  }
0xf0: {  	_ =	swait.ge [sflag:s22], $0x2800  }
0xf1: {  	[sflag:s22] =	ssyncset.done $0x0  }
0xf2: {  	[sflag:s22] =	ssyncadd.s32 $0xFFFFD800  }
0xf3: {  	[tilespmem:s26], [sflag:$0x1] =	stream.indirect.gather [hbm4b:s5+s25], $0x40, s1, s25, $0xb8;
	[tilespmem:$0x1B760] =	vst v63  }
0xf4: {  	s23 =	simm.s32 $0x80  }
0xf5: {  	[tilespmem:s29], [sflag:$0x2] =	stream.indirect.gather [hbm4b:s5+s25], $0x40, s23, s25, $0xb8;
	[tilespmem:$0x1B760] =	vst v63  }
0xf6: {  	s24 =	simm.s32 $0x100  }
0xf7: {  	[tilespmem:s31], [sflag:$0x3] =	stream.indirect.gather [hbm4b:s5+s25], $0x40, s24, s25, $0xb8;
	[tilespmem:$0x1B760] =	vst v63  }
0xf8: {  	s30 =	simm.s32 $0x180;
	s7 =	rddreg [dreg:$0xf]  }
0xf9: {  	[tilespmem:s0], [sflag:$0x4] =	stream.indirect.gather [hbm4b:s5+s25], $0x40, s30, s25, $0xb8;
	[tilespmem:$0x1B760] =	vst v63  }
0xfa: {  	s11 =	simm.s32 $0x10;
	s4 =	simm.s32 $0x200;
	s19 =	rddreg [dreg:$0x15]  }
0xfb: {  	[tilespmem:s8], [sflag:$0x5] =	stream.indirect.gather [hbm4b:s5+s25], $0x40, s4, s25, $0xb8;
	[tilespmem:$0x1B760] =	vst v63  }
0xfc: {  	[hbm:s7@s11], [sflag:s28] =	dma.strided [spmem:s19@s16], $0x1388, s9, $0x8   }
0xfd: {  	_ =	swait.ge [sflag:s22], $0x1388  }
0xfe: {  	[sflag:s22] =	ssyncset.done $0x0  }
0xff: {  	[sflag:s22] =	ssyncadd.s32 $0xFFFFEC78  }
0x100: {  	[spmem:s19], [sflag:s28] =	dma.local [hbm:s6], $0x3E8  }
0x101: {  	_ =	swait.ge [sflag:s22], $0x3E8  }
0x102: {  	[sflag:s22] =	ssyncset.done $0x0  }
0x103: {  	s20 =	rddreg [dreg:$0x16];
	[sflag:s22] =	ssyncadd.s32 $0xFFFFFC18  }
0x104: {  	[spmem:s20], [sflag:s28] =	dma.local [hbm:s6], $0x3E8  }
0x105: {  	_ =	swait.ge [sflag:s22], $0x3E8  }
0x106: {  	[sflag:s22] =	ssyncset.done $0x0  }
0x107: {  	s4 =	rddreg [dreg:$0x17];
	[sflag:s22] =	ssyncadd.s32 $0xFFFFFC18  }
0x108: {  	[spmem:s4], [sflag:s28] =	dma.local [hbm:s6], $0x3E8  }
0x109: {  	_ =	swait.ge [sflag:s22], $0x3E8  }
0x10a: {  	[sflag:s22] =	ssyncset.done $0x0  }
0x10b: {  	s7 =	rddreg [dreg:$0x18];
	[sflag:s22] =	ssyncadd.s32 $0xFFFFFC18  }
0x10c: {  	[spmem:s7], [sflag:s28] =	dma.local [hbm:s6], $0x3E8  }
0x10d: {  	_ =	swait.ge [sflag:s22], $0x3E8  }
0x10e: {  	[sflag:s22] =	ssyncset.done $0x0  }
0x10f: {  	s20 =	rddreg [dreg:$0x19];
	[sflag:s22] =	ssyncadd.s32 $0xFFFFFC18  }
0x110: {  	[spmem:s20], [sflag:s28] =	dma.local [hbm:s6], $0x3E8  }
0x111: {  	_ =	swait.ge [sflag:s22], $0x3E8  }
0x112: {  	[sflag:s22] =	ssyncset.done $0x0  }
0x113: {  	[sflag:s22] =	ssyncadd.s32 $0xFFFFFC18  }
0x114: {  	[bflag:$0x0] =	sbarrier.arrive $0xFFFF  }
0x115: {  	_ =	swait.ge [sflag:s9], $0x1F40  }
0x116: {  	[sflag:s9] =	ssyncset.done $0x0  }
0x117: {  	s4 =	simm.s32 $0x2800;
	[sflag:s9] =	ssyncadd.s32 $0xFFFFE0C0  }
0x118: {  	[spmem:s3] =	stream.indirect.scatter.add.f32 [tilespmem:s26], [sflag:$0x6], $0x40, s4, s25, $0xb8;
	[tilespmem:$0x1B760] =	vst v63  }
0x119: {  	_ =	swait.ge [sflag:s10], $0x1F40  }
0x11a: {  	[sflag:s10] =	ssyncset.done $0x0  }
0x11b: {  	s7 =	simm.s32 $0x2880;
	[sflag:s10] =	ssyncadd.s32 $0xFFFFE0C0  }
0x11c: {  	[spmem:s3] =	stream.indirect.scatter.add.f32 [tilespmem:s29], [sflag:$0x7], $0x40, s7, s25, $0xb8;
	[tilespmem:$0x1B760] =	vst v63  }
0x11d: {  	_ =	swait.ge [sflag:s12], $0x1F40  }
0x11e: {  	[sflag:s12] =	ssyncset.done $0x0  }
0x11f: {  	s20 =	simm.s32 $0x2900;
	[sflag:s12] =	ssyncadd.s32 $0xFFFFE0C0  }
0x120: {  	[spmem:s3] =	stream.indirect.scatter.add.f32 [tilespmem:s31], [sflag:$0x8], $0x40, s20, s25, $0xb8;
	[tilespmem:$0x1B760] =	vst v63  }
0x121: {  	_ =	swait.ge [sflag:s13], $0x1F40  }
0x122: {  	[sflag:s13] =	ssyncset.done $0x0  }
0x123: {  	s4 =	simm.s32 $0x2980;
	[sflag:s13] =	ssyncadd.s32 $0xFFFFE0C0  }
0x124: {  	[spmem:s3] =	stream.indirect.scatter.add.f32 [tilespmem:s0], [sflag:$0x9], $0x40, s4, s25, $0xb8;
	[tilespmem:$0x1B760] =	vst v63  }
0x125: {  	_ =	swait.ge [sflag:s14], $0x1F40  }
0x126: {  	[sflag:s14] =	ssyncset.done $0x0  }
0x127: {  	s7 =	simm.s32 $0x2A00;
	[sflag:s14] =	ssyncadd.s32 $0xFFFFE0C0  }
0x128: {  	[spmem:s3] =	stream.indirect.scatter.add.f32 [tilespmem:s8], [sflag:$0xA], $0x40, s7, s25, $0xb8;
	[tilespmem:$0x1B760] =	vst v63  }
0x129: {  	_ =	swait.ge [sflag:s21], $0x1F40  }
0x12a: {  	[sflag:s21] =	ssyncset.done $0x0  }
0x12b: {  	s20 =	simm.s32 $0x280;
	[sflag:s21] =	ssyncadd.s32 $0xFFFFE0C0  }
0x12c: {  	[tilespmem:s26], [sflag:$0x1] =	stream.indirect.gather [hbm4b:s5+s25], $0x40, s20, s25, $0xb8;
	[tilespmem:$0x1B760] =	vst v63  }
0x12d: {  	_ =	swait.ge [sflag:s15], $0x1F40  }
0x12e: {  	[sflag:s15] =	ssyncset.done $0x0  }
0x12f: {  	s4 =	simm.s32 $0x300;
	[sflag:s15] =	ssyncadd.s32 $0xFFFFE0C0  }
0x130: {  	[tilespmem:s29], [sflag:$0x2] =	stream.indirect.gather [hbm4b:s5+s25], $0x40, s4, s25, $0xb8;
	[tilespmem:$0x1B760] =	vst v63  }
0x131: {  	_ =	swait.ge [sflag:s16], $0x1F40  }
0x132: {  	[sflag:s16] =	ssyncset.done $0x0  }
0x133: {  	s7 =	simm.s32 $0x380;
	[sflag:s16] =	ssyncadd.s32 $0xFFFFE0C0  }
0x134: {  	[tilespmem:s31], [sflag:$0x3] =	stream.indirect.gather [hbm4b:s5+s25], $0x40, s7, s25, $0xb8;
	[tilespmem:$0x1B760] =	vst v63  }
0x135: {  	_ =	swait.ge [sflag:s17], $0x1F40  }
0x136: {  	[sflag:s17] =	ssyncset.done $0x0  }
0x137: {  	s20 =	simm.s32 $0x400;
	[sflag:s17] =	ssyncadd.s32 $0xFFFFE0C0  }
0x138: {  	[tilespmem:s0], [sflag:$0x4] =	stream.indirect.gather [hbm4b:s5+s25], $0x40, s20, s25, $0xb8;
	[tilespmem:$0x1B760] =	vst v63  }
0x139: {  	_ =	swait.ge [sflag:s18], $0x1F40  }
0x13a: {  	[sflag:s18] =	ssyncset.done $0x0  }
0x13b: {  	s1 =	simm.s32 $0xA00;
	s4 =	simm.s32 $0x480;
	[sflag:s18] =	ssyncadd.s32 $0xFFFFE0C0  }
.LBB2_4:
0x13c: {  	[tilespmem:s8], [sflag:$0x5] =	stream.indirect.gather [hbm4b:s5+s25], $0x40, s4, s25, $0xb8;
	[tilespmem:$0x1B760] =	vst v63  }
0x13d: {  	s4 =	smov.u32 s1  }
0x13e: {  	p2 =	sne.s32 s1, $0x8C00;
	s1 =	sadd.s32 $0xA00, s1;
	_ =	swait.ge [sflag:s9], $0x1F40  }
0x13f: {  	s4 =	sshra.s32 s4, $0x2;
	[sflag:s9] =	ssyncset.done $0x0  }
0x140: {  	s7 =	sadd.s32 $0x2800, s4;
	[sflag:s9] =	ssyncadd.s32 $0xFFFFE0C0  }
0x141: {  	[spmem:s3] =	stream.indirect.scatter.add.f32 [tilespmem:s26], [sflag:$0x6], $0x40, s7, s25, $0xb8;
	[tilespmem:$0x1B760] =	vst v63  }
0x142: {  	_ =	swait.ge [sflag:s10], $0x1F40  }
0x143: {  	[sflag:s10] =	ssyncset.done $0x0  }
0x144: {  	s7 =	sadd.s32 $0x2880, s4;
	[sflag:s10] =	ssyncadd.s32 $0xFFFFE0C0  }
0x145: {  	[spmem:s3] =	stream.indirect.scatter.add.f32 [tilespmem:s29], [sflag:$0x7], $0x40, s7, s25, $0xb8;
	[tilespmem:$0x1B760] =	vst v63  }
0x146: {  	_ =	swait.ge [sflag:s12], $0x1F40  }
0x147: {  	[sflag:s12] =	ssyncset.done $0x0  }
0x148: {  	s7 =	sadd.s32 $0x2900, s4;
	[sflag:s12] =	ssyncadd.s32 $0xFFFFE0C0  }
0x149: {  	[spmem:s3] =	stream.indirect.scatter.add.f32 [tilespmem:s31], [sflag:$0x8], $0x40, s7, s25, $0xb8;
	[tilespmem:$0x1B760] =	vst v63  }
0x14a: {  	_ =	swait.ge [sflag:s13], $0x1F40  }
0x14b: {  	[sflag:s13] =	ssyncset.done $0x0  }
0x14c: {  	s7 =	sadd.s32 $0x2980, s4;
	[sflag:s13] =	ssyncadd.s32 $0xFFFFE0C0  }
0x14d: {  	[spmem:s3] =	stream.indirect.scatter.add.f32 [tilespmem:s0], [sflag:$0x9], $0x40, s7, s25, $0xb8;
	[tilespmem:$0x1B760] =	vst v63  }
0x14e: {  	_ =	swait.ge [sflag:s14], $0x1F40  }
0x14f: {  	[sflag:s14] =	ssyncset.done $0x0  }
0x150: {  	s7 =	sadd.s32 $0x2A00, s4;
	[sflag:s14] =	ssyncadd.s32 $0xFFFFE0C0  }
0x151: {  	[spmem:s3] =	stream.indirect.scatter.add.f32 [tilespmem:s8], [sflag:$0xA], $0x40, s7, s25, $0xb8;
	[tilespmem:$0x1B760] =	vst v63  }
0x152: {  	_ =	swait.ge [sflag:s21], $0x1F40  }
0x153: {  	[sflag:s21] =	ssyncset.done $0x0  }
0x154: {  	s7 =	sadd.s32 $0x280, s4;
	[sflag:s21] =	ssyncadd.s32 $0xFFFFE0C0  }
0x155: {  	[tilespmem:s26], [sflag:$0x1] =	stream.indirect.gather [hbm4b:s5+s25], $0x40, s7, s25, $0xb8;
	[tilespmem:$0x1B760] =	vst v63  }
0x156: {  	_ =	swait.ge [sflag:s15], $0x1F40  }
0x157: {  	[sflag:s15] =	ssyncset.done $0x0  }
0x158: {  	s7 =	sadd.s32 $0x300, s4;
	[sflag:s15] =	ssyncadd.s32 $0xFFFFE0C0  }
0x159: {  	[tilespmem:s29], [sflag:$0x2] =	stream.indirect.gather [hbm4b:s5+s25], $0x40, s7, s25, $0xb8;
	[tilespmem:$0x1B760] =	vst v63  }
0x15a: {  	_ =	swait.ge [sflag:s16], $0x1F40  }
0x15b: {  	[sflag:s16] =	ssyncset.done $0x0  }
0x15c: {  	s7 =	sadd.s32 $0x380, s4;
	[sflag:s16] =	ssyncadd.s32 $0xFFFFE0C0  }
0x15d: {  	[tilespmem:s31], [sflag:$0x3] =	stream.indirect.gather [hbm4b:s5+s25], $0x40, s7, s25, $0xb8;
	[tilespmem:$0x1B760] =	vst v63  }
0x15e: {  	_ =	swait.ge [sflag:s17], $0x1F40  }
0x15f: {  	[sflag:s17] =	ssyncset.done $0x0  }
.Ltmp1:
0x160: {  	s7 =	sadd.s32 $0x400, s4;
	[sflag:s17] =	ssyncadd.s32 $0xFFFFE0C0;
	(pc) =	sbr.rel @p2 .LBB2_4-.Ltmp1, $4  }
0x161: {  	[tilespmem:s0], [sflag:$0x4] =	stream.indirect.gather [hbm4b:s5+s25], $0x40, s7, s25, $0xb8;
	[tilespmem:$0x1B760] =	vst v63  }
0x162: {  	_ =	swait.ge [sflag:s18], $0x1F40  }
0x163: {  	[sflag:s18] =	ssyncset.done $0x0  }
0x164: {  	s4 =	sadd.s32 $0x480, s4;
	[sflag:s18] =	ssyncadd.s32 $0xFFFFE0C0  }
0x165: {  	[tilespmem:s8], [sflag:$0x5] =	stream.indirect.gather [hbm4b:s5+s25], $0x40, s4, s25, $0xb8;
	[tilespmem:$0x1B760] =	vst v63  }
0x166: {  	_ =	swait.ge [sflag:s9], $0x1F40  }
0x167: {  	[sflag:s9] =	ssyncset.done $0x0  }
0x168: {  	s1 =	simm.s32 $0x4D80;
	[sflag:s9] =	ssyncadd.s32 $0xFFFFE0C0  }
0x169: {  	[spmem:s3] =	stream.indirect.scatter.add.f32 [tilespmem:s26], [sflag:$0x6], $0x40, s1, s25, $0xb8;
	[tilespmem:$0x1B760] =	vst v63  }
0x16a: {  	_ =	swait.ge [sflag:s10], $0x1F40  }
0x16b: {  	[sflag:s10] =	ssyncset.done $0x0  }
0x16c: {  	s7 =	simm.s32 $0x4E00;
	[sflag:s10] =	ssyncadd.s32 $0xFFFFE0C0  }
0x16d: {  	[spmem:s3] =	stream.indirect.scatter.add.f32 [tilespmem:s29], [sflag:$0x7], $0x40, s7, s25, $0xb8;
	[tilespmem:$0x1B760] =	vst v63  }
0x16e: {  	_ =	swait.ge [sflag:s12], $0x1F40  }
0x16f: {  	[sflag:s12] =	ssyncset.done $0x0  }
0x170: {  	s20 =	simm.s32 $0x4E80;
	[sflag:s12] =	ssyncadd.s32 $0xFFFFE0C0  }
0x171: {  	[spmem:s3] =	stream.indirect.scatter.add.f32 [tilespmem:s31], [sflag:$0x8], $0x40, s20, s25, $0xb8;
	[tilespmem:$0x1B760] =	vst v63  }
0x172: {  	_ =	swait.ge [sflag:s13], $0x1F40  }
0x173: {  	[sflag:s13] =	ssyncset.done $0x0  }
0x174: {  	s4 =	simm.s32 $0x4F00;
	[sflag:s13] =	ssyncadd.s32 $0xFFFFE0C0  }
0x175: {  	[spmem:s3] =	stream.indirect.scatter.add.f32 [tilespmem:s0], [sflag:$0x9], $0x40, s4, s25, $0xb8;
	[tilespmem:$0x1B760] =	vst v63  }
0x176: {  	_ =	swait.ge [sflag:s14], $0x1F40  }
0x177: {  	[sflag:s14] =	ssyncset.done $0x0  }
0x178: {  	s7 =	simm.s32 $0x4F80;
	[sflag:s14] =	ssyncadd.s32 $0xFFFFE0C0  }
0x179: {  	[spmem:s3] =	stream.indirect.scatter.add.f32 [tilespmem:s8], [sflag:$0xA], $0x40, s7, s25, $0xb8;
	[tilespmem:$0x1B760] =	vst v63  }
0x17a: {  	_ =	swait.ge [sflag:s21], $0x1F40  }
0x17b: {  	[sflag:s21] =	ssyncset.done $0x0  }
0x17c: {  	[sflag:s21] =	ssyncadd.s32 $0xFFFFE0C0  }
0x17d: {  	_ =	swait.ge [sflag:s15], $0x1F40  }
0x17e: {  	[sflag:s15] =	ssyncset.done $0x0  }
0x17f: {  	[sflag:s15] =	ssyncadd.s32 $0xFFFFE0C0  }
0x180: {  	_ =	swait.ge [sflag:s16], $0x1F40  }
0x181: {  	[sflag:s16] =	ssyncset.done $0x0  }
0x182: {  	[sflag:s16] =	ssyncadd.s32 $0xFFFFE0C0  }
0x183: {  	_ =	swait.ge [sflag:s17], $0x1F40  }
0x184: {  	[sflag:s17] =	ssyncset.done $0x0  }
0x185: {  	[sflag:s17] =	ssyncadd.s32 $0xFFFFE0C0  }
0x186: {  	_ =	swait.ge [sflag:s18], $0x1F40  }
0x187: {  	[sflag:s18] =	ssyncset.done $0x0  }
0x188: {  	[sflag:s18] =	ssyncadd.s32 $0xFFFFE0C0  }
0x189: {  	[bflag:$0x0] =	sbarrier.arrive $0xFFFF  }
0x18a: {  	s20 =	rddreg [dreg:$0x10]  }
0x18b: {  	[hbm:s20@s11], [sflag:s28] =	dma.strided [spmem:s19@s16], $0x1388, s9, $0x8   }
0x18c: {  	_ =	swait.ge [sflag:s22], $0x1388  }
0x18d: {  	[sflag:s22] =	ssyncset.done $0x0  }
0x18e: {  	s1 =	sshrl.u32 @!p1 s2, $0x3;
	s4 =	rddreg [dreg:$0x6];
	[sflag:s22] =	ssyncadd.s32 $0xFFFFEC78  }
0x18f: {  	[hbm:s4], [sflag:s28] =	dma.local @!p1 [spmem:s1], $0x4E20  }
0x190: {  	s1 =	simm.s32 @!p1 $0xC  }
0x191: {  	_ =	swait.ge @!p1 [sflag:s1], $0x4E20  }
0x192: {  	s7 =	rddreg [dreg:$0x14]  }
0x193: {  	s28 =	rddreg [dreg:$0x11];
	s7 =	sadd.s32 $0x1, s7  }
0x194: {  	p2 =	sne.s32 s7, s28  }
.Ltmp2:
0x195: {  	_ = 	snop;
	(pc) =	sbr.rel @p2 .LBB2_1-.Ltmp2, $3  }
0x196: {  	_ =	sdelay $0x1  }
0x197: {  	[sflag:s1] =	ssyncset.done @!p1 $0x0  }
0x198: {  	[sflag:s1] =	ssyncadd.s32 @!p1 $0xFFFFB1E0  }
0x199: {  	_ =	sfence.sel $0x180000  }
0x19a: {  	[bflag:$0x0] =	sbarrier.arrive $0xFFFF  }
0x19b: {  	_ =	strace $0x90000047  }
0x19c: {  	s0 =	stileid.u32;
	[bflag:$0x2] =	sbarrier.arrive $0xFFFF  }
0x19d: {  	p0 =	sne.s32 s0, $0x0;
	s0 =	rddreg [dreg:$0x3]  }
0x19e: {  	s0 =	sadd.s32 @!p0 $0x100000, s0  }
0x19f: {  	[sflag:s0] =	ssyncadd.tile.s32 @!p0 $0x1;
	_ =	shalt  }
.Lfunc_end2:
_tile_overlayer_lowered:
.L_overlay_start_2:
0x1a0: {  	(tag) =	ssettag $0x2  }
0x1a1: {  	s0 =	rddreg [dreg:$0x0];
	s2 =	stileid.u32  }
0x1a2: {  	s1 =	rddreg [dreg:$0x1];
	p0 =	sne.s32 s2, $0x0  }
0x1a3: {  	s3 =	rddreg [dreg:$0x2];
	[bflag:$0x3] =	sbarrier.arrive $0xFFFF;
	s2 =	simm.s32 @!p0 $0x1C0C  }
0x1a4: {  	[timem:s3], [sflag:s2] =	dma.local @!p0 [hbm:s0], s1  }
0x1a5: {  	s0 =	simm.s32 @!p0 $0xC  }
0x1a6: {  	_ =	swait.ge @!p0 [sflag:s0], s1  }
0x1a7: {  	s1 =	ssub.s32 @!p0 $0x0, s1;
	[sflag:s0] =	ssyncset.done @!p0 $0x0  }
0x1a8: {  	[sflag:s0] =	ssyncadd.s32 @!p0 s1  }
0x1a9: {  	[bflag:$0x3] =	sbarrier.arrive $0xFFFF  }
0x1aa: {  	_ =	shalt  }

</sc_bundles>
